<compile_context>
chip_gen: v7x
topology: tpu7x:2x2x1
jax: 0.10.2.dev20260603
libtpu: 0.0.44.dev20260713+nightly
codegen_flags: <defaults>
</compile_context>

<pallas_src>
import functools

import jax
import jax.numpy as jnp
from jax import lax
from jax.experimental import pallas as pl
from jax.experimental.pallas import tpu as pltpu
from jax.experimental.pallas import tpu_sc as plsc

N = 10000
E = 320000
R = 16
NB = 8
DIN = 128
DOUT = 128

NC = 2
NS = 16
EPC = E // NC
EPT = EPC // NS
CEPT = E // NS
CH = 80
RN = R * N
RNT = RN // NS
NG = N // 8
IB = 2000



def _w_body(comp_ref, bases_ref, w_ref):
    w_ref[...] = jnp.dot(comp_ref[...], bases_ref[...],
                         preferred_element_type=jnp.float32)


def _make_w(comp, bases2):
    return pl.pallas_call(
        _w_body,
        out_shape=jax.ShapeDtypeStruct((R, DIN * DOUT), jnp.float32),
    )(comp, bases2)



BN = 1000
NBLK = N // BN


def _z_body(x_ref, w_ref, root_ref, bias_ref, z_ref, rp_ref):
    r = pl.program_id(1)
    xb = x_ref[...]
    z_ref[0] = jnp.dot(xb, w_ref[0], preferred_element_type=jnp.float32)

    @pl.when(r == 0)
    def _():
        rp_ref[...] = (jnp.dot(xb, root_ref[...],
                               preferred_element_type=jnp.float32)
                       + bias_ref[...])


def _make_z(x, w, root, bias2):
    return pl.pallas_call(
        _z_body,
        grid=(NBLK, R),
        in_specs=[
            pl.BlockSpec((BN, DIN), lambda nb, r: (nb, 0)),
            pl.BlockSpec((1, DIN, DOUT), lambda nb, r: (r, 0, 0)),
            pl.BlockSpec((DIN, DOUT), lambda nb, r: (0, 0)),
            pl.BlockSpec((1, DOUT), lambda nb, r: (0, 0)),
        ],
        out_specs=[
            pl.BlockSpec((1, BN, DOUT), lambda nb, r: (r, nb, 0)),
            pl.BlockSpec((BN, DOUT), lambda nb, r: (nb, 0)),
        ],
        out_shape=[
            jax.ShapeDtypeStruct((R, N, DOUT), jnp.float32),
            jax.ShapeDtypeStruct((N, DOUT), jnp.float32),
        ],
    )(x, w, root, bias2)



_sc_mesh = plsc.VectorSubcoreMesh(core_axis_name="c", subcore_axis_name="s")


@functools.partial(
    pl.kernel,
    out_type=jax.ShapeDtypeStruct((NC * RN,), jnp.float32),
    mesh=_sc_mesh,
    compiler_params=pltpu.CompilerParams(needs_layout_passes=False),
    scratch_types=[
        pltpu.VMEM_SHARED((RN,), jnp.float32),
        pltpu.VMEM((CH,), jnp.int32),
        pltpu.VMEM((CH,), jnp.int32),
        pltpu.VMEM((CH,), jnp.int32),
        pltpu.VMEM((CH,), jnp.int32),
        pltpu.VMEM((CH,), jnp.float32),
        pltpu.VMEM((IB,), jnp.float32),
        pltpu.SemaphoreType.DMA,
        pltpu.SemaphoreType.DMA,
        pltpu.SemaphoreType.DMA,
        pltpu.SemaphoreType.DMA,
    ],
)
def _sc_cnt(pk_hbm, out_hbm,
            cnt_sh, pb0, pb1, cb0, cb1, onesb, invb,
            sg0, sg1, ss0, ss1):
    cid = lax.axis_index("c")
    sid = lax.axis_index("s")
    m14 = jnp.full((16,), 16383, jnp.int32)

    def _z16(i, _):
        invb[pl.ds(i * 16, 16)] = jnp.zeros((16,), jnp.float32)
        return 0
    lax.fori_loop(0, IB // 16, _z16, 0)

    for i in range(CH // 16):
        onesb[pl.ds(i * 16, 16)] = jnp.ones((16,), jnp.float32)

    for h in range(RNT // IB):
        pltpu.sync_copy(invb, cnt_sh.at[pl.ds(sid * RNT + h * IB, IB)])
    plsc.subcore_barrier()

    ebase = cid * EPC + sid * EPT

    def _cload(c, pbp, sgp):
        pltpu.async_copy(pk_hbm.at[pl.ds(ebase + c * CH, CH)], pbp, sgp)

    def _ccount(c, pbp, sbp, sgp, ssp, wait_scatter):
        pltpu.make_async_copy(pk_hbm.at[pl.ds(0, CH)], pbp, sgp).wait()
        if wait_scatter:
            pltpu.make_async_copy(onesb, cnt_sh.at[sbp], ssp).wait()

        @plsc.parallel_loop(0, CH // 16, 1, unroll=5)
        def _mk(i):
            sl = pl.ds(i * 16, 16)
            w_ = pbp[sl]
            t = lax.shift_right_logical(w_, 28)
            sbp[sl] = t * N + (w_ & m14)
        pltpu.async_copy(onesb, cnt_sh.at[sbp], ssp, add=True)

    cslot0 = (pb0, cb0, sg0, ss0)
    cslot1 = (pb1, cb1, sg1, ss1)
    CNCH = EPT // CH

    _cload(0, pb0, sg0)
    _cload(1, pb1, sg1)
    _ccount(0, *cslot0, wait_scatter=False)
    _cload(2, pb0, sg0)
    _ccount(1, *cslot1, wait_scatter=False)
    _cload(3, pb1, sg1)

    def _cpipe(k, _):
        _ccount(2 * k + 2, *cslot0, wait_scatter=True)

        @pl.when(2 * k + 4 < CNCH)
        def _():
            _cload(2 * k + 4, pb0, sg0)
        _ccount(2 * k + 3, *cslot1, wait_scatter=True)

        @pl.when(2 * k + 5 < CNCH)
        def _():
            _cload(2 * k + 5, pb1, sg1)
        return 0
    lax.fori_loop(0, (CNCH - 2) // 2, _cpipe, 0)
    _ccount(CNCH - 1, *cslot0, wait_scatter=True)
    pltpu.make_async_copy(onesb, cnt_sh.at[cb0], ss0).wait()
    pltpu.make_async_copy(onesb, cnt_sh.at[cb1], ss1).wait()
    plsc.subcore_barrier()

    for h in range(RNT // IB):
        off = sid * RNT + h * IB
        pltpu.sync_copy(cnt_sh.at[pl.ds(off, IB)], invb)
        pltpu.sync_copy(invb, out_hbm.at[pl.ds(cid * RN + off, IB)])



def _inv_body(parts_ref, inv_ref):
    inv_ref[...] = 1.0 / jnp.maximum(parts_ref[0] + parts_ref[1], 1.0)


def _cnt_inv(parts):
    return pl.pallas_call(
        _inv_body,
        out_shape=jax.ShapeDtypeStruct((RN // DOUT, DOUT), jnp.float32),
    )(parts)



@functools.partial(
    pl.kernel,
    out_type=jax.ShapeDtypeStruct((NC, N, DOUT), jnp.float32),
    mesh=_sc_mesh,
    compiler_params=pltpu.CompilerParams(needs_layout_passes=False),
    scratch_types=[
        pltpu.VMEM_SHARED((N, DOUT), jnp.float32),
        pltpu.VMEM((CH,), jnp.int32),
        pltpu.VMEM((CH,), jnp.int32),
        pltpu.VMEM((CH,), jnp.int32),
        pltpu.VMEM((CH,), jnp.int32),
        pltpu.VMEM((CH,), jnp.int32),
        pltpu.VMEM((CH,), jnp.int32),
        pltpu.VMEM((CH,), jnp.float32),
        pltpu.VMEM((CH,), jnp.float32),
        pltpu.VMEM((CH,), jnp.int32),
        pltpu.VMEM((CH,), jnp.int32),
        pltpu.VMEM((CH, DOUT), jnp.float32),
        pltpu.VMEM((CH, DOUT), jnp.float32),
        pltpu.SemaphoreType.DMA,
        pltpu.SemaphoreType.DMA,
        pltpu.SemaphoreType.DMA,
        pltpu.SemaphoreType.DMA,
        pltpu.SemaphoreType.DMA,
        pltpu.SemaphoreType.DMA,
        pltpu.SemaphoreType.DMA,
        pltpu.SemaphoreType.DMA,
    ],
)
def _sc_agg(pk_hbm, z_hbm, inv_hbm, out_hbm,
            agg_sh, pb0, pb1,
            gb0, gb1, db0, db1, wb0, wb1, sb0, sb1,
            rows0, rows1, sg0, sg1, ss0, ss1, sw0, sw1, sp0, sp1):
    cid = lax.axis_index("c")
    sid = lax.axis_index("s")
    m14 = jnp.full((16,), 16383, jnp.int32)

    def _zrow(i, _):
        for k in range(DOUT // 16):
            rows0[i, pl.ds(k * 16, 16)] = jnp.zeros((16,), jnp.float32)
        return 0
    lax.fori_loop(0, CH, _zrow, 0)

    def _zagg(k, _):
        g = k * NS + sid

        @pl.when(g < NG)
        def _():
            pltpu.sync_copy(rows0.at[pl.ds(0, 8)],
                            agg_sh.at[pl.ds(g * 8, 8)])
        return 0
    lax.fori_loop(0, (NG + NS - 1) // NS, _zagg, 0)
    plsc.subcore_barrier()

    ebase = cid * EPC + sid * EPT

    def _prep_fire(c, pbp, gbp, dbp, wbp, sbp, rowsp, sgp, ssp, swp, spp,
                   wait_scatter):
        if wait_scatter:
            pltpu.make_async_copy(rowsp, agg_sh.at[dbp], ssp).wait()

        pltpu.make_async_copy(pk_hbm.at[pl.ds(0, CH)], pbp, spp).wait()

        @plsc.parallel_loop(0, CH // 16, 1, unroll=5)
        def _mk(i):
            sl = pl.ds(i * 16, 16)
            w_ = pbp[sl]
            t = lax.shift_right_logical(w_, 28)
            d = w_ & m14
            gbp[sl] = t * N + (lax.shift_right_logical(w_, 14) & m14)
            dbp[sl] = d
            sbp[sl] = t * N + d
        pltpu.async_copy(inv_hbm.at[sbp], wbp, swp)
        pltpu.async_copy(z_hbm.at[gbp], rowsp, sgp)

        @pl.when(c + 2 < NCH)
        def _():
            pltpu.async_copy(
                pk_hbm.at[pl.ds(ebase + (c + 2) * CH, CH)], pbp, spp)

    def _consume(pbp, gbp, dbp, wbp, sbp, rowsp, sgp, ssp, swp, spp):
        del pbp, spp
        pltpu.make_async_copy(inv_hbm.at[sbp], wbp, swp).wait()
        pltpu.make_async_copy(z_hbm.at[gbp], rowsp, sgp).wait()

        @plsc.parallel_loop(0, CH, 1, unroll=4)
        def _scale(j):
            wsp = plsc.load_gather(wbp, [jnp.full((16,), j, jnp.int32)])
            for k in range(DOUT // 16):
                sl = pl.ds(k * 16, 16)
                rowsp[j, sl] = rowsp[j, sl] * wsp
        pltpu.async_copy(rowsp, agg_sh.at[dbp], ssp, add=True)

    slot0 = (pb0, gb0, db0, wb0, sb0, rows0, sg0, ss0, sw0, sp0)
    slot1 = (pb1, gb1, db1, wb1, sb1, rows1, sg1, ss1, sw1, sp1)
    NCH = EPT // CH

    pltpu.async_copy(pk_hbm.at[pl.ds(ebase, CH)], pb0, sp0)
    pltpu.async_copy(pk_hbm.at[pl.ds(ebase + CH, CH)], pb1, sp1)
    _prep_fire(0, *slot0, wait_scatter=False)
    _prep_fire(1, *slot1, wait_scatter=False)

    def _pipe(k, _):
        _consume(*slot0)
        _prep_fire(2 * k + 2, *slot0, wait_scatter=True)
        _consume(*slot1)

        @pl.when(2 * k + 3 < NCH)
        def _():
            _prep_fire(2 * k + 3, *slot1, wait_scatter=True)
        return 0
    lax.fori_loop(0, (NCH - 1) // 2, _pipe, 0)
    _consume(*slot0)
    pltpu.make_async_copy(rows0, agg_sh.at[db0], ss0).wait()
    pltpu.make_async_copy(rows1, agg_sh.at[db1], ss1).wait()
    plsc.subcore_barrier()

    def _wout(k, _):
        g = k * NS + sid

        @pl.when(g < NG)
        def _():
            pltpu.sync_copy(agg_sh.at[pl.ds(g * 8, 8)],
                            out_hbm.at[cid, pl.ds(g * 8, 8)])
        return 0
    lax.fori_loop(0, (NG + NS - 1) // NS, _wout, 0)



def _fin_body(parts_ref, rp_ref, out_ref):
    out_ref[...] = parts_ref[0] + parts_ref[1] + rp_ref[...]


def _fin(parts, rootp):
    return pl.pallas_call(
        _fin_body,
        grid=(NBLK,),
        in_specs=[
            pl.BlockSpec((NC, BN, DOUT), lambda nb: (0, nb, 0)),
            pl.BlockSpec((BN, DOUT), lambda nb: (nb, 0)),
        ],
        out_specs=pl.BlockSpec((BN, DOUT), lambda nb: (nb, 0)),
        out_shape=jax.ShapeDtypeStruct((N, DOUT), jnp.float32),
    )(parts, rootp)



def kernel(x, edge_index, edge_type, comp, bases, root, bias):
    bases2 = bases.reshape(NB, DIN * DOUT)
    w = _make_w(comp, bases2).reshape(R, DIN, DOUT)
    packed = ((edge_type << 28) | (edge_index[0] << 14) | edge_index[1])
    packed = packed.astype(jnp.int32)
    cnt_parts = _sc_cnt(packed)
    z, rootp = _make_z(x, w, root, bias.reshape(1, DOUT))
    inv = _cnt_inv(cnt_parts.reshape(NC, RN // DOUT, DOUT))
    parts = _sc_agg(packed, z.reshape(RN, DOUT), inv.reshape(RN))
    return _fin(parts, rootp)

# --- scband reference (transcript-rebuilt; emitter-appended) ---
"""Pipeline reference for scband-rgcn-21947282882989 (READ-ONLY COPY).

The authoritative reference and input builder live on the scoring server;
editing this copy changes nothing except your own understanding.
"""

import jax, jax.numpy as jnp
import numpy as np

N = 10000      # n_nodes
E = 320000     # n_edges
R = 16         # num_relations
NB = 8         # num_bases
DIN = 128
DOUT = 128


def setup_inputs(seed: int = 0) -> dict:
    key = jax.random.key(seed)
    ks = jax.random.split(key, 7)
    x = jax.random.normal(ks[0], (N, DIN), dtype=jnp.float32)
    edge_index = jax.random.randint(ks[1], (2, E), 0, N, dtype=jnp.int32)
    edge_type = jax.random.randint(ks[2], (E,), 0, R, dtype=jnp.int32)
    # learned parameters of RGCNConv with basis decomposition
    comp = jax.random.normal(ks[3], (R, NB), dtype=jnp.float32) * 0.1
    bases = jax.random.normal(ks[4], (NB, DIN, DOUT), dtype=jnp.float32) * (1.0 / np.sqrt(DIN))
    root = jax.random.normal(ks[5], (DIN, DOUT), dtype=jnp.float32) * (1.0 / np.sqrt(DIN))
    bias = jnp.zeros((DOUT,), dtype=jnp.float32)
    return {"x": x, "edge_index": edge_index, "edge_type": edge_type,
            "comp": comp, "bases": bases, "root": root, "bias": bias}


def reference(x, edge_index, edge_type, comp, bases, root, bias):
    # Basis-decomposed relation weights: W[r] = sum_b comp[r,b] * bases[b]
    W = jnp.einsum('rb,bio->rio', comp, bases)           # [R, DIN, DOUT]
    src = edge_index[0]
    dst = edge_index[1]
    # Transform node features under every relation, then gather per-edge
    xw = jnp.einsum('ni,rio->rno', x, W)                 # [R, N, DOUT]
    msg = xw[edge_type, src]                             # [E, DOUT] gather
    # Per-relation mean aggregation onto destination nodes (PyG RGCNConv aggr='mean')
    seg = edge_type.astype(jnp.int32) * N + dst.astype(jnp.int32)
    sums = jax.ops.segment_sum(msg, seg, num_segments=R * N)          # [R*N, DOUT]
    cnt = jax.ops.segment_sum(jnp.ones((E,), jnp.float32), seg, num_segments=R * N)
    mean = sums / jnp.maximum(cnt, 1.0)[:, None]
    agg = mean.reshape(R, N, DOUT).sum(axis=0)           # sum over relations
    out = agg + x @ root + bias
    return out

if __name__ == "__main__":
    import jax
    _d = setup_inputs()
    print(jax.jit(kernel)(*tuple(_d.values())))

</pallas_src>

<mosaic_0001>
#map = affine_map<(d0, d1) -> (0)>
#map1 = affine_map<(d0, d1) -> (0, 0)>
#map2 = affine_map<(d0, d1) -> (0, 0, 0)>
module attributes {stable_mosaic.version = 14 : i64} {
  func.func @_sc_agg(%arg0: i32, %arg1: i32, %arg2: memref<320000xi32, #tpu.memory_space<hbm>>, %arg3: memref<160000x128xf32, #tpu.memory_space<hbm>>, %arg4: memref<160000xf32, #tpu.memory_space<hbm>>, %arg5: memref<2x10000x128xf32, #tpu.memory_space<hbm>>, %arg6: memref<10000x128xf32, #tpu.memory_space<vmem_shared>>, %arg7: memref<80xi32, #tpu.memory_space<vmem>>, %arg8: memref<80xi32, #tpu.memory_space<vmem>>, %arg9: memref<80xi32, #tpu.memory_space<vmem>>, %arg10: memref<80xi32, #tpu.memory_space<vmem>>, %arg11: memref<80xi32, #tpu.memory_space<vmem>>, %arg12: memref<80xi32, #tpu.memory_space<vmem>>, %arg13: memref<80xf32, #tpu.memory_space<vmem>>, %arg14: memref<80xf32, #tpu.memory_space<vmem>>, %arg15: memref<80xi32, #tpu.memory_space<vmem>>, %arg16: memref<80xi32, #tpu.memory_space<vmem>>, %arg17: memref<80x128xf32, #tpu.memory_space<vmem>>, %arg18: memref<80x128xf32, #tpu.memory_space<vmem>>, %arg19: memref<!tpu.dma_semaphore, #tpu.memory_space<semaphore_mem>>, %arg20: memref<!tpu.dma_semaphore, #tpu.memory_space<semaphore_mem>>, %arg21: memref<!tpu.dma_semaphore, #tpu.memory_space<semaphore_mem>>, %arg22: memref<!tpu.dma_semaphore, #tpu.memory_space<semaphore_mem>>, %arg23: memref<!tpu.dma_semaphore, #tpu.memory_space<semaphore_mem>>, %arg24: memref<!tpu.dma_semaphore, #tpu.memory_space<semaphore_mem>>, %arg25: memref<!tpu.dma_semaphore, #tpu.memory_space<semaphore_mem>>, %arg26: memref<!tpu.dma_semaphore, #tpu.memory_space<semaphore_mem>>) attributes {dimension_semantics = [#tpu.dimension_semantics<core_parallel>, #tpu.dimension_semantics<subcore_parallel>], iteration_bounds = array<i64: 2, 16>, scalar_prefetch = 0 : i64, scratch_operands = 21 : i64, tpu.core_type = #tpu.core_type<sc_vector_subcore>, window_params = [{transform_indices = #map}, {transform_indices = #map1}, {transform_indices = #map}, {transform_indices = #map2}]} {
    %broadcast_in_dim3A = arith.constant 16383 : i32
    %broadcast_in_dim3A_0 = vector.broadcast %broadcast_in_dim3A : i32 to vector<16xi32>
    %scan3A = arith.constant 0 : i32
    %scan3A_1 = arith.constant 0 : i32
    %scan3A_2 = arith.constant 80 : i32
    %scan3A_3 = arith.addi %scan3A_1, %scan3A_2 : i32
    %scan3A_4 = arith.constant 1 : i32
    %scan3A_5 = scf.for %scan3A_84 = %scan3A_1 to %scan3A_3 step %scan3A_4 iter_args(%scan3A_85 = %scan3A) -> (i32)  : i32 {
      %broadcast_in_dim3A_86 = arith.constant 0.000000e+00 : f32
      %broadcast_in_dim3A_87 = vector.broadcast %broadcast_in_dim3A_86 : f32 to vector<16xf32>
      %swap3A = arith.index_cast %scan3A_84 : i32 to index
      %swap3A_88 = arith.constant 0 : index
      %swap3A_89 = tpu.vector_load %arg17[%swap3A, %swap3A_88] {strides = array<i32>} : memref<80x128xf32, #tpu.memory_space<vmem>>, vector<16xf32>,
      tpu.vector_store %arg17[%swap3A, %swap3A_88], %broadcast_in_dim3A_87 {strides = array<i32>} : memref<80x128xf32, #tpu.memory_space<vmem>>, vector<16xf32>,
      %broadcast_in_dim3A_90 = arith.constant 0.000000e+00 : f32
      %broadcast_in_dim3A_91 = vector.broadcast %broadcast_in_dim3A_90 : f32 to vector<16xf32>
      %swap3A_92 = arith.index_cast %scan3A_84 : i32 to index
      %swap3A_93 = arith.constant 16 : index
      %swap3A_94 = tpu.vector_load %arg17[%swap3A_92, %swap3A_93] {strides = array<i32>} : memref<80x128xf32, #tpu.memory_space<vmem>>, vector<16xf32>,
      tpu.vector_store %arg17[%swap3A_92, %swap3A_93], %broadcast_in_dim3A_91 {strides = array<i32>} : memref<80x128xf32, #tpu.memory_space<vmem>>, vector<16xf32>,
      %broadcast_in_dim3A_95 = arith.constant 0.000000e+00 : f32
      %broadcast_in_dim3A_96 = vector.broadcast %broadcast_in_dim3A_95 : f32 to vector<16xf32>
      %swap3A_97 = arith.index_cast %scan3A_84 : i32 to index
      %swap3A_98 = arith.constant 32 : index
      %swap3A_99 = tpu.vector_load %arg17[%swap3A_97, %swap3A_98] {strides = array<i32>} : memref<80x128xf32, #tpu.memory_space<vmem>>, vector<16xf32>,
      tpu.vector_store %arg17[%swap3A_97, %swap3A_98], %broadcast_in_dim3A_96 {strides = array<i32>} : memref<80x128xf32, #tpu.memory_space<vmem>>, vector<16xf32>,
      %broadcast_in_dim3A_100 = arith.constant 0.000000e+00 : f32
      %broadcast_in_dim3A_101 = vector.broadcast %broadcast_in_dim3A_100 : f32 to vector<16xf32>
      %swap3A_102 = arith.index_cast %scan3A_84 : i32 to index
      %swap3A_103 = arith.constant 48 : index
      %swap3A_104 = tpu.vector_load %arg17[%swap3A_102, %swap3A_103] {strides = array<i32>} : memref<80x128xf32, #tpu.memory_space<vmem>>, vector<16xf32>,
      tpu.vector_store %arg17[%swap3A_102, %swap3A_103], %broadcast_in_dim3A_101 {strides = array<i32>} : memref<80x128xf32, #tpu.memory_space<vmem>>, vector<16xf32>,
      %broadcast_in_dim3A_105 = arith.constant 0.000000e+00 : f32
      %broadcast_in_dim3A_106 = vector.broadcast %broadcast_in_dim3A_105 : f32 to vector<16xf32>
      %swap3A_107 = arith.index_cast %scan3A_84 : i32 to index
      %swap3A_108 = arith.constant 64 : index
      %swap3A_109 = tpu.vector_load %arg17[%swap3A_107, %swap3A_108] {strides = array<i32>} : memref<80x128xf32, #tpu.memory_space<vmem>>, vector<16xf32>,
      tpu.vector_store %arg17[%swap3A_107, %swap3A_108], %broadcast_in_dim3A_106 {strides = array<i32>} : memref<80x128xf32, #tpu.memory_space<vmem>>, vector<16xf32>,
      %broadcast_in_dim3A_110 = arith.constant 0.000000e+00 : f32
      %broadcast_in_dim3A_111 = vector.broadcast %broadcast_in_dim3A_110 : f32 to vector<16xf32>
      %swap3A_112 = arith.index_cast %scan3A_84 : i32 to index
      %swap3A_113 = arith.constant 80 : index
      %swap3A_114 = tpu.vector_load %arg17[%swap3A_112, %swap3A_113] {strides = array<i32>} : memref<80x128xf32, #tpu.memory_space<vmem>>, vector<16xf32>,
      tpu.vector_store %arg17[%swap3A_112, %swap3A_113], %broadcast_in_dim3A_111 {strides = array<i32>} : memref<80x128xf32, #tpu.memory_space<vmem>>, vector<16xf32>,
      %broadcast_in_dim3A_115 = arith.constant 0.000000e+00 : f32
      %broadcast_in_dim3A_116 = vector.broadcast %broadcast_in_dim3A_115 : f32 to vector<16xf32>
      %swap3A_117 = arith.index_cast %scan3A_84 : i32 to index
      %swap3A_118 = arith.constant 96 : index
      %swap3A_119 = tpu.vector_load %arg17[%swap3A_117, %swap3A_118] {strides = array<i32>} : memref<80x128xf32, #tpu.memory_space<vmem>>, vector<16xf32>,
      tpu.vector_store %arg17[%swap3A_117, %swap3A_118], %broadcast_in_dim3A_116 {strides = array<i32>} : memref<80x128xf32, #tpu.memory_space<vmem>>, vector<16xf32>,
      %broadcast_in_dim3A_120 = arith.constant 0.000000e+00 : f32
      %broadcast_in_dim3A_121 = vector.broadcast %broadcast_in_dim3A_120 : f32 to vector<16xf32>
      %swap3A_122 = arith.index_cast %scan3A_84 : i32 to index
      %swap3A_123 = arith.constant 112 : index
      %swap3A_124 = tpu.vector_load %arg17[%swap3A_122, %swap3A_123] {strides = array<i32>} : memref<80x128xf32, #tpu.memory_space<vmem>>, vector<16xf32>,
      tpu.vector_store %arg17[%swap3A_122, %swap3A_123], %broadcast_in_dim3A_121 {strides = array<i32>} : memref<80x128xf32, #tpu.memory_space<vmem>>, vector<16xf32>,
      %scan3A_125 = arith.constant 0 : i32
      scf.yield %scan3A_125 : i32
    }
    %scan3A_6 = arith.constant 80 : i32
    %scan3A_7 = arith.constant 0 : i32
    %scan3A_8 = arith.constant 0 : i32
    %scan3A_9 = arith.constant 79 : i32
    %scan3A_10 = arith.addi %scan3A_8, %scan3A_9 : i32
    %scan3A_11 = arith.constant 1 : i32
    %scan3A_12 = scf.for %scan3A_84 = %scan3A_8 to %scan3A_10 step %scan3A_11 iter_args(%scan3A_85 = %scan3A_7) -> (i32)  : i32 {
      %mul3A_86 = arith.constant 16 : i32
      %mul3A_87 = arith.muli %scan3A_84, %mul3A_86 : i32
      %add3A_88 = arith.addi %mul3A_87, %arg1 : i32
      %lt3A = arith.constant 1250 : i32
      %lt3A_89 = arith.cmpi slt, %add3A_88, %lt3A : i32
      %convert_element_type3A = arith.extui %lt3A_89 : i1 to i32
      %cond3A = arith.constant 0 : i32
      %cond3A_90 = arith.cmpi ne, %convert_element_type3A, %cond3A : i32
      scf.if %cond3A_90 {
        %mul3A_92 = arith.constant 8 : i32
        %mul3A_93 = arith.muli %add3A_88, %mul3A_92 : i32
        "tpu.region"() ({
          %run_scoped3A = tpu.sem_alloc : memref<!tpu.dma_semaphore, #tpu.memory_space<semaphore_mem>>
          %dma_start3A_94 = arith.constant 0 : i32
          %dma_start3A_95 = arith.constant 0 : i32
          %dma_start3A_96 = tpu.memref_slice %arg17[%dma_start3A_94, %dma_start3A_95] : memref<80x128xf32, #tpu.memory_space<vmem>> -> memref<8x128xf32, #tpu.memory_space<vmem>>
          %dma_start3A_97 = arith.constant 0 : i32
          %dma_start3A_98 = tpu.memref_slice %arg6[%mul3A_93, %dma_start3A_97] : memref<10000x128xf32, #tpu.memory_space<vmem_shared>> -> memref<8x128xf32, #tpu.memory_space<vmem_shared>>
          %dma_start3A_99 = arith.constant 0 : i32
          %dma_start3A_100 = tpu.memref_slice %arg6[%mul3A_93, %dma_start3A_99] : memref<10000x128xf32, #tpu.memory_space<vmem_shared>> -> memref<8x128xf32, #tpu.memory_space<vmem_shared>>
          %dma_start3A_101 = arith.constant 0 : i32
          %dma_start3A_102 = arith.constant 0 : i32
          %dma_start3A_103 = tpu.memref_slice %arg17[%dma_start3A_101, %dma_start3A_102] : memref<80x128xf32, #tpu.memory_space<vmem>> -> memref<8x128xf32, #tpu.memory_space<vmem>>
          tpu.enqueue_dma source(%dma_start3A_103 : memref<8x128xf32, #tpu.memory_space<vmem>>) target(%dma_start3A_100 : memref<8x128xf32, #tpu.memory_space<vmem_shared>>) target_semaphore(%run_scoped3A : memref<!tpu.dma_semaphore, #tpu.memory_space<semaphore_mem>>)
          %dma_wait3A_104 = arith.constant 0 : i32
          %dma_wait3A_105 = arith.constant 0 : i32
          %dma_wait3A_106 = tpu.memref_slice %arg17[%dma_wait3A_104, %dma_wait3A_105] : memref<80x128xf32, #tpu.memory_space<vmem>> -> memref<8x128xf32, #tpu.memory_space<vmem>>
          %dma_wait3A_107 = arith.constant 0 : i32
          %dma_wait3A_108 = tpu.memref_slice %arg6[%mul3A_93, %dma_wait3A_107] : memref<10000x128xf32, #tpu.memory_space<vmem_shared>> -> memref<8x128xf32, #tpu.memory_space<vmem_shared>>
          %dma_wait3A_109 = arith.constant 0 : i32
          %dma_wait3A_110 = tpu.memref_slice %arg6[%mul3A_93, %dma_wait3A_109] : memref<10000x128xf32, #tpu.memory_space<vmem_shared>> -> memref<8x128xf32, #tpu.memory_space<vmem_shared>>
          %dma_wait3A_111 = arith.constant 0 : i32
          %dma_wait3A_112 = arith.constant 0 : i32
          %dma_wait3A_113 = tpu.memref_slice %arg17[%dma_wait3A_111, %dma_wait3A_112] : memref<80x128xf32, #tpu.memory_space<vmem>> -> memref<8x128xf32, #tpu.memory_space<vmem>>
          tpu.wait_dma2 semaphore(%run_scoped3A : memref<!tpu.dma_semaphore, #tpu.memory_space<semaphore_mem>>) src(%dma_wait3A_113 : memref<8x128xf32, #tpu.memory_space<vmem>>) dst(%dma_wait3A_110 : memref<8x128xf32, #tpu.memory_space<vmem_shared>>)
          tpu.yield
        }) : () -> ()
      } else {
      }
      %scan3A_91 = arith.constant 0 : i32
      scf.yield %scan3A_91 : i32
    }
    %scan3A_13 = arith.constant 79 : i32
    %barrier3A = arith.constant 0 : index
    tpu.barrier barrier_id(%barrier3A)
    %mul3A = arith.constant 160000 : i32
    %mul3A_14 = arith.muli %arg0, %mul3A : i32
    %mul3A_15 = arith.constant 10000 : i32
    %mul3A_16 = arith.muli %arg1, %mul3A_15 : i32
    %add3A = arith.addi %mul3A_14, %mul3A_16 : i32
    %dma_start3A = tpu.memref_slice %arg2[%add3A] : memref<320000xi32, #tpu.memory_space<hbm>> -> memref<80xi32, #tpu.memory_space<hbm>>
    %dma_start3A_17 = tpu.memref_slice %arg2[%add3A] : memref<320000xi32, #tpu.memory_space<hbm>> -> memref<80xi32, #tpu.memory_space<hbm>>
    tpu.enqueue_dma source(%dma_start3A_17 : memref<80xi32, #tpu.memory_space<hbm>>) target(%arg7 : memref<80xi32, #tpu.memory_space<vmem>>) target_semaphore(%arg25 : memref<!tpu.dma_semaphore, #tpu.memory_space<semaphore_mem>>)
    %add3A_18 = arith.constant 80 : i32
    %add3A_19 = arith.addi %add3A, %add3A_18 : i32
    %dma_start3A_20 = tpu.memref_slice %arg2[%add3A_19] : memref<320000xi32, #tpu.memory_space<hbm>> -> memref<80xi32, #tpu.memory_space<hbm>>
    %dma_start3A_21 = tpu.memref_slice %arg2[%add3A_19] : memref<320000xi32, #tpu.memory_space<hbm>> -> memref<80xi32, #tpu.memory_space<hbm>>
    tpu.enqueue_dma source(%dma_start3A_21 : memref<80xi32, #tpu.memory_space<hbm>>) target(%arg8 : memref<80xi32, #tpu.memory_space<vmem>>) target_semaphore(%arg26 : memref<!tpu.dma_semaphore, #tpu.memory_space<semaphore_mem>>)
    %dma_wait3A = arith.constant 0 : i32
    %dma_wait3A_22 = tpu.memref_slice %arg2[%dma_wait3A] : memref<320000xi32, #tpu.memory_space<hbm>> -> memref<80xi32, #tpu.memory_space<hbm>>
    %dma_wait3A_23 = arith.constant 0 : i32
    %dma_wait3A_24 = tpu.memref_slice %arg2[%dma_wait3A_23] : memref<320000xi32, #tpu.memory_space<hbm>> -> memref<80xi32, #tpu.memory_space<hbm>>
    tpu.wait_dma2 semaphore(%arg25 : memref<!tpu.dma_semaphore, #tpu.memory_space<semaphore_mem>>) src(%dma_wait3A_24 : memref<80xi32, #tpu.memory_space<hbm>>) dst(%arg7 : memref<80xi32, #tpu.memory_space<vmem>>)
    %parallel_loop3A = arith.constant 0 : i32
    %parallel_loop3A_25 = arith.constant 5 : i32
    %parallel_loop3A_26 = arith.constant 1 : i32
    scf.for %parallel_loop3A_84 = %parallel_loop3A to %parallel_loop3A_25 step %parallel_loop3A_26  : i32 {
      %parallel_loop3A_85 = arith.constant 16 : i32
      %parallel_loop3A_86 = arith.muli %parallel_loop3A_84, %parallel_loop3A_85 : i32
      %parallel_loop3A_87 = arith.index_cast %parallel_loop3A_86 : i32 to index
      %parallel_loop3A_88 = tpu.vector_load %arg7[%parallel_loop3A_87] {strides = array<i32>} : memref<80xi32, #tpu.memory_space<vmem>>, vector<16xi32>,
      %parallel_loop3A_89 = arith.constant 28 : i32
      %parallel_loop3A_90 = vector.broadcast %parallel_loop3A_89 : i32 to vector<16xi32>
      %parallel_loop3A_91 = arith.shrui %parallel_loop3A_88, %parallel_loop3A_90 : vector<16xi32>
      %parallel_loop3A_92 = arith.andi %parallel_loop3A_88, %broadcast_in_dim3A_0 : vector<16xi32>
      %parallel_loop3A_93 = arith.constant 10000 : i32
      %parallel_loop3A_94 = vector.broadcast %parallel_loop3A_93 : i32 to vector<16xi32>
      %parallel_loop3A_95 = arith.muli %parallel_loop3A_91, %parallel_loop3A_94 : vector<16xi32>
      %parallel_loop3A_96 = arith.constant 14 : i32
      %parallel_loop3A_97 = vector.broadcast %parallel_loop3A_96 : i32 to vector<16xi32>
      %parallel_loop3A_98 = arith.shrui %parallel_loop3A_88, %parallel_loop3A_97 : vector<16xi32>
      %parallel_loop3A_99 = arith.andi %parallel_loop3A_98, %broadcast_in_dim3A_0 : vector<16xi32>
      %parallel_loop3A_100 = arith.addi %parallel_loop3A_95, %parallel_loop3A_99 : vector<16xi32>
      %parallel_loop3A_101 = arith.index_cast %parallel_loop3A_86 : i32 to index
      %parallel_loop3A_102 = tpu.vector_load %arg9[%parallel_loop3A_101] {strides = array<i32>} : memref<80xi32, #tpu.memory_space<vmem>>, vector<16xi32>,
      tpu.vector_store %arg9[%parallel_loop3A_101], %parallel_loop3A_100 {strides = array<i32>} : memref<80xi32, #tpu.memory_space<vmem>>, vector<16xi32>,
      %parallel_loop3A_103 = arith.index_cast %parallel_loop3A_86 : i32 to index
      %parallel_loop3A_104 = tpu.vector_load %arg11[%parallel_loop3A_103] {strides = array<i32>} : memref<80xi32, #tpu.memory_space<vmem>>, vector<16xi32>,
      tpu.vector_store %arg11[%parallel_loop3A_103], %parallel_loop3A_92 {strides = array<i32>} : memref<80xi32, #tpu.memory_space<vmem>>, vector<16xi32>,
      %parallel_loop3A_105 = arith.constant 10000 : i32
      %parallel_loop3A_106 = vector.broadcast %parallel_loop3A_105 : i32 to vector<16xi32>
      %parallel_loop3A_107 = arith.muli %parallel_loop3A_91, %parallel_loop3A_106 : vector<16xi32>
      %parallel_loop3A_108 = arith.addi %parallel_loop3A_107, %parallel_loop3A_92 : vector<16xi32>
      %parallel_loop3A_109 = arith.index_cast %parallel_loop3A_86 : i32 to index
      %parallel_loop3A_110 = tpu.vector_load %arg15[%parallel_loop3A_109] {strides = array<i32>} : memref<80xi32, #tpu.memory_space<vmem>>, vector<16xi32>,
      tpu.vector_store %arg15[%parallel_loop3A_109], %parallel_loop3A_108 {strides = array<i32>} : memref<80xi32, #tpu.memory_space<vmem>>, vector<16xi32>,
    } {sc.loop_unroll_factor = 5 : i64, sc.parallel_access}
    %dma_start3A_27 = arith.constant 0 : i32
    %dma_start3A_28 = tpu.memref_slice %arg4[%dma_start3A_27] : memref<160000xf32, #tpu.memory_space<hbm>> -> memref<160000xf32, #tpu.memory_space<hbm>>
    tpu.enqueue_indirect_dma source(%dma_start3A_28 : memref<160000xf32, #tpu.memory_space<hbm>>) target(%arg13 : memref<80xf32, #tpu.memory_space<vmem>>) offsets(%arg15 : memref<80xi32, #tpu.memory_space<vmem>>) semaphore(%arg23 : memref<!tpu.dma_semaphore, #tpu.memory_space<semaphore_mem>>)
    %dma_start3A_29 = arith.constant 0 : i32
    %dma_start3A_30 = arith.constant 0 : i32
    %dma_start3A_31 = tpu.memref_slice %arg3[%dma_start3A_29, %dma_start3A_30] : memref<160000x128xf32, #tpu.memory_space<hbm>> -> memref<160000x128xf32, #tpu.memory_space<hbm>>
    tpu.enqueue_indirect_dma source(%dma_start3A_31 : memref<160000x128xf32, #tpu.memory_space<hbm>>) target(%arg17 : memref<80x128xf32, #tpu.memory_space<vmem>>) offsets(%arg9 : memref<80xi32, #tpu.memory_space<vmem>>) semaphore(%arg19 : memref<!tpu.dma_semaphore, #tpu.memory_space<semaphore_mem>>)
    %add3A_32 = arith.constant 160 : i32
    %add3A_33 = arith.addi %add3A, %add3A_32 : i32
    %dma_start3A_34 = tpu.memref_slice %arg2[%add3A_33] : memref<320000xi32, #tpu.memory_space<hbm>> -> memref<80xi32, #tpu.memory_space<hbm>>
    %dma_start3A_35 = tpu.memref_slice %arg2[%add3A_33] : memref<320000xi32, #tpu.memory_space<hbm>> -> memref<80xi32, #tpu.memory_space<hbm>>
    tpu.enqueue_dma source(%dma_start3A_35 : memref<80xi32, #tpu.memory_space<hbm>>) target(%arg7 : memref<80xi32, #tpu.memory_space<vmem>>) target_semaphore(%arg25 : memref<!tpu.dma_semaphore, #tpu.memory_space<semaphore_mem>>)
    %dma_wait3A_36 = arith.constant 0 : i32
    %dma_wait3A_37 = tpu.memref_slice %arg2[%dma_wait3A_36] : memref<320000xi32, #tpu.memory_space<hbm>> -> memref<80xi32, #tpu.memory_space<hbm>>
    %dma_wait3A_38 = arith.constant 0 : i32
    %dma_wait3A_39 = tpu.memref_slice %arg2[%dma_wait3A_38] : memref<320000xi32, #tpu.memory_space<hbm>> -> memref<80xi32, #tpu.memory_space<hbm>>
    tpu.wait_dma2 semaphore(%arg26 : memref<!tpu.dma_semaphore, #tpu.memory_space<semaphore_mem>>) src(%dma_wait3A_39 : memref<80xi32, #tpu.memory_space<hbm>>) dst(%arg8 : memref<80xi32, #tpu.memory_space<vmem>>)
    %parallel_loop3A_40 = arith.constant 0 : i32
    %parallel_loop3A_41 = arith.constant 5 : i32
    %parallel_loop3A_42 = arith.constant 1 : i32
    scf.for %parallel_loop3A_84 = %parallel_loop3A_40 to %parallel_loop3A_41 step %parallel_loop3A_42  : i32 {
      %parallel_loop3A_85 = arith.constant 16 : i32
      %parallel_loop3A_86 = arith.muli %parallel_loop3A_84, %parallel_loop3A_85 : i32
      %parallel_loop3A_87 = arith.index_cast %parallel_loop3A_86 : i32 to index
      %parallel_loop3A_88 = tpu.vector_load %arg8[%parallel_loop3A_87] {strides = array<i32>} : memref<80xi32, #tpu.memory_space<vmem>>, vector<16xi32>,
      %parallel_loop3A_89 = arith.constant 28 : i32
      %parallel_loop3A_90 = vector.broadcast %parallel_loop3A_89 : i32 to vector<16xi32>
      %parallel_loop3A_91 = arith.shrui %parallel_loop3A_88, %parallel_loop3A_90 : vector<16xi32>
      %parallel_loop3A_92 = arith.andi %parallel_loop3A_88, %broadcast_in_dim3A_0 : vector<16xi32>
      %parallel_loop3A_93 = arith.constant 10000 : i32
      %parallel_loop3A_94 = vector.broadcast %parallel_loop3A_93 : i32 to vector<16xi32>
      %parallel_loop3A_95 = arith.muli %parallel_loop3A_91, %parallel_loop3A_94 : vector<16xi32>
      %parallel_loop3A_96 = arith.constant 14 : i32
      %parallel_loop3A_97 = vector.broadcast %parallel_loop3A_96 : i32 to vector<16xi32>
      %parallel_loop3A_98 = arith.shrui %parallel_loop3A_88, %parallel_loop3A_97 : vector<16xi32>
      %parallel_loop3A_99 = arith.andi %parallel_loop3A_98, %broadcast_in_dim3A_0 : vector<16xi32>
      %parallel_loop3A_100 = arith.addi %parallel_loop3A_95, %parallel_loop3A_99 : vector<16xi32>
      %parallel_loop3A_101 = arith.index_cast %parallel_loop3A_86 : i32 to index
      %parallel_loop3A_102 = tpu.vector_load %arg10[%parallel_loop3A_101] {strides = array<i32>} : memref<80xi32, #tpu.memory_space<vmem>>, vector<16xi32>,
      tpu.vector_store %arg10[%parallel_loop3A_101], %parallel_loop3A_100 {strides = array<i32>} : memref<80xi32, #tpu.memory_space<vmem>>, vector<16xi32>,
      %parallel_loop3A_103 = arith.index_cast %parallel_loop3A_86 : i32 to index
      %parallel_loop3A_104 = tpu.vector_load %arg12[%parallel_loop3A_103] {strides = array<i32>} : memref<80xi32, #tpu.memory_space<vmem>>, vector<16xi32>,
      tpu.vector_store %arg12[%parallel_loop3A_103], %parallel_loop3A_92 {strides = array<i32>} : memref<80xi32, #tpu.memory_space<vmem>>, vector<16xi32>,
      %parallel_loop3A_105 = arith.constant 10000 : i32
      %parallel_loop3A_106 = vector.broadcast %parallel_loop3A_105 : i32 to vector<16xi32>
      %parallel_loop3A_107 = arith.muli %parallel_loop3A_91, %parallel_loop3A_106 : vector<16xi32>
      %parallel_loop3A_108 = arith.addi %parallel_loop3A_107, %parallel_loop3A_92 : vector<16xi32>
      %parallel_loop3A_109 = arith.index_cast %parallel_loop3A_86 : i32 to index
      %parallel_loop3A_110 = tpu.vector_load %arg16[%parallel_loop3A_109] {strides = array<i32>} : memref<80xi32, #tpu.memory_space<vmem>>, vector<16xi32>,
      tpu.vector_store %arg16[%parallel_loop3A_109], %parallel_loop3A_108 {strides = array<i32>} : memref<80xi32, #tpu.memory_space<vmem>>, vector<16xi32>,
    } {sc.loop_unroll_factor = 5 : i64, sc.parallel_access}
    %dma_start3A_43 = arith.constant 0 : i32
    %dma_start3A_44 = tpu.memref_slice %arg4[%dma_start3A_43] : memref<160000xf32, #tpu.memory_space<hbm>> -> memref<160000xf32, #tpu.memory_space<hbm>>
    tpu.enqueue_indirect_dma source(%dma_start3A_44 : memref<160000xf32, #tpu.memory_space<hbm>>) target(%arg14 : memref<80xf32, #tpu.memory_space<vmem>>) offsets(%arg16 : memref<80xi32, #tpu.memory_space<vmem>>) semaphore(%arg24 : memref<!tpu.dma_semaphore, #tpu.memory_space<semaphore_mem>>)
    %dma_start3A_45 = arith.constant 0 : i32
    %dma_start3A_46 = arith.constant 0 : i32
    %dma_start3A_47 = tpu.memref_slice %arg3[%dma_start3A_45, %dma_start3A_46] : memref<160000x128xf32, #tpu.memory_space<hbm>> -> memref<160000x128xf32, #tpu.memory_space<hbm>>
    tpu.enqueue_indirect_dma source(%dma_start3A_47 : memref<160000x128xf32, #tpu.memory_space<hbm>>) target(%arg18 : memref<80x128xf32, #tpu.memory_space<vmem>>) offsets(%arg10 : memref<80xi32, #tpu.memory_space<vmem>>) semaphore(%arg20 : memref<!tpu.dma_semaphore, #tpu.memory_space<semaphore_mem>>)
    %add3A_48 = arith.constant 240 : i32
    %add3A_49 = arith.addi %add3A, %add3A_48 : i32
    %dma_start3A_50 = tpu.memref_slice %arg2[%add3A_49] : memref<320000xi32, #tpu.memory_space<hbm>> -> memref<80xi32, #tpu.memory_space<hbm>>
    %dma_start3A_51 = tpu.memref_slice %arg2[%add3A_49] : memref<320000xi32, #tpu.memory_space<hbm>> -> memref<80xi32, #tpu.memory_space<hbm>>
    tpu.enqueue_dma source(%dma_start3A_51 : memref<80xi32, #tpu.memory_space<hbm>>) target(%arg8 : memref<80xi32, #tpu.memory_space<vmem>>) target_semaphore(%arg26 : memref<!tpu.dma_semaphore, #tpu.memory_space<semaphore_mem>>)
    %scan3A_52 = arith.constant 0 : i32
    %scan3A_53 = arith.constant 0 : i32
    %scan3A_54 = arith.constant 62 : i32
    %scan3A_55 = arith.addi %scan3A_53, %scan3A_54 : i32
    %scan3A_56 = arith.constant 1 : i32
    %scan3A_57 = scf.for %scan3A_84 = %scan3A_53 to %scan3A_55 step %scan3A_56 iter_args(%scan3A_85 = %scan3A_52) -> (i32)  : i32 {
      %dma_wait3A_86 = arith.constant 0 : i32
      %dma_wait3A_87 = tpu.memref_slice %arg4[%dma_wait3A_86] : memref<160000xf32, #tpu.memory_space<hbm>> -> memref<160000xf32, #tpu.memory_space<hbm>>
      tpu.wait_indirect_dma semaphore(%arg23 : memref<!tpu.dma_semaphore, #tpu.memory_space<semaphore_mem>>) src(%dma_wait3A_87 : memref<160000xf32, #tpu.memory_space<hbm>>) dst(%arg13 : memref<80xf32, #tpu.memory_space<vmem>>)
      %dma_wait3A_88 = arith.constant 0 : i32
      %dma_wait3A_89 = arith.constant 0 : i32
      %dma_wait3A_90 = tpu.memref_slice %arg3[%dma_wait3A_88, %dma_wait3A_89] : memref<160000x128xf32, #tpu.memory_space<hbm>> -> memref<160000x128xf32, #tpu.memory_space<hbm>>
      tpu.wait_indirect_dma semaphore(%arg19 : memref<!tpu.dma_semaphore, #tpu.memory_space<semaphore_mem>>) src(%dma_wait3A_90 : memref<160000x128xf32, #tpu.memory_space<hbm>>) dst(%arg17 : memref<80x128xf32, #tpu.memory_space<vmem>>)
      %parallel_loop3A_91 = arith.constant 0 : i32
      %parallel_loop3A_92 = arith.constant 80 : i32
      %parallel_loop3A_93 = arith.constant 1 : i32
      scf.for %parallel_loop3A_141 = %parallel_loop3A_91 to %parallel_loop3A_92 step %parallel_loop3A_93  : i32 {
        %parallel_loop3A_142 = vector.broadcast %parallel_loop3A_141 : i32 to vector<16xi32>
        %parallel_loop3A_143 = tpu.vector_load_idx %arg13[%parallel_loop3A_142] : memref<80xf32, #tpu.memory_space<vmem>>[vector<16xi32>], vector<16xf32>,
        %parallel_loop3A_144 = arith.index_cast %parallel_loop3A_141 : i32 to index
        %parallel_loop3A_145 = arith.constant 0 : index
        %parallel_loop3A_146 = tpu.vector_load %arg17[%parallel_loop3A_144, %parallel_loop3A_145] {strides = array<i32>} : memref<80x128xf32, #tpu.memory_space<vmem>>, vector<16xf32>,
        %parallel_loop3A_147 = arith.mulf %parallel_loop3A_146, %parallel_loop3A_143 : vector<16xf32>
        %parallel_loop3A_148 = arith.index_cast %parallel_loop3A_141 : i32 to index
        %parallel_loop3A_149 = arith.constant 0 : index
        %parallel_loop3A_150 = tpu.vector_load %arg17[%parallel_loop3A_148, %parallel_loop3A_149] {strides = array<i32>} : memref<80x128xf32, #tpu.memory_space<vmem>>, vector<16xf32>,
        tpu.vector_store %arg17[%parallel_loop3A_148, %parallel_loop3A_149], %parallel_loop3A_147 {strides = array<i32>} : memref<80x128xf32, #tpu.memory_space<vmem>>, vector<16xf32>,
        %parallel_loop3A_151 = arith.index_cast %parallel_loop3A_141 : i32 to index
        %parallel_loop3A_152 = arith.constant 16 : index
        %parallel_loop3A_153 = tpu.vector_load %arg17[%parallel_loop3A_151, %parallel_loop3A_152] {strides = array<i32>} : memref<80x128xf32, #tpu.memory_space<vmem>>, vector<16xf32>,
        %parallel_loop3A_154 = arith.mulf %parallel_loop3A_153, %parallel_loop3A_143 : vector<16xf32>
        %parallel_loop3A_155 = arith.index_cast %parallel_loop3A_141 : i32 to index
        %parallel_loop3A_156 = arith.constant 16 : index
        %parallel_loop3A_157 = tpu.vector_load %arg17[%parallel_loop3A_155, %parallel_loop3A_156] {strides = array<i32>} : memref<80x128xf32, #tpu.memory_space<vmem>>, vector<16xf32>,
        tpu.vector_store %arg17[%parallel_loop3A_155, %parallel_loop3A_156], %parallel_loop3A_154 {strides = array<i32>} : memref<80x128xf32, #tpu.memory_space<vmem>>, vector<16xf32>,
        %parallel_loop3A_158 = arith.index_cast %parallel_loop3A_141 : i32 to index
        %parallel_loop3A_159 = arith.constant 32 : index
        %parallel_loop3A_160 = tpu.vector_load %arg17[%parallel_loop3A_158, %parallel_loop3A_159] {strides = array<i32>} : memref<80x128xf32, #tpu.memory_space<vmem>>, vector<16xf32>,
        %parallel_loop3A_161 = arith.mulf %parallel_loop3A_160, %parallel_loop3A_143 : vector<16xf32>
        %parallel_loop3A_162 = arith.index_cast %parallel_loop3A_141 : i32 to index
        %parallel_loop3A_163 = arith.constant 32 : index
        %parallel_loop3A_164 = tpu.vector_load %arg17[%parallel_loop3A_162, %parallel_loop3A_163] {strides = array<i32>} : memref<80x128xf32, #tpu.memory_space<vmem>>, vector<16xf32>,
        tpu.vector_store %arg17[%parallel_loop3A_162, %parallel_loop3A_163], %parallel_loop3A_161 {strides = array<i32>} : memref<80x128xf32, #tpu.memory_space<vmem>>, vector<16xf32>,
        %parallel_loop3A_165 = arith.index_cast %parallel_loop3A_141 : i32 to index
        %parallel_loop3A_166 = arith.constant 48 : index
        %parallel_loop3A_167 = tpu.vector_load %arg17[%parallel_loop3A_165, %parallel_loop3A_166] {strides = array<i32>} : memref<80x128xf32, #tpu.memory_space<vmem>>, vector<16xf32>,
        %parallel_loop3A_168 = arith.mulf %parallel_loop3A_167, %parallel_loop3A_143 : vector<16xf32>
        %parallel_loop3A_169 = arith.index_cast %parallel_loop3A_141 : i32 to index
        %parallel_loop3A_170 = arith.constant 48 : index
        %parallel_loop3A_171 = tpu.vector_load %arg17[%parallel_loop3A_169, %parallel_loop3A_170] {strides = array<i32>} : memref<80x128xf32, #tpu.memory_space<vmem>>, vector<16xf32>,
        tpu.vector_store %arg17[%parallel_loop3A_169, %parallel_loop3A_170], %parallel_loop3A_168 {strides = array<i32>} : memref<80x128xf32, #tpu.memory_space<vmem>>, vector<16xf32>,
        %parallel_loop3A_172 = arith.index_cast %parallel_loop3A_141 : i32 to index
        %parallel_loop3A_173 = arith.constant 64 : index
        %parallel_loop3A_174 = tpu.vector_load %arg17[%parallel_loop3A_172, %parallel_loop3A_173] {strides = array<i32>} : memref<80x128xf32, #tpu.memory_space<vmem>>, vector<16xf32>,
        %parallel_loop3A_175 = arith.mulf %parallel_loop3A_174, %parallel_loop3A_143 : vector<16xf32>
        %parallel_loop3A_176 = arith.index_cast %parallel_loop3A_141 : i32 to index
        %parallel_loop3A_177 = arith.constant 64 : index
        %parallel_loop3A_178 = tpu.vector_load %arg17[%parallel_loop3A_176, %parallel_loop3A_177] {strides = array<i32>} : memref<80x128xf32, #tpu.memory_space<vmem>>, vector<16xf32>,
        tpu.vector_store %arg17[%parallel_loop3A_176, %parallel_loop3A_177], %parallel_loop3A_175 {strides = array<i32>} : memref<80x128xf32, #tpu.memory_space<vmem>>, vector<16xf32>,
        %parallel_loop3A_179 = arith.index_cast %parallel_loop3A_141 : i32 to index
        %parallel_loop3A_180 = arith.constant 80 : index
        %parallel_loop3A_181 = tpu.vector_load %arg17[%parallel_loop3A_179, %parallel_loop3A_180] {strides = array<i32>} : memref<80x128xf32, #tpu.memory_space<vmem>>, vector<16xf32>,
        %parallel_loop3A_182 = arith.mulf %parallel_loop3A_181, %parallel_loop3A_143 : vector<16xf32>
        %parallel_loop3A_183 = arith.index_cast %parallel_loop3A_141 : i32 to index
        %parallel_loop3A_184 = arith.constant 80 : index
        %parallel_loop3A_185 = tpu.vector_load %arg17[%parallel_loop3A_183, %parallel_loop3A_184] {strides = array<i32>} : memref<80x128xf32, #tpu.memory_space<vmem>>, vector<16xf32>,
        tpu.vector_store %arg17[%parallel_loop3A_183, %parallel_loop3A_184], %parallel_loop3A_182 {strides = array<i32>} : memref<80x128xf32, #tpu.memory_space<vmem>>, vector<16xf32>,
        %parallel_loop3A_186 = arith.index_cast %parallel_loop3A_141 : i32 to index
        %parallel_loop3A_187 = arith.constant 96 : index
        %parallel_loop3A_188 = tpu.vector_load %arg17[%parallel_loop3A_186, %parallel_loop3A_187] {strides = array<i32>} : memref<80x128xf32, #tpu.memory_space<vmem>>, vector<16xf32>,
        %parallel_loop3A_189 = arith.mulf %parallel_loop3A_188, %parallel_loop3A_143 : vector<16xf32>
        %parallel_loop3A_190 = arith.index_cast %parallel_loop3A_141 : i32 to index
        %parallel_loop3A_191 = arith.constant 96 : index
        %parallel_loop3A_192 = tpu.vector_load %arg17[%parallel_loop3A_190, %parallel_loop3A_191] {strides = array<i32>} : memref<80x128xf32, #tpu.memory_space<vmem>>, vector<16xf32>,
        tpu.vector_store %arg17[%parallel_loop3A_190, %parallel_loop3A_191], %parallel_loop3A_189 {strides = array<i32>} : memref<80x128xf32, #tpu.memory_space<vmem>>, vector<16xf32>,
        %parallel_loop3A_193 = arith.index_cast %parallel_loop3A_141 : i32 to index
        %parallel_loop3A_194 = arith.constant 112 : index
        %parallel_loop3A_195 = tpu.vector_load %arg17[%parallel_loop3A_193, %parallel_loop3A_194] {strides = array<i32>} : memref<80x128xf32, #tpu.memory_space<vmem>>, vector<16xf32>,
        %parallel_loop3A_196 = arith.mulf %parallel_loop3A_195, %parallel_loop3A_143 : vector<16xf32>
        %parallel_loop3A_197 = arith.index_cast %parallel_loop3A_141 : i32 to index
        %parallel_loop3A_198 = arith.constant 112 : index
        %parallel_loop3A_199 = tpu.vector_load %arg17[%parallel_loop3A_197, %parallel_loop3A_198] {strides = array<i32>} : memref<80x128xf32, #tpu.memory_space<vmem>>, vector<16xf32>,
        tpu.vector_store %arg17[%parallel_loop3A_197, %parallel_loop3A_198], %parallel_loop3A_196 {strides = array<i32>} : memref<80x128xf32, #tpu.memory_space<vmem>>, vector<16xf32>,
      } {sc.loop_unroll_factor = 4 : i64, sc.parallel_access}
      %dma_start3A_94 = arith.constant 0 : i32
      %dma_start3A_95 = arith.constant 0 : i32
      %dma_start3A_96 = tpu.memref_slice %arg6[%dma_start3A_94, %dma_start3A_95] : memref<10000x128xf32, #tpu.memory_space<vmem_shared>> -> memref<10000x128xf32, #tpu.memory_space<vmem_shared>>
      tpu.enqueue_indirect_dma source(%arg17 : memref<80x128xf32, #tpu.memory_space<vmem>>) target(%dma_start3A_96 : memref<10000x128xf32, #tpu.memory_space<vmem_shared>>) offsets(%arg11 : memref<80xi32, #tpu.memory_space<vmem>>) semaphore(%arg21 : memref<!tpu.dma_semaphore, #tpu.memory_space<semaphore_mem>>) {add = true}
      %mul3A_97 = arith.constant 2 : i32
      %mul3A_98 = arith.muli %mul3A_97, %scan3A_84 : i32
      %add3A_99 = arith.constant 2 : i32
      %add3A_100 = arith.addi %mul3A_98, %add3A_99 : i32
      %dma_wait3A_101 = arith.constant 0 : i32
      %dma_wait3A_102 = arith.constant 0 : i32
      %dma_wait3A_103 = tpu.memref_slice %arg6[%dma_wait3A_101, %dma_wait3A_102] : memref<10000x128xf32, #tpu.memory_space<vmem_shared>> -> memref<10000x128xf32, #tpu.memory_space<vmem_shared>>
      tpu.wait_indirect_dma semaphore(%arg21 : memref<!tpu.dma_semaphore, #tpu.memory_space<semaphore_mem>>) src(%arg17 : memref<80x128xf32, #tpu.memory_space<vmem>>) dst(%dma_wait3A_103 : memref<10000x128xf32, #tpu.memory_space<vmem_shared>>)
      %dma_wait3A_104 = arith.constant 0 : i32
      %dma_wait3A_105 = tpu.memref_slice %arg2[%dma_wait3A_104] : memref<320000xi32, #tpu.memory_space<hbm>> -> memref<80xi32, #tpu.memory_space<hbm>>
      %dma_wait3A_106 = arith.constant 0 : i32
      %dma_wait3A_107 = tpu.memref_slice %arg2[%dma_wait3A_106] : memref<320000xi32, #tpu.memory_space<hbm>> -> memref<80xi32, #tpu.memory_space<hbm>>
      tpu.wait_dma2 semaphore(%arg25 : memref<!tpu.dma_semaphore, #tpu.memory_space<semaphore_mem>>) src(%dma_wait3A_107 : memref<80xi32, #tpu.memory_space<hbm>>) dst(%arg7 : memref<80xi32, #tpu.memory_space<vmem>>)
      %parallel_loop3A_108 = arith.constant 0 : i32
      %parallel_loop3A_109 = arith.constant 5 : i32
      %parallel_loop3A_110 = arith.constant 1 : i32
      scf.for %parallel_loop3A_141 = %parallel_loop3A_108 to %parallel_loop3A_109 step %parallel_loop3A_110  : i32 {
        %parallel_loop3A_142 = arith.constant 16 : i32
        %parallel_loop3A_143 = arith.muli %parallel_loop3A_141, %parallel_loop3A_142 : i32
        %parallel_loop3A_144 = arith.index_cast %parallel_loop3A_143 : i32 to index
        %parallel_loop3A_145 = tpu.vector_load %arg7[%parallel_loop3A_144] {strides = array<i32>} : memref<80xi32, #tpu.memory_space<vmem>>, vector<16xi32>,
        %parallel_loop3A_146 = arith.constant 28 : i32
        %parallel_loop3A_147 = vector.broadcast %parallel_loop3A_146 : i32 to vector<16xi32>
        %parallel_loop3A_148 = arith.shrui %parallel_loop3A_145, %parallel_loop3A_147 : vector<16xi32>
        %parallel_loop3A_149 = arith.andi %parallel_loop3A_145, %broadcast_in_dim3A_0 : vector<16xi32>
        %parallel_loop3A_150 = arith.constant 10000 : i32
        %parallel_loop3A_151 = vector.broadcast %parallel_loop3A_150 : i32 to vector<16xi32>
        %parallel_loop3A_152 = arith.muli %parallel_loop3A_148, %parallel_loop3A_151 : vector<16xi32>
        %parallel_loop3A_153 = arith.constant 14 : i32
        %parallel_loop3A_154 = vector.broadcast %parallel_loop3A_153 : i32 to vector<16xi32>
        %parallel_loop3A_155 = arith.shrui %parallel_loop3A_145, %parallel_loop3A_154 : vector<16xi32>
        %parallel_loop3A_156 = arith.andi %parallel_loop3A_155, %broadcast_in_dim3A_0 : vector<16xi32>
        %parallel_loop3A_157 = arith.addi %parallel_loop3A_152, %parallel_loop3A_156 : vector<16xi32>
        %parallel_loop3A_158 = arith.index_cast %parallel_loop3A_143 : i32 to index
        %parallel_loop3A_159 = tpu.vector_load %arg9[%parallel_loop3A_158] {strides = array<i32>} : memref<80xi32, #tpu.memory_space<vmem>>, vector<16xi32>,
        tpu.vector_store %arg9[%parallel_loop3A_158], %parallel_loop3A_157 {strides = array<i32>} : memref<80xi32, #tpu.memory_space<vmem>>, vector<16xi32>,
        %parallel_loop3A_160 = arith.index_cast %parallel_loop3A_143 : i32 to index
        %parallel_loop3A_161 = tpu.vector_load %arg11[%parallel_loop3A_160] {strides = array<i32>} : memref<80xi32, #tpu.memory_space<vmem>>, vector<16xi32>,
        tpu.vector_store %arg11[%parallel_loop3A_160], %parallel_loop3A_149 {strides = array<i32>} : memref<80xi32, #tpu.memory_space<vmem>>, vector<16xi32>,
        %parallel_loop3A_162 = arith.constant 10000 : i32
        %parallel_loop3A_163 = vector.broadcast %parallel_loop3A_162 : i32 to vector<16xi32>
        %parallel_loop3A_164 = arith.muli %parallel_loop3A_148, %parallel_loop3A_163 : vector<16xi32>
        %parallel_loop3A_165 = arith.addi %parallel_loop3A_164, %parallel_loop3A_149 : vector<16xi32>
        %parallel_loop3A_166 = arith.index_cast %parallel_loop3A_143 : i32 to index
        %parallel_loop3A_167 = tpu.vector_load %arg15[%parallel_loop3A_166] {strides = array<i32>} : memref<80xi32, #tpu.memory_space<vmem>>, vector<16xi32>,
        tpu.vector_store %arg15[%parallel_loop3A_166], %parallel_loop3A_165 {strides = array<i32>} : memref<80xi32, #tpu.memory_space<vmem>>, vector<16xi32>,
      } {sc.loop_unroll_factor = 5 : i64, sc.parallel_access}
      %dma_start3A_111 = arith.constant 0 : i32
      %dma_start3A_112 = tpu.memref_slice %arg4[%dma_start3A_111] : memref<160000xf32, #tpu.memory_space<hbm>> -> memref<160000xf32, #tpu.memory_space<hbm>>
      tpu.enqueue_indirect_dma source(%dma_start3A_112 : memref<160000xf32, #tpu.memory_space<hbm>>) target(%arg13 : memref<80xf32, #tpu.memory_space<vmem>>) offsets(%arg15 : memref<80xi32, #tpu.memory_space<vmem>>) semaphore(%arg23 : memref<!tpu.dma_semaphore, #tpu.memory_space<semaphore_mem>>)
      %dma_start3A_113 = arith.constant 0 : i32
      %dma_start3A_114 = arith.constant 0 : i32
      %dma_start3A_115 = tpu.memref_slice %arg3[%dma_start3A_113, %dma_start3A_114] : memref<160000x128xf32, #tpu.memory_space<hbm>> -> memref<160000x128xf32, #tpu.memory_space<hbm>>
      tpu.enqueue_indirect_dma source(%dma_start3A_115 : memref<160000x128xf32, #tpu.memory_space<hbm>>) target(%arg17 : memref<80x128xf32, #tpu.memory_space<vmem>>) offsets(%arg9 : memref<80xi32, #tpu.memory_space<vmem>>) semaphore(%arg19 : memref<!tpu.dma_semaphore, #tpu.memory_space<semaphore_mem>>)
      %add3A_116 = arith.constant 2 : i32
      %add3A_117 = arith.addi %add3A_100, %add3A_116 : i32
      %lt3A = arith.constant 125 : i32
      %lt3A_118 = arith.cmpi slt, %add3A_117, %lt3A : i32
      %convert_element_type3A = arith.extui %lt3A_118 : i1 to i32
      %cond3A = arith.constant 0 : i32
      %cond3A_119 = arith.cmpi ne, %convert_element_type3A, %cond3A : i32
      scf.if %cond3A_119 {
        %add3A_141 = arith.constant 2 : i32
        %add3A_142 = arith.addi %add3A_100, %add3A_141 : i32
        %mul3A_143 = arith.constant 80 : i32
        %mul3A_144 = arith.muli %add3A_142, %mul3A_143 : i32
        %add3A_145 = arith.addi %add3A, %mul3A_144 : i32
        %dma_start3A_146 = tpu.memref_slice %arg2[%add3A_145] : memref<320000xi32, #tpu.memory_space<hbm>> -> memref<80xi32, #tpu.memory_space<hbm>>
        %dma_start3A_147 = tpu.memref_slice %arg2[%add3A_145] : memref<320000xi32, #tpu.memory_space<hbm>> -> memref<80xi32, #tpu.memory_space<hbm>>
        tpu.enqueue_dma source(%dma_start3A_147 : memref<80xi32, #tpu.memory_space<hbm>>) target(%arg7 : memref<80xi32, #tpu.memory_space<vmem>>) target_semaphore(%arg25 : memref<!tpu.dma_semaphore, #tpu.memory_space<semaphore_mem>>)
      } else {
      }
      %dma_wait3A_120 = arith.constant 0 : i32
      %dma_wait3A_121 = tpu.memref_slice %arg4[%dma_wait3A_120] : memref<160000xf32, #tpu.memory_space<hbm>> -> memref<160000xf32, #tpu.memory_space<hbm>>
      tpu.wait_indirect_dma semaphore(%arg24 : memref<!tpu.dma_semaphore, #tpu.memory_space<semaphore_mem>>) src(%dma_wait3A_121 : memref<160000xf32, #tpu.memory_space<hbm>>) dst(%arg14 : memref<80xf32, #tpu.memory_space<vmem>>)
      %dma_wait3A_122 = arith.constant 0 : i32
      %dma_wait3A_123 = arith.constant 0 : i32
      %dma_wait3A_124 = tpu.memref_slice %arg3[%dma_wait3A_122, %dma_wait3A_123] : memref<160000x128xf32, #tpu.memory_space<hbm>> -> memref<160000x128xf32, #tpu.memory_space<hbm>>
      tpu.wait_indirect_dma semaphore(%arg20 : memref<!tpu.dma_semaphore, #tpu.memory_space<semaphore_mem>>) src(%dma_wait3A_124 : memref<160000x128xf32, #tpu.memory_space<hbm>>) dst(%arg18 : memref<80x128xf32, #tpu.memory_space<vmem>>)
      %parallel_loop3A_125 = arith.constant 0 : i32
      %parallel_loop3A_126 = arith.constant 80 : i32
      %parallel_loop3A_127 = arith.constant 1 : i32
      scf.for %parallel_loop3A_141 = %parallel_loop3A_125 to %parallel_loop3A_126 step %parallel_loop3A_127  : i32 {
        %parallel_loop3A_142 = vector.broadcast %parallel_loop3A_141 : i32 to vector<16xi32>
        %parallel_loop3A_143 = tpu.vector_load_idx %arg14[%parallel_loop3A_142] : memref<80xf32, #tpu.memory_space<vmem>>[vector<16xi32>], vector<16xf32>,
        %parallel_loop3A_144 = arith.index_cast %parallel_loop3A_141 : i32 to index
        %parallel_loop3A_145 = arith.constant 0 : index
        %parallel_loop3A_146 = tpu.vector_load %arg18[%parallel_loop3A_144, %parallel_loop3A_145] {strides = array<i32>} : memref<80x128xf32, #tpu.memory_space<vmem>>, vector<16xf32>,
        %parallel_loop3A_147 = arith.mulf %parallel_loop3A_146, %parallel_loop3A_143 : vector<16xf32>
        %parallel_loop3A_148 = arith.index_cast %parallel_loop3A_141 : i32 to index
        %parallel_loop3A_149 = arith.constant 0 : index
        %parallel_loop3A_150 = tpu.vector_load %arg18[%parallel_loop3A_148, %parallel_loop3A_149] {strides = array<i32>} : memref<80x128xf32, #tpu.memory_space<vmem>>, vector<16xf32>,
        tpu.vector_store %arg18[%parallel_loop3A_148, %parallel_loop3A_149], %parallel_loop3A_147 {strides = array<i32>} : memref<80x128xf32, #tpu.memory_space<vmem>>, vector<16xf32>,
        %parallel_loop3A_151 = arith.index_cast %parallel_loop3A_141 : i32 to index
        %parallel_loop3A_152 = arith.constant 16 : index
        %parallel_loop3A_153 = tpu.vector_load %arg18[%parallel_loop3A_151, %parallel_loop3A_152] {strides = array<i32>} : memref<80x128xf32, #tpu.memory_space<vmem>>, vector<16xf32>,
        %parallel_loop3A_154 = arith.mulf %parallel_loop3A_153, %parallel_loop3A_143 : vector<16xf32>
        %parallel_loop3A_155 = arith.index_cast %parallel_loop3A_141 : i32 to index
        %parallel_loop3A_156 = arith.constant 16 : index
        %parallel_loop3A_157 = tpu.vector_load %arg18[%parallel_loop3A_155, %parallel_loop3A_156] {strides = array<i32>} : memref<80x128xf32, #tpu.memory_space<vmem>>, vector<16xf32>,
        tpu.vector_store %arg18[%parallel_loop3A_155, %parallel_loop3A_156], %parallel_loop3A_154 {strides = array<i32>} : memref<80x128xf32, #tpu.memory_space<vmem>>, vector<16xf32>,
        %parallel_loop3A_158 = arith.index_cast %parallel_loop3A_141 : i32 to index
        %parallel_loop3A_159 = arith.constant 32 : index
        %parallel_loop3A_160 = tpu.vector_load %arg18[%parallel_loop3A_158, %parallel_loop3A_159] {strides = array<i32>} : memref<80x128xf32, #tpu.memory_space<vmem>>, vector<16xf32>,
        %parallel_loop3A_161 = arith.mulf %parallel_loop3A_160, %parallel_loop3A_143 : vector<16xf32>
        %parallel_loop3A_162 = arith.index_cast %parallel_loop3A_141 : i32 to index
        %parallel_loop3A_163 = arith.constant 32 : index
        %parallel_loop3A_164 = tpu.vector_load %arg18[%parallel_loop3A_162, %parallel_loop3A_163] {strides = array<i32>} : memref<80x128xf32, #tpu.memory_space<vmem>>, vector<16xf32>,
        tpu.vector_store %arg18[%parallel_loop3A_162, %parallel_loop3A_163], %parallel_loop3A_161 {strides = array<i32>} : memref<80x128xf32, #tpu.memory_space<vmem>>, vector<16xf32>,
        %parallel_loop3A_165 = arith.index_cast %parallel_loop3A_141 : i32 to index
        %parallel_loop3A_166 = arith.constant 48 : index
        %parallel_loop3A_167 = tpu.vector_load %arg18[%parallel_loop3A_165, %parallel_loop3A_166] {strides = array<i32>} : memref<80x128xf32, #tpu.memory_space<vmem>>, vector<16xf32>,
        %parallel_loop3A_168 = arith.mulf %parallel_loop3A_167, %parallel_loop3A_143 : vector<16xf32>
        %parallel_loop3A_169 = arith.index_cast %parallel_loop3A_141 : i32 to index
        %parallel_loop3A_170 = arith.constant 48 : index
        %parallel_loop3A_171 = tpu.vector_load %arg18[%parallel_loop3A_169, %parallel_loop3A_170] {strides = array<i32>} : memref<80x128xf32, #tpu.memory_space<vmem>>, vector<16xf32>,
        tpu.vector_store %arg18[%parallel_loop3A_169, %parallel_loop3A_170], %parallel_loop3A_168 {strides = array<i32>} : memref<80x128xf32, #tpu.memory_space<vmem>>, vector<16xf32>,
        %parallel_loop3A_172 = arith.index_cast %parallel_loop3A_141 : i32 to index
        %parallel_loop3A_173 = arith.constant 64 : index
        %parallel_loop3A_174 = tpu.vector_load %arg18[%parallel_loop3A_172, %parallel_loop3A_173] {strides = array<i32>} : memref<80x128xf32, #tpu.memory_space<vmem>>, vector<16xf32>,
        %parallel_loop3A_175 = arith.mulf %parallel_loop3A_174, %parallel_loop3A_143 : vector<16xf32>
        %parallel_loop3A_176 = arith.index_cast %parallel_loop3A_141 : i32 to index
        %parallel_loop3A_177 = arith.constant 64 : index
        %parallel_loop3A_178 = tpu.vector_load %arg18[%parallel_loop3A_176, %parallel_loop3A_177] {strides = array<i32>} : memref<80x128xf32, #tpu.memory_space<vmem>>, vector<16xf32>,
        tpu.vector_store %arg18[%parallel_loop3A_176, %parallel_loop3A_177], %parallel_loop3A_175 {strides = array<i32>} : memref<80x128xf32, #tpu.memory_space<vmem>>, vector<16xf32>,
        %parallel_loop3A_179 = arith.index_cast %parallel_loop3A_141 : i32 to index
        %parallel_loop3A_180 = arith.constant 80 : index
        %parallel_loop3A_181 = tpu.vector_load %arg18[%parallel_loop3A_179, %parallel_loop3A_180] {strides = array<i32>} : memref<80x128xf32, #tpu.memory_space<vmem>>, vector<16xf32>,
        %parallel_loop3A_182 = arith.mulf %parallel_loop3A_181, %parallel_loop3A_143 : vector<16xf32>
        %parallel_loop3A_183 = arith.index_cast %parallel_loop3A_141 : i32 to index
        %parallel_loop3A_184 = arith.constant 80 : index
        %parallel_loop3A_185 = tpu.vector_load %arg18[%parallel_loop3A_183, %parallel_loop3A_184] {strides = array<i32>} : memref<80x128xf32, #tpu.memory_space<vmem>>, vector<16xf32>,
        tpu.vector_store %arg18[%parallel_loop3A_183, %parallel_loop3A_184], %parallel_loop3A_182 {strides = array<i32>} : memref<80x128xf32, #tpu.memory_space<vmem>>, vector<16xf32>,
        %parallel_loop3A_186 = arith.index_cast %parallel_loop3A_141 : i32 to index
        %parallel_loop3A_187 = arith.constant 96 : index
        %parallel_loop3A_188 = tpu.vector_load %arg18[%parallel_loop3A_186, %parallel_loop3A_187] {strides = array<i32>} : memref<80x128xf32, #tpu.memory_space<vmem>>, vector<16xf32>,
        %parallel_loop3A_189 = arith.mulf %parallel_loop3A_188, %parallel_loop3A_143 : vector<16xf32>
        %parallel_loop3A_190 = arith.index_cast %parallel_loop3A_141 : i32 to index
        %parallel_loop3A_191 = arith.constant 96 : index
        %parallel_loop3A_192 = tpu.vector_load %arg18[%parallel_loop3A_190, %parallel_loop3A_191] {strides = array<i32>} : memref<80x128xf32, #tpu.memory_space<vmem>>, vector<16xf32>,
        tpu.vector_store %arg18[%parallel_loop3A_190, %parallel_loop3A_191], %parallel_loop3A_189 {strides = array<i32>} : memref<80x128xf32, #tpu.memory_space<vmem>>, vector<16xf32>,
        %parallel_loop3A_193 = arith.index_cast %parallel_loop3A_141 : i32 to index
        %parallel_loop3A_194 = arith.constant 112 : index
        %parallel_loop3A_195 = tpu.vector_load %arg18[%parallel_loop3A_193, %parallel_loop3A_194] {strides = array<i32>} : memref<80x128xf32, #tpu.memory_space<vmem>>, vector<16xf32>,
        %parallel_loop3A_196 = arith.mulf %parallel_loop3A_195, %parallel_loop3A_143 : vector<16xf32>
        %parallel_loop3A_197 = arith.index_cast %parallel_loop3A_141 : i32 to index
        %parallel_loop3A_198 = arith.constant 112 : index
        %parallel_loop3A_199 = tpu.vector_load %arg18[%parallel_loop3A_197, %parallel_loop3A_198] {strides = array<i32>} : memref<80x128xf32, #tpu.memory_space<vmem>>, vector<16xf32>,
        tpu.vector_store %arg18[%parallel_loop3A_197, %parallel_loop3A_198], %parallel_loop3A_196 {strides = array<i32>} : memref<80x128xf32, #tpu.memory_space<vmem>>, vector<16xf32>,
      } {sc.loop_unroll_factor = 4 : i64, sc.parallel_access}
      %dma_start3A_128 = arith.constant 0 : i32
      %dma_start3A_129 = arith.constant 0 : i32
      %dma_start3A_130 = tpu.memref_slice %arg6[%dma_start3A_128, %dma_start3A_129] : memref<10000x128xf32, #tpu.memory_space<vmem_shared>> -> memref<10000x128xf32, #tpu.memory_space<vmem_shared>>
      tpu.enqueue_indirect_dma source(%arg18 : memref<80x128xf32, #tpu.memory_space<vmem>>) target(%dma_start3A_130 : memref<10000x128xf32, #tpu.memory_space<vmem_shared>>) offsets(%arg12 : memref<80xi32, #tpu.memory_space<vmem>>) semaphore(%arg22 : memref<!tpu.dma_semaphore, #tpu.memory_space<semaphore_mem>>) {add = true}
      %mul3A_131 = arith.constant 2 : i32
      %mul3A_132 = arith.muli %mul3A_131, %scan3A_84 : i32
      %add3A_133 = arith.constant 3 : i32
      %add3A_134 = arith.addi %mul3A_132, %add3A_133 : i32
      %lt3A_135 = arith.constant 125 : i32
      %lt3A_136 = arith.cmpi slt, %add3A_134, %lt3A_135 : i32
      %convert_element_type3A_137 = arith.extui %lt3A_136 : i1 to i32
      %cond3A_138 = arith.constant 0 : i32
      %cond3A_139 = arith.cmpi ne, %convert_element_type3A_137, %cond3A_138 : i32
      scf.if %cond3A_139 {
        %mul3A_141 = arith.constant 2 : i32
        %mul3A_142 = arith.muli %mul3A_141, %scan3A_84 : i32
        %add3A_143 = arith.constant 3 : i32
        %add3A_144 = arith.addi %mul3A_142, %add3A_143 : i32
        %dma_wait3A_145 = arith.constant 0 : i32
        %dma_wait3A_146 = arith.constant 0 : i32
        %dma_wait3A_147 = tpu.memref_slice %arg6[%dma_wait3A_145, %dma_wait3A_146] : memref<10000x128xf32, #tpu.memory_space<vmem_shared>> -> memref<10000x128xf32, #tpu.memory_space<vmem_shared>>
        tpu.wait_indirect_dma semaphore(%arg22 : memref<!tpu.dma_semaphore, #tpu.memory_space<semaphore_mem>>) src(%arg18 : memref<80x128xf32, #tpu.memory_space<vmem>>) dst(%dma_wait3A_147 : memref<10000x128xf32, #tpu.memory_space<vmem_shared>>)
        %dma_wait3A_148 = arith.constant 0 : i32
        %dma_wait3A_149 = tpu.memref_slice %arg2[%dma_wait3A_148] : memref<320000xi32, #tpu.memory_space<hbm>> -> memref<80xi32, #tpu.memory_space<hbm>>
        %dma_wait3A_150 = arith.constant 0 : i32
        %dma_wait3A_151 = tpu.memref_slice %arg2[%dma_wait3A_150] : memref<320000xi32, #tpu.memory_space<hbm>> -> memref<80xi32, #tpu.memory_space<hbm>>
        tpu.wait_dma2 semaphore(%arg26 : memref<!tpu.dma_semaphore, #tpu.memory_space<semaphore_mem>>) src(%dma_wait3A_151 : memref<80xi32, #tpu.memory_space<hbm>>) dst(%arg8 : memref<80xi32, #tpu.memory_space<vmem>>)
        %parallel_loop3A_152 = arith.constant 0 : i32
        %parallel_loop3A_153 = arith.constant 5 : i32
        %parallel_loop3A_154 = arith.constant 1 : i32
        scf.for %parallel_loop3A_167 = %parallel_loop3A_152 to %parallel_loop3A_153 step %parallel_loop3A_154  : i32 {
          %parallel_loop3A_168 = arith.constant 16 : i32
          %parallel_loop3A_169 = arith.muli %parallel_loop3A_167, %parallel_loop3A_168 : i32
          %parallel_loop3A_170 = arith.index_cast %parallel_loop3A_169 : i32 to index
          %parallel_loop3A_171 = tpu.vector_load %arg8[%parallel_loop3A_170] {strides = array<i32>} : memref<80xi32, #tpu.memory_space<vmem>>, vector<16xi32>,
          %parallel_loop3A_172 = arith.constant 28 : i32
          %parallel_loop3A_173 = vector.broadcast %parallel_loop3A_172 : i32 to vector<16xi32>
          %parallel_loop3A_174 = arith.shrui %parallel_loop3A_171, %parallel_loop3A_173 : vector<16xi32>
          %parallel_loop3A_175 = arith.andi %parallel_loop3A_171, %broadcast_in_dim3A_0 : vector<16xi32>
          %parallel_loop3A_176 = arith.constant 10000 : i32
          %parallel_loop3A_177 = vector.broadcast %parallel_loop3A_176 : i32 to vector<16xi32>
          %parallel_loop3A_178 = arith.muli %parallel_loop3A_174, %parallel_loop3A_177 : vector<16xi32>
          %parallel_loop3A_179 = arith.constant 14 : i32
          %parallel_loop3A_180 = vector.broadcast %parallel_loop3A_179 : i32 to vector<16xi32>
          %parallel_loop3A_181 = arith.shrui %parallel_loop3A_171, %parallel_loop3A_180 : vector<16xi32>
          %parallel_loop3A_182 = arith.andi %parallel_loop3A_181, %broadcast_in_dim3A_0 : vector<16xi32>
          %parallel_loop3A_183 = arith.addi %parallel_loop3A_178, %parallel_loop3A_182 : vector<16xi32>
          %parallel_loop3A_184 = arith.index_cast %parallel_loop3A_169 : i32 to index
          %parallel_loop3A_185 = tpu.vector_load %arg10[%parallel_loop3A_184] {strides = array<i32>} : memref<80xi32, #tpu.memory_space<vmem>>, vector<16xi32>,
          tpu.vector_store %arg10[%parallel_loop3A_184], %parallel_loop3A_183 {strides = array<i32>} : memref<80xi32, #tpu.memory_space<vmem>>, vector<16xi32>,
          %parallel_loop3A_186 = arith.index_cast %parallel_loop3A_169 : i32 to index
          %parallel_loop3A_187 = tpu.vector_load %arg12[%parallel_loop3A_186] {strides = array<i32>} : memref<80xi32, #tpu.memory_space<vmem>>, vector<16xi32>,
          tpu.vector_store %arg12[%parallel_loop3A_186], %parallel_loop3A_175 {strides = array<i32>} : memref<80xi32, #tpu.memory_space<vmem>>, vector<16xi32>,
          %parallel_loop3A_188 = arith.constant 10000 : i32
          %parallel_loop3A_189 = vector.broadcast %parallel_loop3A_188 : i32 to vector<16xi32>
          %parallel_loop3A_190 = arith.muli %parallel_loop3A_174, %parallel_loop3A_189 : vector<16xi32>
          %parallel_loop3A_191 = arith.addi %parallel_loop3A_190, %parallel_loop3A_175 : vector<16xi32>
          %parallel_loop3A_192 = arith.index_cast %parallel_loop3A_169 : i32 to index
          %parallel_loop3A_193 = tpu.vector_load %arg16[%parallel_loop3A_192] {strides = array<i32>} : memref<80xi32, #tpu.memory_space<vmem>>, vector<16xi32>,
          tpu.vector_store %arg16[%parallel_loop3A_192], %parallel_loop3A_191 {strides = array<i32>} : memref<80xi32, #tpu.memory_space<vmem>>, vector<16xi32>,
        } {sc.loop_unroll_factor = 5 : i64, sc.parallel_access}
        %dma_start3A_155 = arith.constant 0 : i32
        %dma_start3A_156 = tpu.memref_slice %arg4[%dma_start3A_155] : memref<160000xf32, #tpu.memory_space<hbm>> -> memref<160000xf32, #tpu.memory_space<hbm>>
        tpu.enqueue_indirect_dma source(%dma_start3A_156 : memref<160000xf32, #tpu.memory_space<hbm>>) target(%arg14 : memref<80xf32, #tpu.memory_space<vmem>>) offsets(%arg16 : memref<80xi32, #tpu.memory_space<vmem>>) semaphore(%arg24 : memref<!tpu.dma_semaphore, #tpu.memory_space<semaphore_mem>>)
        %dma_start3A_157 = arith.constant 0 : i32
        %dma_start3A_158 = arith.constant 0 : i32
        %dma_start3A_159 = tpu.memref_slice %arg3[%dma_start3A_157, %dma_start3A_158] : memref<160000x128xf32, #tpu.memory_space<hbm>> -> memref<160000x128xf32, #tpu.memory_space<hbm>>
        tpu.enqueue_indirect_dma source(%dma_start3A_159 : memref<160000x128xf32, #tpu.memory_space<hbm>>) target(%arg18 : memref<80x128xf32, #tpu.memory_space<vmem>>) offsets(%arg10 : memref<80xi32, #tpu.memory_space<vmem>>) semaphore(%arg20 : memref<!tpu.dma_semaphore, #tpu.memory_space<semaphore_mem>>)
        %add3A_160 = arith.constant 2 : i32
        %add3A_161 = arith.addi %add3A_144, %add3A_160 : i32
        %lt3A_162 = arith.constant 125 : i32
        %lt3A_163 = arith.cmpi slt, %add3A_161, %lt3A_162 : i32
        %convert_element_type3A_164 = arith.extui %lt3A_163 : i1 to i32
        %cond3A_165 = arith.constant 0 : i32
        %cond3A_166 = arith.cmpi ne, %convert_element_type3A_164, %cond3A_165 : i32
        scf.if %cond3A_166 {
          %add3A_167 = arith.constant 2 : i32
          %add3A_168 = arith.addi %add3A_144, %add3A_167 : i32
          %mul3A_169 = arith.constant 80 : i32
          %mul3A_170 = arith.muli %add3A_168, %mul3A_169 : i32
          %add3A_171 = arith.addi %add3A, %mul3A_170 : i32
          %dma_start3A_172 = tpu.memref_slice %arg2[%add3A_171] : memref<320000xi32, #tpu.memory_space<hbm>> -> memref<80xi32, #tpu.memory_space<hbm>>
          %dma_start3A_173 = tpu.memref_slice %arg2[%add3A_171] : memref<320000xi32, #tpu.memory_space<hbm>> -> memref<80xi32, #tpu.memory_space<hbm>>
          tpu.enqueue_dma source(%dma_start3A_173 : memref<80xi32, #tpu.memory_space<hbm>>) target(%arg8 : memref<80xi32, #tpu.memory_space<vmem>>) target_semaphore(%arg26 : memref<!tpu.dma_semaphore, #tpu.memory_space<semaphore_mem>>)
        } else {
        }
      } else {
      }
      %scan3A_140 = arith.constant 0 : i32
      scf.yield %scan3A_140 : i32
    }
    %scan3A_58 = arith.constant 62 : i32
    %dma_wait3A_59 = arith.constant 0 : i32
    %dma_wait3A_60 = tpu.memref_slice %arg4[%dma_wait3A_59] : memref<160000xf32, #tpu.memory_space<hbm>> -> memref<160000xf32, #tpu.memory_space<hbm>>
    tpu.wait_indirect_dma semaphore(%arg23 : memref<!tpu.dma_semaphore, #tpu.memory_space<semaphore_mem>>) src(%dma_wait3A_60 : memref<160000xf32, #tpu.memory_space<hbm>>) dst(%arg13 : memref<80xf32, #tpu.memory_space<vmem>>)
    %dma_wait3A_61 = arith.constant 0 : i32
    %dma_wait3A_62 = arith.constant 0 : i32
    %dma_wait3A_63 = tpu.memref_slice %arg3[%dma_wait3A_61, %dma_wait3A_62] : memref<160000x128xf32, #tpu.memory_space<hbm>> -> memref<160000x128xf32, #tpu.memory_space<hbm>>
    tpu.wait_indirect_dma semaphore(%arg19 : memref<!tpu.dma_semaphore, #tpu.memory_space<semaphore_mem>>) src(%dma_wait3A_63 : memref<160000x128xf32, #tpu.memory_space<hbm>>) dst(%arg17 : memref<80x128xf32, #tpu.memory_space<vmem>>)
    %parallel_loop3A_64 = arith.constant 0 : i32
    %parallel_loop3A_65 = arith.constant 80 : i32
    %parallel_loop3A_66 = arith.constant 1 : i32
    scf.for %parallel_loop3A_84 = %parallel_loop3A_64 to %parallel_loop3A_65 step %parallel_loop3A_66  : i32 {
      %parallel_loop3A_85 = vector.broadcast %parallel_loop3A_84 : i32 to vector<16xi32>
      %parallel_loop3A_86 = tpu.vector_load_idx %arg13[%parallel_loop3A_85] : memref<80xf32, #tpu.memory_space<vmem>>[vector<16xi32>], vector<16xf32>,
      %parallel_loop3A_87 = arith.index_cast %parallel_loop3A_84 : i32 to index
      %parallel_loop3A_88 = arith.constant 0 : index
      %parallel_loop3A_89 = tpu.vector_load %arg17[%parallel_loop3A_87, %parallel_loop3A_88] {strides = array<i32>} : memref<80x128xf32, #tpu.memory_space<vmem>>, vector<16xf32>,
      %parallel_loop3A_90 = arith.mulf %parallel_loop3A_89, %parallel_loop3A_86 : vector<16xf32>
      %parallel_loop3A_91 = arith.index_cast %parallel_loop3A_84 : i32 to index
      %parallel_loop3A_92 = arith.constant 0 : index
      %parallel_loop3A_93 = tpu.vector_load %arg17[%parallel_loop3A_91, %parallel_loop3A_92] {strides = array<i32>} : memref<80x128xf32, #tpu.memory_space<vmem>>, vector<16xf32>,
      tpu.vector_store %arg17[%parallel_loop3A_91, %parallel_loop3A_92], %parallel_loop3A_90 {strides = array<i32>} : memref<80x128xf32, #tpu.memory_space<vmem>>, vector<16xf32>,
      %parallel_loop3A_94 = arith.index_cast %parallel_loop3A_84 : i32 to index
      %parallel_loop3A_95 = arith.constant 16 : index
      %parallel_loop3A_96 = tpu.vector_load %arg17[%parallel_loop3A_94, %parallel_loop3A_95] {strides = array<i32>} : memref<80x128xf32, #tpu.memory_space<vmem>>, vector<16xf32>,
      %parallel_loop3A_97 = arith.mulf %parallel_loop3A_96, %parallel_loop3A_86 : vector<16xf32>
      %parallel_loop3A_98 = arith.index_cast %parallel_loop3A_84 : i32 to index
      %parallel_loop3A_99 = arith.constant 16 : index
      %parallel_loop3A_100 = tpu.vector_load %arg17[%parallel_loop3A_98, %parallel_loop3A_99] {strides = array<i32>} : memref<80x128xf32, #tpu.memory_space<vmem>>, vector<16xf32>,
      tpu.vector_store %arg17[%parallel_loop3A_98, %parallel_loop3A_99], %parallel_loop3A_97 {strides = array<i32>} : memref<80x128xf32, #tpu.memory_space<vmem>>, vector<16xf32>,
      %parallel_loop3A_101 = arith.index_cast %parallel_loop3A_84 : i32 to index
      %parallel_loop3A_102 = arith.constant 32 : index
      %parallel_loop3A_103 = tpu.vector_load %arg17[%parallel_loop3A_101, %parallel_loop3A_102] {strides = array<i32>} : memref<80x128xf32, #tpu.memory_space<vmem>>, vector<16xf32>,
      %parallel_loop3A_104 = arith.mulf %parallel_loop3A_103, %parallel_loop3A_86 : vector<16xf32>
      %parallel_loop3A_105 = arith.index_cast %parallel_loop3A_84 : i32 to index
      %parallel_loop3A_106 = arith.constant 32 : index
      %parallel_loop3A_107 = tpu.vector_load %arg17[%parallel_loop3A_105, %parallel_loop3A_106] {strides = array<i32>} : memref<80x128xf32, #tpu.memory_space<vmem>>, vector<16xf32>,
      tpu.vector_store %arg17[%parallel_loop3A_105, %parallel_loop3A_106], %parallel_loop3A_104 {strides = array<i32>} : memref<80x128xf32, #tpu.memory_space<vmem>>, vector<16xf32>,
      %parallel_loop3A_108 = arith.index_cast %parallel_loop3A_84 : i32 to index
      %parallel_loop3A_109 = arith.constant 48 : index
      %parallel_loop3A_110 = tpu.vector_load %arg17[%parallel_loop3A_108, %parallel_loop3A_109] {strides = array<i32>} : memref<80x128xf32, #tpu.memory_space<vmem>>, vector<16xf32>,
      %parallel_loop3A_111 = arith.mulf %parallel_loop3A_110, %parallel_loop3A_86 : vector<16xf32>
      %parallel_loop3A_112 = arith.index_cast %parallel_loop3A_84 : i32 to index
      %parallel_loop3A_113 = arith.constant 48 : index
      %parallel_loop3A_114 = tpu.vector_load %arg17[%parallel_loop3A_112, %parallel_loop3A_113] {strides = array<i32>} : memref<80x128xf32, #tpu.memory_space<vmem>>, vector<16xf32>,
      tpu.vector_store %arg17[%parallel_loop3A_112, %parallel_loop3A_113], %parallel_loop3A_111 {strides = array<i32>} : memref<80x128xf32, #tpu.memory_space<vmem>>, vector<16xf32>,
      %parallel_loop3A_115 = arith.index_cast %parallel_loop3A_84 : i32 to index
      %parallel_loop3A_116 = arith.constant 64 : index
      %parallel_loop3A_117 = tpu.vector_load %arg17[%parallel_loop3A_115, %parallel_loop3A_116] {strides = array<i32>} : memref<80x128xf32, #tpu.memory_space<vmem>>, vector<16xf32>,
      %parallel_loop3A_118 = arith.mulf %parallel_loop3A_117, %parallel_loop3A_86 : vector<16xf32>
      %parallel_loop3A_119 = arith.index_cast %parallel_loop3A_84 : i32 to index
      %parallel_loop3A_120 = arith.constant 64 : index
      %parallel_loop3A_121 = tpu.vector_load %arg17[%parallel_loop3A_119, %parallel_loop3A_120] {strides = array<i32>} : memref<80x128xf32, #tpu.memory_space<vmem>>, vector<16xf32>,
      tpu.vector_store %arg17[%parallel_loop3A_119, %parallel_loop3A_120], %parallel_loop3A_118 {strides = array<i32>} : memref<80x128xf32, #tpu.memory_space<vmem>>, vector<16xf32>,
      %parallel_loop3A_122 = arith.index_cast %parallel_loop3A_84 : i32 to index
      %parallel_loop3A_123 = arith.constant 80 : index
      %parallel_loop3A_124 = tpu.vector_load %arg17[%parallel_loop3A_122, %parallel_loop3A_123] {strides = array<i32>} : memref<80x128xf32, #tpu.memory_space<vmem>>, vector<16xf32>,
      %parallel_loop3A_125 = arith.mulf %parallel_loop3A_124, %parallel_loop3A_86 : vector<16xf32>
      %parallel_loop3A_126 = arith.index_cast %parallel_loop3A_84 : i32 to index
      %parallel_loop3A_127 = arith.constant 80 : index
      %parallel_loop3A_128 = tpu.vector_load %arg17[%parallel_loop3A_126, %parallel_loop3A_127] {strides = array<i32>} : memref<80x128xf32, #tpu.memory_space<vmem>>, vector<16xf32>,
      tpu.vector_store %arg17[%parallel_loop3A_126, %parallel_loop3A_127], %parallel_loop3A_125 {strides = array<i32>} : memref<80x128xf32, #tpu.memory_space<vmem>>, vector<16xf32>,
      %parallel_loop3A_129 = arith.index_cast %parallel_loop3A_84 : i32 to index
      %parallel_loop3A_130 = arith.constant 96 : index
      %parallel_loop3A_131 = tpu.vector_load %arg17[%parallel_loop3A_129, %parallel_loop3A_130] {strides = array<i32>} : memref<80x128xf32, #tpu.memory_space<vmem>>, vector<16xf32>,
      %parallel_loop3A_132 = arith.mulf %parallel_loop3A_131, %parallel_loop3A_86 : vector<16xf32>
      %parallel_loop3A_133 = arith.index_cast %parallel_loop3A_84 : i32 to index
      %parallel_loop3A_134 = arith.constant 96 : index
      %parallel_loop3A_135 = tpu.vector_load %arg17[%parallel_loop3A_133, %parallel_loop3A_134] {strides = array<i32>} : memref<80x128xf32, #tpu.memory_space<vmem>>, vector<16xf32>,
      tpu.vector_store %arg17[%parallel_loop3A_133, %parallel_loop3A_134], %parallel_loop3A_132 {strides = array<i32>} : memref<80x128xf32, #tpu.memory_space<vmem>>, vector<16xf32>,
      %parallel_loop3A_136 = arith.index_cast %parallel_loop3A_84 : i32 to index
      %parallel_loop3A_137 = arith.constant 112 : index
      %parallel_loop3A_138 = tpu.vector_load %arg17[%parallel_loop3A_136, %parallel_loop3A_137] {strides = array<i32>} : memref<80x128xf32, #tpu.memory_space<vmem>>, vector<16xf32>,
      %parallel_loop3A_139 = arith.mulf %parallel_loop3A_138, %parallel_loop3A_86 : vector<16xf32>
      %parallel_loop3A_140 = arith.index_cast %parallel_loop3A_84 : i32 to index
      %parallel_loop3A_141 = arith.constant 112 : index
      %parallel_loop3A_142 = tpu.vector_load %arg17[%parallel_loop3A_140, %parallel_loop3A_141] {strides = array<i32>} : memref<80x128xf32, #tpu.memory_space<vmem>>, vector<16xf32>,
      tpu.vector_store %arg17[%parallel_loop3A_140, %parallel_loop3A_141], %parallel_loop3A_139 {strides = array<i32>} : memref<80x128xf32, #tpu.memory_space<vmem>>, vector<16xf32>,
    } {sc.loop_unroll_factor = 4 : i64, sc.parallel_access}
    %dma_start3A_67 = arith.constant 0 : i32
    %dma_start3A_68 = arith.constant 0 : i32
    %dma_start3A_69 = tpu.memref_slice %arg6[%dma_start3A_67, %dma_start3A_68] : memref<10000x128xf32, #tpu.memory_space<vmem_shared>> -> memref<10000x128xf32, #tpu.memory_space<vmem_shared>>
    tpu.enqueue_indirect_dma source(%arg17 : memref<80x128xf32, #tpu.memory_space<vmem>>) target(%dma_start3A_69 : memref<10000x128xf32, #tpu.memory_space<vmem_shared>>) offsets(%arg11 : memref<80xi32, #tpu.memory_space<vmem>>) semaphore(%arg21 : memref<!tpu.dma_semaphore, #tpu.memory_space<semaphore_mem>>) {add = true}
    %dma_wait3A_70 = arith.constant 0 : i32
    %dma_wait3A_71 = arith.constant 0 : i32
    %dma_wait3A_72 = tpu.memref_slice %arg6[%dma_wait3A_70, %dma_wait3A_71] : memref<10000x128xf32, #tpu.memory_space<vmem_shared>> -> memref<10000x128xf32, #tpu.memory_space<vmem_shared>>
    tpu.wait_indirect_dma semaphore(%arg21 : memref<!tpu.dma_semaphore, #tpu.memory_space<semaphore_mem>>) src(%arg17 : memref<80x128xf32, #tpu.memory_space<vmem>>) dst(%dma_wait3A_72 : memref<10000x128xf32, #tpu.memory_space<vmem_shared>>)
    %dma_wait3A_73 = arith.constant 0 : i32
    %dma_wait3A_74 = arith.constant 0 : i32
    %dma_wait3A_75 = tpu.memref_slice %arg6[%dma_wait3A_73, %dma_wait3A_74] : memref<10000x128xf32, #tpu.memory_space<vmem_shared>> -> memref<10000x128xf32, #tpu.memory_space<vmem_shared>>
    tpu.wait_indirect_dma semaphore(%arg22 : memref<!tpu.dma_semaphore, #tpu.memory_space<semaphore_mem>>) src(%arg18 : memref<80x128xf32, #tpu.memory_space<vmem>>) dst(%dma_wait3A_75 : memref<10000x128xf32, #tpu.memory_space<vmem_shared>>)
    %barrier3A_76 = arith.constant 0 : index
    tpu.barrier barrier_id(%barrier3A_76)
    %scan3A_77 = arith.constant 0 : i32
    %scan3A_78 = arith.constant 0 : i32
    %scan3A_79 = arith.constant 79 : i32
    %scan3A_80 = arith.addi %scan3A_78, %scan3A_79 : i32
    %scan3A_81 = arith.constant 1 : i32
    %scan3A_82 = scf.for %scan3A_84 = %scan3A_78 to %scan3A_80 step %scan3A_81 iter_args(%scan3A_85 = %scan3A_77) -> (i32)  : i32 {
      %mul3A_86 = arith.constant 16 : i32
      %mul3A_87 = arith.muli %scan3A_84, %mul3A_86 : i32
      %add3A_88 = arith.addi %mul3A_87, %arg1 : i32
      %lt3A = arith.constant 1250 : i32
      %lt3A_89 = arith.cmpi slt, %add3A_88, %lt3A : i32
      %convert_element_type3A = arith.extui %lt3A_89 : i1 to i32
      %cond3A = arith.constant 0 : i32
      %cond3A_90 = arith.cmpi ne, %convert_element_type3A, %cond3A : i32
      scf.if %cond3A_90 {
        %mul3A_92 = arith.constant 8 : i32
        %mul3A_93 = arith.muli %add3A_88, %mul3A_92 : i32
        %mul3A_94 = arith.constant 8 : i32
        %mul3A_95 = arith.muli %add3A_88, %mul3A_94 : i32
        "tpu.region"() ({
          %run_scoped3A = tpu.sem_alloc : memref<!tpu.dma_semaphore, #tpu.memory_space<semaphore_mem>>
          %dma_start3A_96 = arith.constant 0 : i32
          %dma_start3A_97 = tpu.memref_slice %arg5[%arg0, %mul3A_95, %dma_start3A_96] : memref<2x10000x128xf32, #tpu.memory_space<hbm>> -> memref<1x8x128xf32, #tpu.memory_space<hbm>>
          %dma_start3A_98 = tpu.memref_squeeze %dma_start3A_97 : memref<1x8x128xf32, #tpu.memory_space<hbm>> -> memref<8x128xf32, #tpu.memory_space<hbm>>
          %dma_start3A_99 = arith.constant 0 : i32
          %dma_start3A_100 = tpu.memref_slice %arg6[%mul3A_93, %dma_start3A_99] : memref<10000x128xf32, #tpu.memory_space<vmem_shared>> -> memref<8x128xf32, #tpu.memory_space<vmem_shared>>
          tpu.enqueue_dma source(%dma_start3A_100 : memref<8x128xf32, #tpu.memory_space<vmem_shared>>) target(%dma_start3A_98 : memref<8x128xf32, #tpu.memory_space<hbm>>) target_semaphore(%run_scoped3A : memref<!tpu.dma_semaphore, #tpu.memory_space<semaphore_mem>>)
          %dma_wait3A_101 = arith.constant 0 : i32
          %dma_wait3A_102 = tpu.memref_slice %arg5[%arg0, %mul3A_95, %dma_wait3A_101] : memref<2x10000x128xf32, #tpu.memory_space<hbm>> -> memref<1x8x128xf32, #tpu.memory_space<hbm>>
          %dma_wait3A_103 = tpu.memref_squeeze %dma_wait3A_102 : memref<1x8x128xf32, #tpu.memory_space<hbm>> -> memref<8x128xf32, #tpu.memory_space<hbm>>
          %dma_wait3A_104 = arith.constant 0 : i32
          %dma_wait3A_105 = tpu.memref_slice %arg6[%mul3A_93, %dma_wait3A_104] : memref<10000x128xf32, #tpu.memory_space<vmem_shared>> -> memref<8x128xf32, #tpu.memory_space<vmem_shared>>
          tpu.wait_dma2 semaphore(%run_scoped3A : memref<!tpu.dma_semaphore, #tpu.memory_space<semaphore_mem>>) src(%dma_wait3A_105 : memref<8x128xf32, #tpu.memory_space<vmem_shared>>) dst(%dma_wait3A_103 : memref<8x128xf32, #tpu.memory_space<hbm>>)
          tpu.yield
        }) : () -> ()
      } else {
      }
      %scan3A_91 = arith.constant 0 : i32
      scf.yield %scan3A_91 : i32
    }
    %scan3A_83 = arith.constant 79 : i32
    return
  }
}

#map = affine_map<(d0, d1) -> (0)>
module attributes {stable_mosaic.version = 14 : i64} {
  func.func @_sc_cnt(%arg0: i32, %arg1: i32, %arg2: memref<320000xi32, #tpu.memory_space<hbm>>, %arg3: memref<320000xf32, #tpu.memory_space<hbm>>, %arg4: memref<160000xf32, #tpu.memory_space<vmem_shared>>, %arg5: memref<80xi32, #tpu.memory_space<vmem>>, %arg6: memref<80xi32, #tpu.memory_space<vmem>>, %arg7: memref<80xi32, #tpu.memory_space<vmem>>, %arg8: memref<80xi32, #tpu.memory_space<vmem>>, %arg9: memref<80xf32, #tpu.memory_space<vmem>>, %arg10: memref<2000xf32, #tpu.memory_space<vmem>>, %arg11: memref<!tpu.dma_semaphore, #tpu.memory_space<semaphore_mem>>, %arg12: memref<!tpu.dma_semaphore, #tpu.memory_space<semaphore_mem>>, %arg13: memref<!tpu.dma_semaphore, #tpu.memory_space<semaphore_mem>>, %arg14: memref<!tpu.dma_semaphore, #tpu.memory_space<semaphore_mem>>) attributes {dimension_semantics = [#tpu.dimension_semantics<core_parallel>, #tpu.dimension_semantics<subcore_parallel>], iteration_bounds = array<i64: 2, 16>, scalar_prefetch = 0 : i64, scratch_operands = 11 : i64, tpu.core_type = #tpu.core_type<sc_vector_subcore>, window_params = [{transform_indices = #map}, {transform_indices = #map}]} {
    %broadcast_in_dim3A = arith.constant 16383 : i32
    %broadcast_in_dim3A_0 = vector.broadcast %broadcast_in_dim3A : i32 to vector<16xi32>
    %scan3A = arith.constant 0 : i32
    %scan3A_1 = arith.constant 0 : i32
    %scan3A_2 = arith.constant 125 : i32
    %scan3A_3 = arith.addi %scan3A_1, %scan3A_2 : i32
    %scan3A_4 = arith.constant 1 : i32
    %scan3A_5 = scf.for %scan3A_138 = %scan3A_1 to %scan3A_3 step %scan3A_4 iter_args(%scan3A_139 = %scan3A) -> (i32)  : i32 {
      %broadcast_in_dim3A_140 = arith.constant 0.000000e+00 : f32
      %broadcast_in_dim3A_141 = vector.broadcast %broadcast_in_dim3A_140 : f32 to vector<16xf32>
      %mul3A_142 = arith.constant 16 : i32
      %mul3A_143 = arith.muli %scan3A_138, %mul3A_142 : i32
      %swap3A_144 = arith.index_cast %mul3A_143 : i32 to index
      %swap3A_145 = tpu.vector_load %arg10[%swap3A_144] {strides = array<i32>} : memref<2000xf32, #tpu.memory_space<vmem>>, vector<16xf32>,
      tpu.vector_store %arg10[%swap3A_144], %broadcast_in_dim3A_141 {strides = array<i32>} : memref<2000xf32, #tpu.memory_space<vmem>>, vector<16xf32>,
      %scan3A_146 = arith.constant 0 : i32
      scf.yield %scan3A_146 : i32
    }
    %scan3A_6 = arith.constant 125 : i32
    %broadcast_in_dim3A_7 = arith.constant 1.000000e+00 : f32
    %broadcast_in_dim3A_8 = vector.broadcast %broadcast_in_dim3A_7 : f32 to vector<16xf32>
    %swap3A = arith.constant 0 : index
    %swap3A_9 = tpu.vector_load %arg9[%swap3A] {strides = array<i32>} : memref<80xf32, #tpu.memory_space<vmem>>, vector<16xf32>,
    tpu.vector_store %arg9[%swap3A], %broadcast_in_dim3A_8 {strides = array<i32>} : memref<80xf32, #tpu.memory_space<vmem>>, vector<16xf32>,
    %broadcast_in_dim3A_10 = arith.constant 1.000000e+00 : f32
    %broadcast_in_dim3A_11 = vector.broadcast %broadcast_in_dim3A_10 : f32 to vector<16xf32>
    %swap3A_12 = arith.constant 16 : index
    %swap3A_13 = tpu.vector_load %arg9[%swap3A_12] {strides = array<i32>} : memref<80xf32, #tpu.memory_space<vmem>>, vector<16xf32>,
    tpu.vector_store %arg9[%swap3A_12], %broadcast_in_dim3A_11 {strides = array<i32>} : memref<80xf32, #tpu.memory_space<vmem>>, vector<16xf32>,
    %broadcast_in_dim3A_14 = arith.constant 1.000000e+00 : f32
    %broadcast_in_dim3A_15 = vector.broadcast %broadcast_in_dim3A_14 : f32 to vector<16xf32>
    %swap3A_16 = arith.constant 32 : index
    %swap3A_17 = tpu.vector_load %arg9[%swap3A_16] {strides = array<i32>} : memref<80xf32, #tpu.memory_space<vmem>>, vector<16xf32>,
    tpu.vector_store %arg9[%swap3A_16], %broadcast_in_dim3A_15 {strides = array<i32>} : memref<80xf32, #tpu.memory_space<vmem>>, vector<16xf32>,
    %broadcast_in_dim3A_18 = arith.constant 1.000000e+00 : f32
    %broadcast_in_dim3A_19 = vector.broadcast %broadcast_in_dim3A_18 : f32 to vector<16xf32>
    %swap3A_20 = arith.constant 48 : index
    %swap3A_21 = tpu.vector_load %arg9[%swap3A_20] {strides = array<i32>} : memref<80xf32, #tpu.memory_space<vmem>>, vector<16xf32>,
    tpu.vector_store %arg9[%swap3A_20], %broadcast_in_dim3A_19 {strides = array<i32>} : memref<80xf32, #tpu.memory_space<vmem>>, vector<16xf32>,
    %broadcast_in_dim3A_22 = arith.constant 1.000000e+00 : f32
    %broadcast_in_dim3A_23 = vector.broadcast %broadcast_in_dim3A_22 : f32 to vector<16xf32>
    %swap3A_24 = arith.constant 64 : index
    %swap3A_25 = tpu.vector_load %arg9[%swap3A_24] {strides = array<i32>} : memref<80xf32, #tpu.memory_space<vmem>>, vector<16xf32>,
    tpu.vector_store %arg9[%swap3A_24], %broadcast_in_dim3A_23 {strides = array<i32>} : memref<80xf32, #tpu.memory_space<vmem>>, vector<16xf32>,
    %mul3A = arith.constant 10000 : i32
    %mul3A_26 = arith.muli %arg1, %mul3A : i32
    %add3A = arith.constant 0 : i32
    %add3A_27 = arith.addi %mul3A_26, %add3A : i32
    "tpu.region"() ({
      %run_scoped3A = tpu.sem_alloc : memref<!tpu.dma_semaphore, #tpu.memory_space<semaphore_mem>>
      %dma_start3A_138 = tpu.memref_slice %arg4[%add3A_27] : memref<160000xf32, #tpu.memory_space<vmem_shared>> -> memref<2000xf32, #tpu.memory_space<vmem_shared>>
      %dma_start3A_139 = tpu.memref_slice %arg4[%add3A_27] : memref<160000xf32, #tpu.memory_space<vmem_shared>> -> memref<2000xf32, #tpu.memory_space<vmem_shared>>
      tpu.enqueue_dma source(%arg10 : memref<2000xf32, #tpu.memory_space<vmem>>) target(%dma_start3A_139 : memref<2000xf32, #tpu.memory_space<vmem_shared>>) target_semaphore(%run_scoped3A : memref<!tpu.dma_semaphore, #tpu.memory_space<semaphore_mem>>)
      %dma_wait3A_140 = tpu.memref_slice %arg4[%add3A_27] : memref<160000xf32, #tpu.memory_space<vmem_shared>> -> memref<2000xf32, #tpu.memory_space<vmem_shared>>
      %dma_wait3A_141 = tpu.memref_slice %arg4[%add3A_27] : memref<160000xf32, #tpu.memory_space<vmem_shared>> -> memref<2000xf32, #tpu.memory_space<vmem_shared>>
      tpu.wait_dma2 semaphore(%run_scoped3A : memref<!tpu.dma_semaphore, #tpu.memory_space<semaphore_mem>>) src(%arg10 : memref<2000xf32, #tpu.memory_space<vmem>>) dst(%dma_wait3A_141 : memref<2000xf32, #tpu.memory_space<vmem_shared>>)
      tpu.yield
    }) : () -> ()
    %mul3A_28 = arith.constant 10000 : i32
    %mul3A_29 = arith.muli %arg1, %mul3A_28 : i32
    %add3A_30 = arith.constant 2000 : i32
    %add3A_31 = arith.addi %mul3A_29, %add3A_30 : i32
    "tpu.region"() ({
      %run_scoped3A = tpu.sem_alloc : memref<!tpu.dma_semaphore, #tpu.memory_space<semaphore_mem>>
      %dma_start3A_138 = tpu.memref_slice %arg4[%add3A_31] : memref<160000xf32, #tpu.memory_space<vmem_shared>> -> memref<2000xf32, #tpu.memory_space<vmem_shared>>
      %dma_start3A_139 = tpu.memref_slice %arg4[%add3A_31] : memref<160000xf32, #tpu.memory_space<vmem_shared>> -> memref<2000xf32, #tpu.memory_space<vmem_shared>>
      tpu.enqueue_dma source(%arg10 : memref<2000xf32, #tpu.memory_space<vmem>>) target(%dma_start3A_139 : memref<2000xf32, #tpu.memory_space<vmem_shared>>) target_semaphore(%run_scoped3A : memref<!tpu.dma_semaphore, #tpu.memory_space<semaphore_mem>>)
      %dma_wait3A_140 = tpu.memref_slice %arg4[%add3A_31] : memref<160000xf32, #tpu.memory_space<vmem_shared>> -> memref<2000xf32, #tpu.memory_space<vmem_shared>>
      %dma_wait3A_141 = tpu.memref_slice %arg4[%add3A_31] : memref<160000xf32, #tpu.memory_space<vmem_shared>> -> memref<2000xf32, #tpu.memory_space<vmem_shared>>
      tpu.wait_dma2 semaphore(%run_scoped3A : memref<!tpu.dma_semaphore, #tpu.memory_space<semaphore_mem>>) src(%arg10 : memref<2000xf32, #tpu.memory_space<vmem>>) dst(%dma_wait3A_141 : memref<2000xf32, #tpu.memory_space<vmem_shared>>)
      tpu.yield
    }) : () -> ()
    %mul3A_32 = arith.constant 10000 : i32
    %mul3A_33 = arith.muli %arg1, %mul3A_32 : i32
    %add3A_34 = arith.constant 4000 : i32
    %add3A_35 = arith.addi %mul3A_33, %add3A_34 : i32
    "tpu.region"() ({
      %run_scoped3A = tpu.sem_alloc : memref<!tpu.dma_semaphore, #tpu.memory_space<semaphore_mem>>
      %dma_start3A_138 = tpu.memref_slice %arg4[%add3A_35] : memref<160000xf32, #tpu.memory_space<vmem_shared>> -> memref<2000xf32, #tpu.memory_space<vmem_shared>>
      %dma_start3A_139 = tpu.memref_slice %arg4[%add3A_35] : memref<160000xf32, #tpu.memory_space<vmem_shared>> -> memref<2000xf32, #tpu.memory_space<vmem_shared>>
      tpu.enqueue_dma source(%arg10 : memref<2000xf32, #tpu.memory_space<vmem>>) target(%dma_start3A_139 : memref<2000xf32, #tpu.memory_space<vmem_shared>>) target_semaphore(%run_scoped3A : memref<!tpu.dma_semaphore, #tpu.memory_space<semaphore_mem>>)
      %dma_wait3A_140 = tpu.memref_slice %arg4[%add3A_35] : memref<160000xf32, #tpu.memory_space<vmem_shared>> -> memref<2000xf32, #tpu.memory_space<vmem_shared>>
      %dma_wait3A_141 = tpu.memref_slice %arg4[%add3A_35] : memref<160000xf32, #tpu.memory_space<vmem_shared>> -> memref<2000xf32, #tpu.memory_space<vmem_shared>>
      tpu.wait_dma2 semaphore(%run_scoped3A : memref<!tpu.dma_semaphore, #tpu.memory_space<semaphore_mem>>) src(%arg10 : memref<2000xf32, #tpu.memory_space<vmem>>) dst(%dma_wait3A_141 : memref<2000xf32, #tpu.memory_space<vmem_shared>>)
      tpu.yield
    }) : () -> ()
    %mul3A_36 = arith.constant 10000 : i32
    %mul3A_37 = arith.muli %arg1, %mul3A_36 : i32
    %add3A_38 = arith.constant 6000 : i32
    %add3A_39 = arith.addi %mul3A_37, %add3A_38 : i32
    "tpu.region"() ({
      %run_scoped3A = tpu.sem_alloc : memref<!tpu.dma_semaphore, #tpu.memory_space<semaphore_mem>>
      %dma_start3A_138 = tpu.memref_slice %arg4[%add3A_39] : memref<160000xf32, #tpu.memory_space<vmem_shared>> -> memref<2000xf32, #tpu.memory_space<vmem_shared>>
      %dma_start3A_139 = tpu.memref_slice %arg4[%add3A_39] : memref<160000xf32, #tpu.memory_space<vmem_shared>> -> memref<2000xf32, #tpu.memory_space<vmem_shared>>
      tpu.enqueue_dma source(%arg10 : memref<2000xf32, #tpu.memory_space<vmem>>) target(%dma_start3A_139 : memref<2000xf32, #tpu.memory_space<vmem_shared>>) target_semaphore(%run_scoped3A : memref<!tpu.dma_semaphore, #tpu.memory_space<semaphore_mem>>)
      %dma_wait3A_140 = tpu.memref_slice %arg4[%add3A_39] : memref<160000xf32, #tpu.memory_space<vmem_shared>> -> memref<2000xf32, #tpu.memory_space<vmem_shared>>
      %dma_wait3A_141 = tpu.memref_slice %arg4[%add3A_39] : memref<160000xf32, #tpu.memory_space<vmem_shared>> -> memref<2000xf32, #tpu.memory_space<vmem_shared>>
      tpu.wait_dma2 semaphore(%run_scoped3A : memref<!tpu.dma_semaphore, #tpu.memory_space<semaphore_mem>>) src(%arg10 : memref<2000xf32, #tpu.memory_space<vmem>>) dst(%dma_wait3A_141 : memref<2000xf32, #tpu.memory_space<vmem_shared>>)
      tpu.yield
    }) : () -> ()
    %mul3A_40 = arith.constant 10000 : i32
    %mul3A_41 = arith.muli %arg1, %mul3A_40 : i32
    %add3A_42 = arith.constant 8000 : i32
    %add3A_43 = arith.addi %mul3A_41, %add3A_42 : i32
    "tpu.region"() ({
      %run_scoped3A = tpu.sem_alloc : memref<!tpu.dma_semaphore, #tpu.memory_space<semaphore_mem>>
      %dma_start3A_138 = tpu.memref_slice %arg4[%add3A_43] : memref<160000xf32, #tpu.memory_space<vmem_shared>> -> memref<2000xf32, #tpu.memory_space<vmem_shared>>
      %dma_start3A_139 = tpu.memref_slice %arg4[%add3A_43] : memref<160000xf32, #tpu.memory_space<vmem_shared>> -> memref<2000xf32, #tpu.memory_space<vmem_shared>>
      tpu.enqueue_dma source(%arg10 : memref<2000xf32, #tpu.memory_space<vmem>>) target(%dma_start3A_139 : memref<2000xf32, #tpu.memory_space<vmem_shared>>) target_semaphore(%run_scoped3A : memref<!tpu.dma_semaphore, #tpu.memory_space<semaphore_mem>>)
      %dma_wait3A_140 = tpu.memref_slice %arg4[%add3A_43] : memref<160000xf32, #tpu.memory_space<vmem_shared>> -> memref<2000xf32, #tpu.memory_space<vmem_shared>>
      %dma_wait3A_141 = tpu.memref_slice %arg4[%add3A_43] : memref<160000xf32, #tpu.memory_space<vmem_shared>> -> memref<2000xf32, #tpu.memory_space<vmem_shared>>
      tpu.wait_dma2 semaphore(%run_scoped3A : memref<!tpu.dma_semaphore, #tpu.memory_space<semaphore_mem>>) src(%arg10 : memref<2000xf32, #tpu.memory_space<vmem>>) dst(%dma_wait3A_141 : memref<2000xf32, #tpu.memory_space<vmem_shared>>)
      tpu.yield
    }) : () -> ()
    %barrier3A = arith.constant 0 : index
    tpu.barrier barrier_id(%barrier3A)
    %mul3A_44 = arith.constant 160000 : i32
    %mul3A_45 = arith.muli %arg0, %mul3A_44 : i32
    %mul3A_46 = arith.constant 10000 : i32
    %mul3A_47 = arith.muli %arg1, %mul3A_46 : i32
    %add3A_48 = arith.addi %mul3A_45, %mul3A_47 : i32
    %add3A_49 = arith.constant 0 : i32
    %add3A_50 = arith.addi %add3A_48, %add3A_49 : i32
    %dma_start3A = tpu.memref_slice %arg2[%add3A_50] : memref<320000xi32, #tpu.memory_space<hbm>> -> memref<80xi32, #tpu.memory_space<hbm>>
    %dma_start3A_51 = tpu.memref_slice %arg2[%add3A_50] : memref<320000xi32, #tpu.memory_space<hbm>> -> memref<80xi32, #tpu.memory_space<hbm>>
    tpu.enqueue_dma source(%dma_start3A_51 : memref<80xi32, #tpu.memory_space<hbm>>) target(%arg5 : memref<80xi32, #tpu.memory_space<vmem>>) target_semaphore(%arg11 : memref<!tpu.dma_semaphore, #tpu.memory_space<semaphore_mem>>)
    %add3A_52 = arith.constant 80 : i32
    %add3A_53 = arith.addi %add3A_48, %add3A_52 : i32
    %dma_start3A_54 = tpu.memref_slice %arg2[%add3A_53] : memref<320000xi32, #tpu.memory_space<hbm>> -> memref<80xi32, #tpu.memory_space<hbm>>
    %dma_start3A_55 = tpu.memref_slice %arg2[%add3A_53] : memref<320000xi32, #tpu.memory_space<hbm>> -> memref<80xi32, #tpu.memory_space<hbm>>
    tpu.enqueue_dma source(%dma_start3A_55 : memref<80xi32, #tpu.memory_space<hbm>>) target(%arg6 : memref<80xi32, #tpu.memory_space<vmem>>) target_semaphore(%arg12 : memref<!tpu.dma_semaphore, #tpu.memory_space<semaphore_mem>>)
    %dma_wait3A = arith.constant 0 : i32
    %dma_wait3A_56 = tpu.memref_slice %arg2[%dma_wait3A] : memref<320000xi32, #tpu.memory_space<hbm>> -> memref<80xi32, #tpu.memory_space<hbm>>
    %dma_wait3A_57 = arith.constant 0 : i32
    %dma_wait3A_58 = tpu.memref_slice %arg2[%dma_wait3A_57] : memref<320000xi32, #tpu.memory_space<hbm>> -> memref<80xi32, #tpu.memory_space<hbm>>
    tpu.wait_dma2 semaphore(%arg11 : memref<!tpu.dma_semaphore, #tpu.memory_space<semaphore_mem>>) src(%dma_wait3A_58 : memref<80xi32, #tpu.memory_space<hbm>>) dst(%arg5 : memref<80xi32, #tpu.memory_space<vmem>>)
    %parallel_loop3A = arith.constant 0 : i32
    %parallel_loop3A_59 = arith.constant 5 : i32
    %parallel_loop3A_60 = arith.constant 1 : i32
    scf.for %parallel_loop3A_138 = %parallel_loop3A to %parallel_loop3A_59 step %parallel_loop3A_60  : i32 {
      %parallel_loop3A_139 = arith.constant 16 : i32
      %parallel_loop3A_140 = arith.muli %parallel_loop3A_138, %parallel_loop3A_139 : i32
      %parallel_loop3A_141 = arith.index_cast %parallel_loop3A_140 : i32 to index
      %parallel_loop3A_142 = tpu.vector_load %arg5[%parallel_loop3A_141] {strides = array<i32>} : memref<80xi32, #tpu.memory_space<vmem>>, vector<16xi32>,
      %parallel_loop3A_143 = arith.constant 28 : i32
      %parallel_loop3A_144 = vector.broadcast %parallel_loop3A_143 : i32 to vector<16xi32>
      %parallel_loop3A_145 = arith.shrui %parallel_loop3A_142, %parallel_loop3A_144 : vector<16xi32>
      %parallel_loop3A_146 = arith.constant 10000 : i32
      %parallel_loop3A_147 = vector.broadcast %parallel_loop3A_146 : i32 to vector<16xi32>
      %parallel_loop3A_148 = arith.muli %parallel_loop3A_145, %parallel_loop3A_147 : vector<16xi32>
      %parallel_loop3A_149 = arith.andi %parallel_loop3A_142, %broadcast_in_dim3A_0 : vector<16xi32>
      %parallel_loop3A_150 = arith.addi %parallel_loop3A_148, %parallel_loop3A_149 : vector<16xi32>
      %parallel_loop3A_151 = arith.index_cast %parallel_loop3A_140 : i32 to index
      %parallel_loop3A_152 = tpu.vector_load %arg7[%parallel_loop3A_151] {strides = array<i32>} : memref<80xi32, #tpu.memory_space<vmem>>, vector<16xi32>,
      tpu.vector_store %arg7[%parallel_loop3A_151], %parallel_loop3A_150 {strides = array<i32>} : memref<80xi32, #tpu.memory_space<vmem>>, vector<16xi32>,
    } {sc.loop_unroll_factor = 5 : i64, sc.parallel_access}
    %dma_start3A_61 = arith.constant 0 : i32
    %dma_start3A_62 = tpu.memref_slice %arg4[%dma_start3A_61] : memref<160000xf32, #tpu.memory_space<vmem_shared>> -> memref<160000xf32, #tpu.memory_space<vmem_shared>>
    tpu.enqueue_indirect_dma source(%arg9 : memref<80xf32, #tpu.memory_space<vmem>>) target(%dma_start3A_62 : memref<160000xf32, #tpu.memory_space<vmem_shared>>) offsets(%arg7 : memref<80xi32, #tpu.memory_space<vmem>>) semaphore(%arg13 : memref<!tpu.dma_semaphore, #tpu.memory_space<semaphore_mem>>) {add = true}
    %add3A_63 = arith.constant 160 : i32
    %add3A_64 = arith.addi %add3A_48, %add3A_63 : i32
    %dma_start3A_65 = tpu.memref_slice %arg2[%add3A_64] : memref<320000xi32, #tpu.memory_space<hbm>> -> memref<80xi32, #tpu.memory_space<hbm>>
    %dma_start3A_66 = tpu.memref_slice %arg2[%add3A_64] : memref<320000xi32, #tpu.memory_space<hbm>> -> memref<80xi32, #tpu.memory_space<hbm>>
    tpu.enqueue_dma source(%dma_start3A_66 : memref<80xi32, #tpu.memory_space<hbm>>) target(%arg5 : memref<80xi32, #tpu.memory_space<vmem>>) target_semaphore(%arg11 : memref<!tpu.dma_semaphore, #tpu.memory_space<semaphore_mem>>)
    %dma_wait3A_67 = arith.constant 0 : i32
    %dma_wait3A_68 = tpu.memref_slice %arg2[%dma_wait3A_67] : memref<320000xi32, #tpu.memory_space<hbm>> -> memref<80xi32, #tpu.memory_space<hbm>>
    %dma_wait3A_69 = arith.constant 0 : i32
    %dma_wait3A_70 = tpu.memref_slice %arg2[%dma_wait3A_69] : memref<320000xi32, #tpu.memory_space<hbm>> -> memref<80xi32, #tpu.memory_space<hbm>>
    tpu.wait_dma2 semaphore(%arg12 : memref<!tpu.dma_semaphore, #tpu.memory_space<semaphore_mem>>) src(%dma_wait3A_70 : memref<80xi32, #tpu.memory_space<hbm>>) dst(%arg6 : memref<80xi32, #tpu.memory_space<vmem>>)
    %parallel_loop3A_71 = arith.constant 0 : i32
    %parallel_loop3A_72 = arith.constant 5 : i32
    %parallel_loop3A_73 = arith.constant 1 : i32
    scf.for %parallel_loop3A_138 = %parallel_loop3A_71 to %parallel_loop3A_72 step %parallel_loop3A_73  : i32 {
      %parallel_loop3A_139 = arith.constant 16 : i32
      %parallel_loop3A_140 = arith.muli %parallel_loop3A_138, %parallel_loop3A_139 : i32
      %parallel_loop3A_141 = arith.index_cast %parallel_loop3A_140 : i32 to index
      %parallel_loop3A_142 = tpu.vector_load %arg6[%parallel_loop3A_141] {strides = array<i32>} : memref<80xi32, #tpu.memory_space<vmem>>, vector<16xi32>,
      %parallel_loop3A_143 = arith.constant 28 : i32
      %parallel_loop3A_144 = vector.broadcast %parallel_loop3A_143 : i32 to vector<16xi32>
      %parallel_loop3A_145 = arith.shrui %parallel_loop3A_142, %parallel_loop3A_144 : vector<16xi32>
      %parallel_loop3A_146 = arith.constant 10000 : i32
      %parallel_loop3A_147 = vector.broadcast %parallel_loop3A_146 : i32 to vector<16xi32>
      %parallel_loop3A_148 = arith.muli %parallel_loop3A_145, %parallel_loop3A_147 : vector<16xi32>
      %parallel_loop3A_149 = arith.andi %parallel_loop3A_142, %broadcast_in_dim3A_0 : vector<16xi32>
      %parallel_loop3A_150 = arith.addi %parallel_loop3A_148, %parallel_loop3A_149 : vector<16xi32>
      %parallel_loop3A_151 = arith.index_cast %parallel_loop3A_140 : i32 to index
      %parallel_loop3A_152 = tpu.vector_load %arg8[%parallel_loop3A_151] {strides = array<i32>} : memref<80xi32, #tpu.memory_space<vmem>>, vector<16xi32>,
      tpu.vector_store %arg8[%parallel_loop3A_151], %parallel_loop3A_150 {strides = array<i32>} : memref<80xi32, #tpu.memory_space<vmem>>, vector<16xi32>,
    } {sc.loop_unroll_factor = 5 : i64, sc.parallel_access}
    %dma_start3A_74 = arith.constant 0 : i32
    %dma_start3A_75 = tpu.memref_slice %arg4[%dma_start3A_74] : memref<160000xf32, #tpu.memory_space<vmem_shared>> -> memref<160000xf32, #tpu.memory_space<vmem_shared>>
    tpu.enqueue_indirect_dma source(%arg9 : memref<80xf32, #tpu.memory_space<vmem>>) target(%dma_start3A_75 : memref<160000xf32, #tpu.memory_space<vmem_shared>>) offsets(%arg8 : memref<80xi32, #tpu.memory_space<vmem>>) semaphore(%arg14 : memref<!tpu.dma_semaphore, #tpu.memory_space<semaphore_mem>>) {add = true}
    %add3A_76 = arith.constant 240 : i32
    %add3A_77 = arith.addi %add3A_48, %add3A_76 : i32
    %dma_start3A_78 = tpu.memref_slice %arg2[%add3A_77] : memref<320000xi32, #tpu.memory_space<hbm>> -> memref<80xi32, #tpu.memory_space<hbm>>
    %dma_start3A_79 = tpu.memref_slice %arg2[%add3A_77] : memref<320000xi32, #tpu.memory_space<hbm>> -> memref<80xi32, #tpu.memory_space<hbm>>
    tpu.enqueue_dma source(%dma_start3A_79 : memref<80xi32, #tpu.memory_space<hbm>>) target(%arg6 : memref<80xi32, #tpu.memory_space<vmem>>) target_semaphore(%arg12 : memref<!tpu.dma_semaphore, #tpu.memory_space<semaphore_mem>>)
    %scan3A_80 = arith.constant 0 : i32
    %scan3A_81 = arith.constant 0 : i32
    %scan3A_82 = arith.constant 61 : i32
    %scan3A_83 = arith.addi %scan3A_81, %scan3A_82 : i32
    %scan3A_84 = arith.constant 1 : i32
    %scan3A_85 = scf.for %scan3A_138 = %scan3A_81 to %scan3A_83 step %scan3A_84 iter_args(%scan3A_139 = %scan3A_80) -> (i32)  : i32 {
      %mul3A_140 = arith.constant 2 : i32
      %mul3A_141 = arith.muli %mul3A_140, %scan3A_138 : i32
      %add3A_142 = arith.constant 2 : i32
      %add3A_143 = arith.addi %mul3A_141, %add3A_142 : i32
      %dma_wait3A_144 = arith.constant 0 : i32
      %dma_wait3A_145 = tpu.memref_slice %arg2[%dma_wait3A_144] : memref<320000xi32, #tpu.memory_space<hbm>> -> memref<80xi32, #tpu.memory_space<hbm>>
      %dma_wait3A_146 = arith.constant 0 : i32
      %dma_wait3A_147 = tpu.memref_slice %arg2[%dma_wait3A_146] : memref<320000xi32, #tpu.memory_space<hbm>> -> memref<80xi32, #tpu.memory_space<hbm>>
      tpu.wait_dma2 semaphore(%arg11 : memref<!tpu.dma_semaphore, #tpu.memory_space<semaphore_mem>>) src(%dma_wait3A_147 : memref<80xi32, #tpu.memory_space<hbm>>) dst(%arg5 : memref<80xi32, #tpu.memory_space<vmem>>)
      %dma_wait3A_148 = arith.constant 0 : i32
      %dma_wait3A_149 = tpu.memref_slice %arg4[%dma_wait3A_148] : memref<160000xf32, #tpu.memory_space<vmem_shared>> -> memref<160000xf32, #tpu.memory_space<vmem_shared>>
      tpu.wait_indirect_dma semaphore(%arg13 : memref<!tpu.dma_semaphore, #tpu.memory_space<semaphore_mem>>) src(%arg9 : memref<80xf32, #tpu.memory_space<vmem>>) dst(%dma_wait3A_149 : memref<160000xf32, #tpu.memory_space<vmem_shared>>)
      %parallel_loop3A_150 = arith.constant 0 : i32
      %parallel_loop3A_151 = arith.constant 5 : i32
      %parallel_loop3A_152 = arith.constant 1 : i32
      scf.for %parallel_loop3A_186 = %parallel_loop3A_150 to %parallel_loop3A_151 step %parallel_loop3A_152  : i32 {
        %parallel_loop3A_187 = arith.constant 16 : i32
        %parallel_loop3A_188 = arith.muli %parallel_loop3A_186, %parallel_loop3A_187 : i32
        %parallel_loop3A_189 = arith.index_cast %parallel_loop3A_188 : i32 to index
        %parallel_loop3A_190 = tpu.vector_load %arg5[%parallel_loop3A_189] {strides = array<i32>} : memref<80xi32, #tpu.memory_space<vmem>>, vector<16xi32>,
        %parallel_loop3A_191 = arith.constant 28 : i32
        %parallel_loop3A_192 = vector.broadcast %parallel_loop3A_191 : i32 to vector<16xi32>
        %parallel_loop3A_193 = arith.shrui %parallel_loop3A_190, %parallel_loop3A_192 : vector<16xi32>
        %parallel_loop3A_194 = arith.constant 10000 : i32
        %parallel_loop3A_195 = vector.broadcast %parallel_loop3A_194 : i32 to vector<16xi32>
        %parallel_loop3A_196 = arith.muli %parallel_loop3A_193, %parallel_loop3A_195 : vector<16xi32>
        %parallel_loop3A_197 = arith.andi %parallel_loop3A_190, %broadcast_in_dim3A_0 : vector<16xi32>
        %parallel_loop3A_198 = arith.addi %parallel_loop3A_196, %parallel_loop3A_197 : vector<16xi32>
        %parallel_loop3A_199 = arith.index_cast %parallel_loop3A_188 : i32 to index
        %parallel_loop3A_200 = tpu.vector_load %arg7[%parallel_loop3A_199] {strides = array<i32>} : memref<80xi32, #tpu.memory_space<vmem>>, vector<16xi32>,
        tpu.vector_store %arg7[%parallel_loop3A_199], %parallel_loop3A_198 {strides = array<i32>} : memref<80xi32, #tpu.memory_space<vmem>>, vector<16xi32>,
      } {sc.loop_unroll_factor = 5 : i64, sc.parallel_access}
      %dma_start3A_153 = arith.constant 0 : i32
      %dma_start3A_154 = tpu.memref_slice %arg4[%dma_start3A_153] : memref<160000xf32, #tpu.memory_space<vmem_shared>> -> memref<160000xf32, #tpu.memory_space<vmem_shared>>
      tpu.enqueue_indirect_dma source(%arg9 : memref<80xf32, #tpu.memory_space<vmem>>) target(%dma_start3A_154 : memref<160000xf32, #tpu.memory_space<vmem_shared>>) offsets(%arg7 : memref<80xi32, #tpu.memory_space<vmem>>) semaphore(%arg13 : memref<!tpu.dma_semaphore, #tpu.memory_space<semaphore_mem>>) {add = true}
      %mul3A_155 = arith.constant 2 : i32
      %mul3A_156 = arith.muli %mul3A_155, %scan3A_138 : i32
      %add3A_157 = arith.constant 4 : i32
      %add3A_158 = arith.addi %mul3A_156, %add3A_157 : i32
      %lt3A = arith.constant 125 : i32
      %lt3A_159 = arith.cmpi slt, %add3A_158, %lt3A : i32
      %convert_element_type3A = arith.extui %lt3A_159 : i1 to i32
      %cond3A = arith.constant 0 : i32
      %cond3A_160 = arith.cmpi ne, %convert_element_type3A, %cond3A : i32
      scf.if %cond3A_160 {
        %mul3A_186 = arith.constant 2 : i32
        %mul3A_187 = arith.muli %mul3A_186, %scan3A_138 : i32
        %add3A_188 = arith.constant 4 : i32
        %add3A_189 = arith.addi %mul3A_187, %add3A_188 : i32
        %mul3A_190 = arith.constant 80 : i32
        %mul3A_191 = arith.muli %add3A_189, %mul3A_190 : i32
        %add3A_192 = arith.addi %add3A_48, %mul3A_191 : i32
        %dma_start3A_193 = tpu.memref_slice %arg2[%add3A_192] : memref<320000xi32, #tpu.memory_space<hbm>> -> memref<80xi32, #tpu.memory_space<hbm>>
        %dma_start3A_194 = tpu.memref_slice %arg2[%add3A_192] : memref<320000xi32, #tpu.memory_space<hbm>> -> memref<80xi32, #tpu.memory_space<hbm>>
        tpu.enqueue_dma source(%dma_start3A_194 : memref<80xi32, #tpu.memory_space<hbm>>) target(%arg5 : memref<80xi32, #tpu.memory_space<vmem>>) target_semaphore(%arg11 : memref<!tpu.dma_semaphore, #tpu.memory_space<semaphore_mem>>)
      } else {
      }
      %mul3A_161 = arith.constant 2 : i32
      %mul3A_162 = arith.muli %mul3A_161, %scan3A_138 : i32
      %add3A_163 = arith.constant 3 : i32
      %add3A_164 = arith.addi %mul3A_162, %add3A_163 : i32
      %dma_wait3A_165 = arith.constant 0 : i32
      %dma_wait3A_166 = tpu.memref_slice %arg2[%dma_wait3A_165] : memref<320000xi32, #tpu.memory_space<hbm>> -> memref<80xi32, #tpu.memory_space<hbm>>
      %dma_wait3A_167 = arith.constant 0 : i32
      %dma_wait3A_168 = tpu.memref_slice %arg2[%dma_wait3A_167] : memref<320000xi32, #tpu.memory_space<hbm>> -> memref<80xi32, #tpu.memory_space<hbm>>
      tpu.wait_dma2 semaphore(%arg12 : memref<!tpu.dma_semaphore, #tpu.memory_space<semaphore_mem>>) src(%dma_wait3A_168 : memref<80xi32, #tpu.memory_space<hbm>>) dst(%arg6 : memref<80xi32, #tpu.memory_space<vmem>>)
      %dma_wait3A_169 = arith.constant 0 : i32
      %dma_wait3A_170 = tpu.memref_slice %arg4[%dma_wait3A_169] : memref<160000xf32, #tpu.memory_space<vmem_shared>> -> memref<160000xf32, #tpu.memory_space<vmem_shared>>
      tpu.wait_indirect_dma semaphore(%arg14 : memref<!tpu.dma_semaphore, #tpu.memory_space<semaphore_mem>>) src(%arg9 : memref<80xf32, #tpu.memory_space<vmem>>) dst(%dma_wait3A_170 : memref<160000xf32, #tpu.memory_space<vmem_shared>>)
      %parallel_loop3A_171 = arith.constant 0 : i32
      %parallel_loop3A_172 = arith.constant 5 : i32
      %parallel_loop3A_173 = arith.constant 1 : i32
      scf.for %parallel_loop3A_186 = %parallel_loop3A_171 to %parallel_loop3A_172 step %parallel_loop3A_173  : i32 {
        %parallel_loop3A_187 = arith.constant 16 : i32
        %parallel_loop3A_188 = arith.muli %parallel_loop3A_186, %parallel_loop3A_187 : i32
        %parallel_loop3A_189 = arith.index_cast %parallel_loop3A_188 : i32 to index
        %parallel_loop3A_190 = tpu.vector_load %arg6[%parallel_loop3A_189] {strides = array<i32>} : memref<80xi32, #tpu.memory_space<vmem>>, vector<16xi32>,
        %parallel_loop3A_191 = arith.constant 28 : i32
        %parallel_loop3A_192 = vector.broadcast %parallel_loop3A_191 : i32 to vector<16xi32>
        %parallel_loop3A_193 = arith.shrui %parallel_loop3A_190, %parallel_loop3A_192 : vector<16xi32>
        %parallel_loop3A_194 = arith.constant 10000 : i32
        %parallel_loop3A_195 = vector.broadcast %parallel_loop3A_194 : i32 to vector<16xi32>
        %parallel_loop3A_196 = arith.muli %parallel_loop3A_193, %parallel_loop3A_195 : vector<16xi32>
        %parallel_loop3A_197 = arith.andi %parallel_loop3A_190, %broadcast_in_dim3A_0 : vector<16xi32>
        %parallel_loop3A_198 = arith.addi %parallel_loop3A_196, %parallel_loop3A_197 : vector<16xi32>
        %parallel_loop3A_199 = arith.index_cast %parallel_loop3A_188 : i32 to index
        %parallel_loop3A_200 = tpu.vector_load %arg8[%parallel_loop3A_199] {strides = array<i32>} : memref<80xi32, #tpu.memory_space<vmem>>, vector<16xi32>,
        tpu.vector_store %arg8[%parallel_loop3A_199], %parallel_loop3A_198 {strides = array<i32>} : memref<80xi32, #tpu.memory_space<vmem>>, vector<16xi32>,
      } {sc.loop_unroll_factor = 5 : i64, sc.parallel_access}
      %dma_start3A_174 = arith.constant 0 : i32
      %dma_start3A_175 = tpu.memref_slice %arg4[%dma_start3A_174] : memref<160000xf32, #tpu.memory_space<vmem_shared>> -> memref<160000xf32, #tpu.memory_space<vmem_shared>>
      tpu.enqueue_indirect_dma source(%arg9 : memref<80xf32, #tpu.memory_space<vmem>>) target(%dma_start3A_175 : memref<160000xf32, #tpu.memory_space<vmem_shared>>) offsets(%arg8 : memref<80xi32, #tpu.memory_space<vmem>>) semaphore(%arg14 : memref<!tpu.dma_semaphore, #tpu.memory_space<semaphore_mem>>) {add = true}
      %mul3A_176 = arith.constant 2 : i32
      %mul3A_177 = arith.muli %mul3A_176, %scan3A_138 : i32
      %add3A_178 = arith.constant 5 : i32
      %add3A_179 = arith.addi %mul3A_177, %add3A_178 : i32
      %lt3A_180 = arith.constant 125 : i32
      %lt3A_181 = arith.cmpi slt, %add3A_179, %lt3A_180 : i32
      %convert_element_type3A_182 = arith.extui %lt3A_181 : i1 to i32
      %cond3A_183 = arith.constant 0 : i32
      %cond3A_184 = arith.cmpi ne, %convert_element_type3A_182, %cond3A_183 : i32
      scf.if %cond3A_184 {
        %mul3A_186 = arith.constant 2 : i32
        %mul3A_187 = arith.muli %mul3A_186, %scan3A_138 : i32
        %add3A_188 = arith.constant 5 : i32
        %add3A_189 = arith.addi %mul3A_187, %add3A_188 : i32
        %mul3A_190 = arith.constant 80 : i32
        %mul3A_191 = arith.muli %add3A_189, %mul3A_190 : i32
        %add3A_192 = arith.addi %add3A_48, %mul3A_191 : i32
        %dma_start3A_193 = tpu.memref_slice %arg2[%add3A_192] : memref<320000xi32, #tpu.memory_space<hbm>> -> memref<80xi32, #tpu.memory_space<hbm>>
        %dma_start3A_194 = tpu.memref_slice %arg2[%add3A_192] : memref<320000xi32, #tpu.memory_space<hbm>> -> memref<80xi32, #tpu.memory_space<hbm>>
        tpu.enqueue_dma source(%dma_start3A_194 : memref<80xi32, #tpu.memory_space<hbm>>) target(%arg6 : memref<80xi32, #tpu.memory_space<vmem>>) target_semaphore(%arg12 : memref<!tpu.dma_semaphore, #tpu.memory_space<semaphore_mem>>)
      } else {
      }
      %scan3A_185 = arith.constant 0 : i32
      scf.yield %scan3A_185 : i32
    }
    %scan3A_86 = arith.constant 61 : i32
    %dma_wait3A_87 = arith.constant 0 : i32
    %dma_wait3A_88 = tpu.memref_slice %arg2[%dma_wait3A_87] : memref<320000xi32, #tpu.memory_space<hbm>> -> memref<80xi32, #tpu.memory_space<hbm>>
    %dma_wait3A_89 = arith.constant 0 : i32
    %dma_wait3A_90 = tpu.memref_slice %arg2[%dma_wait3A_89] : memref<320000xi32, #tpu.memory_space<hbm>> -> memref<80xi32, #tpu.memory_space<hbm>>
    tpu.wait_dma2 semaphore(%arg11 : memref<!tpu.dma_semaphore, #tpu.memory_space<semaphore_mem>>) src(%dma_wait3A_90 : memref<80xi32, #tpu.memory_space<hbm>>) dst(%arg5 : memref<80xi32, #tpu.memory_space<vmem>>)
    %dma_wait3A_91 = arith.constant 0 : i32
    %dma_wait3A_92 = tpu.memref_slice %arg4[%dma_wait3A_91] : memref<160000xf32, #tpu.memory_space<vmem_shared>> -> memref<160000xf32, #tpu.memory_space<vmem_shared>>
    tpu.wait_indirect_dma semaphore(%arg13 : memref<!tpu.dma_semaphore, #tpu.memory_space<semaphore_mem>>) src(%arg9 : memref<80xf32, #tpu.memory_space<vmem>>) dst(%dma_wait3A_92 : memref<160000xf32, #tpu.memory_space<vmem_shared>>)
    %parallel_loop3A_93 = arith.constant 0 : i32
    %parallel_loop3A_94 = arith.constant 5 : i32
    %parallel_loop3A_95 = arith.constant 1 : i32
    scf.for %parallel_loop3A_138 = %parallel_loop3A_93 to %parallel_loop3A_94 step %parallel_loop3A_95  : i32 {
      %parallel_loop3A_139 = arith.constant 16 : i32
      %parallel_loop3A_140 = arith.muli %parallel_loop3A_138, %parallel_loop3A_139 : i32
      %parallel_loop3A_141 = arith.index_cast %parallel_loop3A_140 : i32 to index
      %parallel_loop3A_142 = tpu.vector_load %arg5[%parallel_loop3A_141] {strides = array<i32>} : memref<80xi32, #tpu.memory_space<vmem>>, vector<16xi32>,
      %parallel_loop3A_143 = arith.constant 28 : i32
      %parallel_loop3A_144 = vector.broadcast %parallel_loop3A_143 : i32 to vector<16xi32>
      %parallel_loop3A_145 = arith.shrui %parallel_loop3A_142, %parallel_loop3A_144 : vector<16xi32>
      %parallel_loop3A_146 = arith.constant 10000 : i32
      %parallel_loop3A_147 = vector.broadcast %parallel_loop3A_146 : i32 to vector<16xi32>
      %parallel_loop3A_148 = arith.muli %parallel_loop3A_145, %parallel_loop3A_147 : vector<16xi32>
      %parallel_loop3A_149 = arith.andi %parallel_loop3A_142, %broadcast_in_dim3A_0 : vector<16xi32>
      %parallel_loop3A_150 = arith.addi %parallel_loop3A_148, %parallel_loop3A_149 : vector<16xi32>
      %parallel_loop3A_151 = arith.index_cast %parallel_loop3A_140 : i32 to index
      %parallel_loop3A_152 = tpu.vector_load %arg7[%parallel_loop3A_151] {strides = array<i32>} : memref<80xi32, #tpu.memory_space<vmem>>, vector<16xi32>,
      tpu.vector_store %arg7[%parallel_loop3A_151], %parallel_loop3A_150 {strides = array<i32>} : memref<80xi32, #tpu.memory_space<vmem>>, vector<16xi32>,
    } {sc.loop_unroll_factor = 5 : i64, sc.parallel_access}
    %dma_start3A_96 = arith.constant 0 : i32
    %dma_start3A_97 = tpu.memref_slice %arg4[%dma_start3A_96] : memref<160000xf32, #tpu.memory_space<vmem_shared>> -> memref<160000xf32, #tpu.memory_space<vmem_shared>>
    tpu.enqueue_indirect_dma source(%arg9 : memref<80xf32, #tpu.memory_space<vmem>>) target(%dma_start3A_97 : memref<160000xf32, #tpu.memory_space<vmem_shared>>) offsets(%arg7 : memref<80xi32, #tpu.memory_space<vmem>>) semaphore(%arg13 : memref<!tpu.dma_semaphore, #tpu.memory_space<semaphore_mem>>) {add = true}
    %dma_wait3A_98 = arith.constant 0 : i32
    %dma_wait3A_99 = tpu.memref_slice %arg4[%dma_wait3A_98] : memref<160000xf32, #tpu.memory_space<vmem_shared>> -> memref<160000xf32, #tpu.memory_space<vmem_shared>>
    tpu.wait_indirect_dma semaphore(%arg13 : memref<!tpu.dma_semaphore, #tpu.memory_space<semaphore_mem>>) src(%arg9 : memref<80xf32, #tpu.memory_space<vmem>>) dst(%dma_wait3A_99 : memref<160000xf32, #tpu.memory_space<vmem_shared>>)
    %dma_wait3A_100 = arith.constant 0 : i32
    %dma_wait3A_101 = tpu.memref_slice %arg4[%dma_wait3A_100] : memref<160000xf32, #tpu.memory_space<vmem_shared>> -> memref<160000xf32, #tpu.memory_space<vmem_shared>>
    tpu.wait_indirect_dma semaphore(%arg14 : memref<!tpu.dma_semaphore, #tpu.memory_space<semaphore_mem>>) src(%arg9 : memref<80xf32, #tpu.memory_space<vmem>>) dst(%dma_wait3A_101 : memref<160000xf32, #tpu.memory_space<vmem_shared>>)
    %barrier3A_102 = arith.constant 0 : index
    tpu.barrier barrier_id(%barrier3A_102)
    %mul3A_103 = arith.constant 10000 : i32
    %mul3A_104 = arith.muli %arg1, %mul3A_103 : i32
    %add3A_105 = arith.constant 0 : i32
    %add3A_106 = arith.addi %mul3A_104, %add3A_105 : i32
    "tpu.region"() ({
      %run_scoped3A = tpu.sem_alloc : memref<!tpu.dma_semaphore, #tpu.memory_space<semaphore_mem>>
      %dma_start3A_138 = tpu.memref_slice %arg4[%add3A_106] : memref<160000xf32, #tpu.memory_space<vmem_shared>> -> memref<2000xf32, #tpu.memory_space<vmem_shared>>
      %dma_start3A_139 = tpu.memref_slice %arg4[%add3A_106] : memref<160000xf32, #tpu.memory_space<vmem_shared>> -> memref<2000xf32, #tpu.memory_space<vmem_shared>>
      tpu.enqueue_dma source(%dma_start3A_139 : memref<2000xf32, #tpu.memory_space<vmem_shared>>) target(%arg10 : memref<2000xf32, #tpu.memory_space<vmem>>) target_semaphore(%run_scoped3A : memref<!tpu.dma_semaphore, #tpu.memory_space<semaphore_mem>>)
      %dma_wait3A_140 = tpu.memref_slice %arg4[%add3A_106] : memref<160000xf32, #tpu.memory_space<vmem_shared>> -> memref<2000xf32, #tpu.memory_space<vmem_shared>>
      %dma_wait3A_141 = tpu.memref_slice %arg4[%add3A_106] : memref<160000xf32, #tpu.memory_space<vmem_shared>> -> memref<2000xf32, #tpu.memory_space<vmem_shared>>
      tpu.wait_dma2 semaphore(%run_scoped3A : memref<!tpu.dma_semaphore, #tpu.memory_space<semaphore_mem>>) src(%dma_wait3A_141 : memref<2000xf32, #tpu.memory_space<vmem_shared>>) dst(%arg10 : memref<2000xf32, #tpu.memory_space<vmem>>)
      tpu.yield
    }) : () -> ()
    %mul3A_107 = arith.constant 160000 : i32
    %mul3A_108 = arith.muli %arg0, %mul3A_107 : i32
    %add3A_109 = arith.addi %mul3A_108, %add3A_106 : i32
    "tpu.region"() ({
      %run_scoped3A = tpu.sem_alloc : memref<!tpu.dma_semaphore, #tpu.memory_space<semaphore_mem>>
      %dma_start3A_138 = tpu.memref_slice %arg3[%add3A_109] : memref<320000xf32, #tpu.memory_space<hbm>> -> memref<2000xf32, #tpu.memory_space<hbm>>
      %dma_start3A_139 = tpu.memref_slice %arg3[%add3A_109] : memref<320000xf32, #tpu.memory_space<hbm>> -> memref<2000xf32, #tpu.memory_space<hbm>>
      tpu.enqueue_dma source(%arg10 : memref<2000xf32, #tpu.memory_space<vmem>>) target(%dma_start3A_139 : memref<2000xf32, #tpu.memory_space<hbm>>) target_semaphore(%run_scoped3A : memref<!tpu.dma_semaphore, #tpu.memory_space<semaphore_mem>>)
      %dma_wait3A_140 = tpu.memref_slice %arg3[%add3A_109] : memref<320000xf32, #tpu.memory_space<hbm>> -> memref<2000xf32, #tpu.memory_space<hbm>>
      %dma_wait3A_141 = tpu.memref_slice %arg3[%add3A_109] : memref<320000xf32, #tpu.memory_space<hbm>> -> memref<2000xf32, #tpu.memory_space<hbm>>
      tpu.wait_dma2 semaphore(%run_scoped3A : memref<!tpu.dma_semaphore, #tpu.memory_space<semaphore_mem>>) src(%arg10 : memref<2000xf32, #tpu.memory_space<vmem>>) dst(%dma_wait3A_141 : memref<2000xf32, #tpu.memory_space<hbm>>)
      tpu.yield
    }) : () -> ()
    %mul3A_110 = arith.constant 10000 : i32
    %mul3A_111 = arith.muli %arg1, %mul3A_110 : i32
    %add3A_112 = arith.constant 2000 : i32
    %add3A_113 = arith.addi %mul3A_111, %add3A_112 : i32
    "tpu.region"() ({
      %run_scoped3A = tpu.sem_alloc : memref<!tpu.dma_semaphore, #tpu.memory_space<semaphore_mem>>
      %dma_start3A_138 = tpu.memref_slice %arg4[%add3A_113] : memref<160000xf32, #tpu.memory_space<vmem_shared>> -> memref<2000xf32, #tpu.memory_space<vmem_shared>>
      %dma_start3A_139 = tpu.memref_slice %arg4[%add3A_113] : memref<160000xf32, #tpu.memory_space<vmem_shared>> -> memref<2000xf32, #tpu.memory_space<vmem_shared>>
      tpu.enqueue_dma source(%dma_start3A_139 : memref<2000xf32, #tpu.memory_space<vmem_shared>>) target(%arg10 : memref<2000xf32, #tpu.memory_space<vmem>>) target_semaphore(%run_scoped3A : memref<!tpu.dma_semaphore, #tpu.memory_space<semaphore_mem>>)
      %dma_wait3A_140 = tpu.memref_slice %arg4[%add3A_113] : memref<160000xf32, #tpu.memory_space<vmem_shared>> -> memref<2000xf32, #tpu.memory_space<vmem_shared>>
      %dma_wait3A_141 = tpu.memref_slice %arg4[%add3A_113] : memref<160000xf32, #tpu.memory_space<vmem_shared>> -> memref<2000xf32, #tpu.memory_space<vmem_shared>>
      tpu.wait_dma2 semaphore(%run_scoped3A : memref<!tpu.dma_semaphore, #tpu.memory_space<semaphore_mem>>) src(%dma_wait3A_141 : memref<2000xf32, #tpu.memory_space<vmem_shared>>) dst(%arg10 : memref<2000xf32, #tpu.memory_space<vmem>>)
      tpu.yield
    }) : () -> ()
    %mul3A_114 = arith.constant 160000 : i32
    %mul3A_115 = arith.muli %arg0, %mul3A_114 : i32
    %add3A_116 = arith.addi %mul3A_115, %add3A_113 : i32
    "tpu.region"() ({
      %run_scoped3A = tpu.sem_alloc : memref<!tpu.dma_semaphore, #tpu.memory_space<semaphore_mem>>
      %dma_start3A_138 = tpu.memref_slice %arg3[%add3A_116] : memref<320000xf32, #tpu.memory_space<hbm>> -> memref<2000xf32, #tpu.memory_space<hbm>>
      %dma_start3A_139 = tpu.memref_slice %arg3[%add3A_116] : memref<320000xf32, #tpu.memory_space<hbm>> -> memref<2000xf32, #tpu.memory_space<hbm>>
      tpu.enqueue_dma source(%arg10 : memref<2000xf32, #tpu.memory_space<vmem>>) target(%dma_start3A_139 : memref<2000xf32, #tpu.memory_space<hbm>>) target_semaphore(%run_scoped3A : memref<!tpu.dma_semaphore, #tpu.memory_space<semaphore_mem>>)
      %dma_wait3A_140 = tpu.memref_slice %arg3[%add3A_116] : memref<320000xf32, #tpu.memory_space<hbm>> -> memref<2000xf32, #tpu.memory_space<hbm>>
      %dma_wait3A_141 = tpu.memref_slice %arg3[%add3A_116] : memref<320000xf32, #tpu.memory_space<hbm>> -> memref<2000xf32, #tpu.memory_space<hbm>>
      tpu.wait_dma2 semaphore(%run_scoped3A : memref<!tpu.dma_semaphore, #tpu.memory_space<semaphore_mem>>) src(%arg10 : memref<2000xf32, #tpu.memory_space<vmem>>) dst(%dma_wait3A_141 : memref<2000xf32, #tpu.memory_space<hbm>>)
      tpu.yield
    }) : () -> ()
    %mul3A_117 = arith.constant 10000 : i32
    %mul3A_118 = arith.muli %arg1, %mul3A_117 : i32
    %add3A_119 = arith.constant 4000 : i32
    %add3A_120 = arith.addi %mul3A_118, %add3A_119 : i32
    "tpu.region"() ({
      %run_scoped3A = tpu.sem_alloc : memref<!tpu.dma_semaphore, #tpu.memory_space<semaphore_mem>>
      %dma_start3A_138 = tpu.memref_slice %arg4[%add3A_120] : memref<160000xf32, #tpu.memory_space<vmem_shared>> -> memref<2000xf32, #tpu.memory_space<vmem_shared>>
      %dma_start3A_139 = tpu.memref_slice %arg4[%add3A_120] : memref<160000xf32, #tpu.memory_space<vmem_shared>> -> memref<2000xf32, #tpu.memory_space<vmem_shared>>
      tpu.enqueue_dma source(%dma_start3A_139 : memref<2000xf32, #tpu.memory_space<vmem_shared>>) target(%arg10 : memref<2000xf32, #tpu.memory_space<vmem>>) target_semaphore(%run_scoped3A : memref<!tpu.dma_semaphore, #tpu.memory_space<semaphore_mem>>)
      %dma_wait3A_140 = tpu.memref_slice %arg4[%add3A_120] : memref<160000xf32, #tpu.memory_space<vmem_shared>> -> memref<2000xf32, #tpu.memory_space<vmem_shared>>
      %dma_wait3A_141 = tpu.memref_slice %arg4[%add3A_120] : memref<160000xf32, #tpu.memory_space<vmem_shared>> -> memref<2000xf32, #tpu.memory_space<vmem_shared>>
      tpu.wait_dma2 semaphore(%run_scoped3A : memref<!tpu.dma_semaphore, #tpu.memory_space<semaphore_mem>>) src(%dma_wait3A_141 : memref<2000xf32, #tpu.memory_space<vmem_shared>>) dst(%arg10 : memref<2000xf32, #tpu.memory_space<vmem>>)
      tpu.yield
    }) : () -> ()
    %mul3A_121 = arith.constant 160000 : i32
    %mul3A_122 = arith.muli %arg0, %mul3A_121 : i32
    %add3A_123 = arith.addi %mul3A_122, %add3A_120 : i32
    "tpu.region"() ({
      %run_scoped3A = tpu.sem_alloc : memref<!tpu.dma_semaphore, #tpu.memory_space<semaphore_mem>>
      %dma_start3A_138 = tpu.memref_slice %arg3[%add3A_123] : memref<320000xf32, #tpu.memory_space<hbm>> -> memref<2000xf32, #tpu.memory_space<hbm>>
      %dma_start3A_139 = tpu.memref_slice %arg3[%add3A_123] : memref<320000xf32, #tpu.memory_space<hbm>> -> memref<2000xf32, #tpu.memory_space<hbm>>
      tpu.enqueue_dma source(%arg10 : memref<2000xf32, #tpu.memory_space<vmem>>) target(%dma_start3A_139 : memref<2000xf32, #tpu.memory_space<hbm>>) target_semaphore(%run_scoped3A : memref<!tpu.dma_semaphore, #tpu.memory_space<semaphore_mem>>)
      %dma_wait3A_140 = tpu.memref_slice %arg3[%add3A_123] : memref<320000xf32, #tpu.memory_space<hbm>> -> memref<2000xf32, #tpu.memory_space<hbm>>
      %dma_wait3A_141 = tpu.memref_slice %arg3[%add3A_123] : memref<320000xf32, #tpu.memory_space<hbm>> -> memref<2000xf32, #tpu.memory_space<hbm>>
      tpu.wait_dma2 semaphore(%run_scoped3A : memref<!tpu.dma_semaphore, #tpu.memory_space<semaphore_mem>>) src(%arg10 : memref<2000xf32, #tpu.memory_space<vmem>>) dst(%dma_wait3A_141 : memref<2000xf32, #tpu.memory_space<hbm>>)
      tpu.yield
    }) : () -> ()
    %mul3A_124 = arith.constant 10000 : i32
    %mul3A_125 = arith.muli %arg1, %mul3A_124 : i32
    %add3A_126 = arith.constant 6000 : i32
    %add3A_127 = arith.addi %mul3A_125, %add3A_126 : i32
    "tpu.region"() ({
      %run_scoped3A = tpu.sem_alloc : memref<!tpu.dma_semaphore, #tpu.memory_space<semaphore_mem>>
      %dma_start3A_138 = tpu.memref_slice %arg4[%add3A_127] : memref<160000xf32, #tpu.memory_space<vmem_shared>> -> memref<2000xf32, #tpu.memory_space<vmem_shared>>
      %dma_start3A_139 = tpu.memref_slice %arg4[%add3A_127] : memref<160000xf32, #tpu.memory_space<vmem_shared>> -> memref<2000xf32, #tpu.memory_space<vmem_shared>>
      tpu.enqueue_dma source(%dma_start3A_139 : memref<2000xf32, #tpu.memory_space<vmem_shared>>) target(%arg10 : memref<2000xf32, #tpu.memory_space<vmem>>) target_semaphore(%run_scoped3A : memref<!tpu.dma_semaphore, #tpu.memory_space<semaphore_mem>>)
      %dma_wait3A_140 = tpu.memref_slice %arg4[%add3A_127] : memref<160000xf32, #tpu.memory_space<vmem_shared>> -> memref<2000xf32, #tpu.memory_space<vmem_shared>>
      %dma_wait3A_141 = tpu.memref_slice %arg4[%add3A_127] : memref<160000xf32, #tpu.memory_space<vmem_shared>> -> memref<2000xf32, #tpu.memory_space<vmem_shared>>
      tpu.wait_dma2 semaphore(%run_scoped3A : memref<!tpu.dma_semaphore, #tpu.memory_space<semaphore_mem>>) src(%dma_wait3A_141 : memref<2000xf32, #tpu.memory_space<vmem_shared>>) dst(%arg10 : memref<2000xf32, #tpu.memory_space<vmem>>)
      tpu.yield
    }) : () -> ()
    %mul3A_128 = arith.constant 160000 : i32
    %mul3A_129 = arith.muli %arg0, %mul3A_128 : i32
    %add3A_130 = arith.addi %mul3A_129, %add3A_127 : i32
    "tpu.region"() ({
      %run_scoped3A = tpu.sem_alloc : memref<!tpu.dma_semaphore, #tpu.memory_space<semaphore_mem>>
      %dma_start3A_138 = tpu.memref_slice %arg3[%add3A_130] : memref<320000xf32, #tpu.memory_space<hbm>> -> memref<2000xf32, #tpu.memory_space<hbm>>
      %dma_start3A_139 = tpu.memref_slice %arg3[%add3A_130] : memref<320000xf32, #tpu.memory_space<hbm>> -> memref<2000xf32, #tpu.memory_space<hbm>>
      tpu.enqueue_dma source(%arg10 : memref<2000xf32, #tpu.memory_space<vmem>>) target(%dma_start3A_139 : memref<2000xf32, #tpu.memory_space<hbm>>) target_semaphore(%run_scoped3A : memref<!tpu.dma_semaphore, #tpu.memory_space<semaphore_mem>>)
      %dma_wait3A_140 = tpu.memref_slice %arg3[%add3A_130] : memref<320000xf32, #tpu.memory_space<hbm>> -> memref<2000xf32, #tpu.memory_space<hbm>>
      %dma_wait3A_141 = tpu.memref_slice %arg3[%add3A_130] : memref<320000xf32, #tpu.memory_space<hbm>> -> memref<2000xf32, #tpu.memory_space<hbm>>
      tpu.wait_dma2 semaphore(%run_scoped3A : memref<!tpu.dma_semaphore, #tpu.memory_space<semaphore_mem>>) src(%arg10 : memref<2000xf32, #tpu.memory_space<vmem>>) dst(%dma_wait3A_141 : memref<2000xf32, #tpu.memory_space<hbm>>)
      tpu.yield
    }) : () -> ()
    %mul3A_131 = arith.constant 10000 : i32
    %mul3A_132 = arith.muli %arg1, %mul3A_131 : i32
    %add3A_133 = arith.constant 8000 : i32
    %add3A_134 = arith.addi %mul3A_132, %add3A_133 : i32
    "tpu.region"() ({
      %run_scoped3A = tpu.sem_alloc : memref<!tpu.dma_semaphore, #tpu.memory_space<semaphore_mem>>
      %dma_start3A_138 = tpu.memref_slice %arg4[%add3A_134] : memref<160000xf32, #tpu.memory_space<vmem_shared>> -> memref<2000xf32, #tpu.memory_space<vmem_shared>>
      %dma_start3A_139 = tpu.memref_slice %arg4[%add3A_134] : memref<160000xf32, #tpu.memory_space<vmem_shared>> -> memref<2000xf32, #tpu.memory_space<vmem_shared>>
      tpu.enqueue_dma source(%dma_start3A_139 : memref<2000xf32, #tpu.memory_space<vmem_shared>>) target(%arg10 : memref<2000xf32, #tpu.memory_space<vmem>>) target_semaphore(%run_scoped3A : memref<!tpu.dma_semaphore, #tpu.memory_space<semaphore_mem>>)
      %dma_wait3A_140 = tpu.memref_slice %arg4[%add3A_134] : memref<160000xf32, #tpu.memory_space<vmem_shared>> -> memref<2000xf32, #tpu.memory_space<vmem_shared>>
      %dma_wait3A_141 = tpu.memref_slice %arg4[%add3A_134] : memref<160000xf32, #tpu.memory_space<vmem_shared>> -> memref<2000xf32, #tpu.memory_space<vmem_shared>>
      tpu.wait_dma2 semaphore(%run_scoped3A : memref<!tpu.dma_semaphore, #tpu.memory_space<semaphore_mem>>) src(%dma_wait3A_141 : memref<2000xf32, #tpu.memory_space<vmem_shared>>) dst(%arg10 : memref<2000xf32, #tpu.memory_space<vmem>>)
      tpu.yield
    }) : () -> ()
    %mul3A_135 = arith.constant 160000 : i32
    %mul3A_136 = arith.muli %arg0, %mul3A_135 : i32
    %add3A_137 = arith.addi %mul3A_136, %add3A_134 : i32
    "tpu.region"() ({
      %run_scoped3A = tpu.sem_alloc : memref<!tpu.dma_semaphore, #tpu.memory_space<semaphore_mem>>
      %dma_start3A_138 = tpu.memref_slice %arg3[%add3A_137] : memref<320000xf32, #tpu.memory_space<hbm>> -> memref<2000xf32, #tpu.memory_space<hbm>>
      %dma_start3A_139 = tpu.memref_slice %arg3[%add3A_137] : memref<320000xf32, #tpu.memory_space<hbm>> -> memref<2000xf32, #tpu.memory_space<hbm>>
      tpu.enqueue_dma source(%arg10 : memref<2000xf32, #tpu.memory_space<vmem>>) target(%dma_start3A_139 : memref<2000xf32, #tpu.memory_space<hbm>>) target_semaphore(%run_scoped3A : memref<!tpu.dma_semaphore, #tpu.memory_space<semaphore_mem>>)
      %dma_wait3A_140 = tpu.memref_slice %arg3[%add3A_137] : memref<320000xf32, #tpu.memory_space<hbm>> -> memref<2000xf32, #tpu.memory_space<hbm>>
      %dma_wait3A_141 = tpu.memref_slice %arg3[%add3A_137] : memref<320000xf32, #tpu.memory_space<hbm>> -> memref<2000xf32, #tpu.memory_space<hbm>>
      tpu.wait_dma2 semaphore(%run_scoped3A : memref<!tpu.dma_semaphore, #tpu.memory_space<semaphore_mem>>) src(%arg10 : memref<2000xf32, #tpu.memory_space<vmem>>) dst(%dma_wait3A_141 : memref<2000xf32, #tpu.memory_space<hbm>>)
      tpu.yield
    }) : () -> ()
    return
  }
}

module attributes {stable_mosaic.version = 14 : i64} {
  func.func @_w_body(%arg0: memref<16x8xf32, #tpu.memory_space<vmem>>, %arg1: memref<8x16384xf32, #tpu.memory_space<vmem>>, %arg2: memref<16x16384xf32, #tpu.memory_space<vmem>>) attributes {dimension_semantics = [], scalar_prefetch = 0 : i64, scratch_operands = 0 : i64, tpu.core_type = #tpu.core_type<tc>} {
    %get3A = arith.constant 0 : index
    %get3A_0 = arith.constant 0 : index
    %get3A_1 = vector.load %arg0[%get3A, %get3A_0] : memref<16x8xf32, #tpu.memory_space<vmem>>, vector<16x8xf32>
    %get3A_2 = arith.constant 0 : index
    %get3A_3 = arith.constant 0 : index
    %get3A_4 = vector.load %arg1[%get3A_2, %get3A_3] : memref<8x16384xf32, #tpu.memory_space<vmem>>, vector<8x16384xf32>
    %dot_general3A = arith.constant dense<0.000000e+00> : vector<16x16384xf32>
    %dot_general3A_5 = tpu.matmul %get3A_1, %get3A_4, %dot_general3A {dimension_numbers = #tpu.dot_dimension_numbers<[1], [0], [0], [1], [0, 0, 1, 1], [], []>, transpose_lhs_hint = false} : vector<16x8xf32>, vector<8x16384xf32>, vector<16x16384xf32> -> vector<16x16384xf32>
    %swap3A = arith.constant 0 : index
    %swap3A_6 = arith.constant 0 : index
    %swap3A_7 = vector.load %arg2[%swap3A, %swap3A_6] : memref<16x16384xf32, #tpu.memory_space<vmem>>, vector<16x16384xf32>
    tpu.vector_store %arg2[%swap3A, %swap3A_6], %dot_general3A_5 {strides = array<i32>} : memref<16x16384xf32, #tpu.memory_space<vmem>>, vector<16x16384xf32>,
    return
  }
}

module attributes {stable_mosaic.version = 14 : i64} {
  func.func @_z_body(%arg0: i32, %arg1: i32, %arg2: memref<1000x128xf32, #tpu.memory_space<vmem>>, %arg3: memref<1x128x128xf32, #tpu.memory_space<vmem>>, %arg4: memref<128x128xf32, #tpu.memory_space<vmem>>, %arg5: memref<1x128xf32, #tpu.memory_space<vmem>>, %arg6: memref<1x1000x128xf32, #tpu.memory_space<vmem>>, %arg7: memref<1000x128xf32, #tpu.memory_space<vmem>>) attributes {dimension_semantics = [#tpu.dimension_semantics<arbitrary>, #tpu.dimension_semantics<arbitrary>], iteration_bounds = array<i64: 10, 16>, scalar_prefetch = 0 : i64, scratch_operands = 0 : i64, tpu.core_type = #tpu.core_type<tc>, window_params = [{transform_indices = @transform_0, window_bounds = array<i64: 1000, 128>}, {transform_indices = @transform_1, window_bounds = array<i64: 1, 128, 128>}, {pipeline_mode = #tpu.pipeline_mode<synchronous>, transform_indices = @transform_2, window_bounds = array<i64: 128, 128>}, {pipeline_mode = #tpu.pipeline_mode<synchronous>, transform_indices = @transform_3, window_bounds = array<i64: 1, 128>}, {transform_indices = @transform_4, window_bounds = array<i64: 1, 1000, 128>}, {transform_indices = @transform_5, window_bounds = array<i64: 1000, 128>}]} {
    %get3A = arith.constant 0 : index
    %get3A_0 = arith.constant 0 : index
    %get3A_1 = vector.load %arg2[%get3A, %get3A_0] : memref<1000x128xf32, #tpu.memory_space<vmem>>, vector<1000x128xf32>
    %get3A_2 = arith.constant 0 : index
    %get3A_3 = arith.constant 0 : index
    %get3A_4 = arith.constant 0 : index
    %get3A_5 = vector.load %arg3[%get3A_2, %get3A_3, %get3A_4] : memref<1x128x128xf32, #tpu.memory_space<vmem>>, vector<1x128x128xf32>
    %get3A_6 = vector.shape_cast %get3A_5 : vector<1x128x128xf32> to vector<128x128xf32>
    %dot_general3A = arith.constant dense<0.000000e+00> : vector<1000x128xf32>
    %dot_general3A_7 = tpu.matmul %get3A_1, %get3A_6, %dot_general3A {dimension_numbers = #tpu.dot_dimension_numbers<[1], [0], [0], [1], [0, 0, 1, 1], [], []>, transpose_lhs_hint = false} : vector<1000x128xf32>, vector<128x128xf32>, vector<1000x128xf32> -> vector<1000x128xf32>
    %swap3A = arith.constant 0 : index
    %swap3A_8 = arith.constant 0 : index
    %swap3A_9 = arith.constant 0 : index
    %swap3A_10 = vector.load %arg6[%swap3A, %swap3A_8, %swap3A_9] : memref<1x1000x128xf32, #tpu.memory_space<vmem>>, vector<1x1000x128xf32>
    %swap3A_11 = vector.shape_cast %swap3A_10 : vector<1x1000x128xf32> to vector<1000x128xf32>
    %swap3A_12 = vector.shape_cast %dot_general3A_7 : vector<1000x128xf32> to vector<1x1000x128xf32>
    tpu.vector_store %arg6[%swap3A, %swap3A_8, %swap3A_9], %swap3A_12 {strides = array<i32>} : memref<1x1000x128xf32, #tpu.memory_space<vmem>>, vector<1x1000x128xf32>,
    %eq3A = arith.constant 0 : i32
    %eq3A_13 = arith.cmpi eq, %arg1, %eq3A : i32
    %convert_element_type3A = arith.extui %eq3A_13 : i1 to i32
    %cond3A = arith.constant 0 : i32
    %cond3A_14 = arith.cmpi ne, %convert_element_type3A, %cond3A : i32
    scf.if %cond3A_14 {
      %get3A_15 = arith.constant 0 : index
      %get3A_16 = arith.constant 0 : index
      %get3A_17 = vector.load %arg4[%get3A_15, %get3A_16] : memref<128x128xf32, #tpu.memory_space<vmem>>, vector<128x128xf32>
      %dot_general3A_18 = arith.constant dense<0.000000e+00> : vector<1000x128xf32>
      %dot_general3A_19 = tpu.matmul %get3A_1, %get3A_17, %dot_general3A_18 {dimension_numbers = #tpu.dot_dimension_numbers<[1], [0], [0], [1], [0, 0, 1, 1], [], []>, transpose_lhs_hint = false} : vector<1000x128xf32>, vector<128x128xf32>, vector<1000x128xf32> -> vector<1000x128xf32>
      %get3A_20 = arith.constant 0 : index
      %get3A_21 = arith.constant 0 : index
      %get3A_22 = vector.load %arg5[%get3A_20, %get3A_21] : memref<1x128xf32, #tpu.memory_space<vmem>>, vector<1x128xf32>
      %add3A = vector.broadcast %get3A_22 : vector<1x128xf32> to vector<1000x128xf32>
      %add3A_23 = arith.addf %dot_general3A_19, %add3A : vector<1000x128xf32>
      %swap3A_24 = arith.constant 0 : index
      %swap3A_25 = arith.constant 0 : index
      %swap3A_26 = vector.load %arg7[%swap3A_24, %swap3A_25] : memref<1000x128xf32, #tpu.memory_space<vmem>>, vector<1000x128xf32>
      tpu.vector_store %arg7[%swap3A_24, %swap3A_25], %add3A_23 {strides = array<i32>} : memref<1000x128xf32, #tpu.memory_space<vmem>>, vector<1000x128xf32>,
    } else {
    }
    return
  }
  func.func @transform_0(%arg0: i32, %arg1: i32) -> (i32, i32) {
    %c0_i32 = arith.constant 0 : i32
    %c0_i32_0 = arith.constant 0 : i32
    return %arg0, %c0_i32 : i32, i32
  }
  func.func @transform_1(%arg0: i32, %arg1: i32) -> (i32, i32, i32) {
    %c0_i32 = arith.constant 0 : i32
    %c0_i32_0 = arith.constant 0 : i32
    %c0_i32_1 = arith.constant 0 : i32
    return %arg1, %c0_i32, %c0_i32_0 : i32, i32, i32
  }
  func.func @transform_2(%arg0: i32, %arg1: i32) -> (i32, i32) {
    %c0_i32 = arith.constant 0 : i32
    %c0_i32_0 = arith.constant 0 : i32
    %c0_i32_1 = arith.constant 0 : i32
    return %c0_i32, %c0_i32_0 : i32, i32
  }
  func.func @transform_3(%arg0: i32, %arg1: i32) -> (i32, i32) {
    %c0_i32 = arith.constant 0 : i32
    %c0_i32_0 = arith.constant 0 : i32
    %c0_i32_1 = arith.constant 0 : i32
    return %c0_i32, %c0_i32_0 : i32, i32
  }
  func.func @transform_4(%arg0: i32, %arg1: i32) -> (i32, i32, i32) {
    %c0_i32 = arith.constant 0 : i32
    %c0_i32_0 = arith.constant 0 : i32
    return %arg1, %arg0, %c0_i32 : i32, i32, i32
  }
  func.func @transform_5(%arg0: i32, %arg1: i32) -> (i32, i32) {
    %c0_i32 = arith.constant 0 : i32
    %c0_i32_0 = arith.constant 0 : i32
    return %arg0, %c0_i32 : i32, i32
  }
}

module attributes {stable_mosaic.version = 14 : i64} {
  func.func @_inv_body(%arg0: memref<2x1250x128xf32, #tpu.memory_space<vmem>>, %arg1: memref<1250x128xf32, #tpu.memory_space<vmem>>) attributes {dimension_semantics = [], scalar_prefetch = 0 : i64, scratch_operands = 0 : i64, tpu.core_type = #tpu.core_type<tc>} {
    %get3A = arith.constant 0 : index
    %get3A_0 = arith.constant 0 : index
    %get3A_1 = arith.constant 0 : index
    %get3A_2 = vector.load %arg0[%get3A, %get3A_0, %get3A_1] : memref<2x1250x128xf32, #tpu.memory_space<vmem>>, vector<1x1250x128xf32>
    %get3A_3 = vector.shape_cast %get3A_2 : vector<1x1250x128xf32> to vector<1250x128xf32>
    %get3A_4 = arith.constant 1 : index
    %get3A_5 = arith.constant 0 : index
    %get3A_6 = arith.constant 0 : index
    %get3A_7 = vector.load %arg0[%get3A_4, %get3A_5, %get3A_6] : memref<2x1250x128xf32, #tpu.memory_space<vmem>>, vector<1x1250x128xf32>
    %get3A_8 = vector.shape_cast %get3A_7 : vector<1x1250x128xf32> to vector<1250x128xf32>
    %add3A = arith.addf %get3A_3, %get3A_8 : vector<1250x128xf32>
    %max3A = arith.constant 1.000000e+00 : f32
    %max3A_9 = vector.broadcast %max3A : f32 to vector<1250x128xf32>
    %max3A_10 = arith.maximumf %add3A, %max3A_9 : vector<1250x128xf32>
    %div3A = arith.constant 1.000000e+00 : f32
    %div3A_11 = vector.broadcast %div3A : f32 to vector<1250x128xf32>
    %div3A_12 = arith.divf %div3A_11, %max3A_10 : vector<1250x128xf32>
    %swap3A = arith.constant 0 : index
    %swap3A_13 = arith.constant 0 : index
    %swap3A_14 = vector.load %arg1[%swap3A, %swap3A_13] : memref<1250x128xf32, #tpu.memory_space<vmem>>, vector<1250x128xf32>
    tpu.vector_store %arg1[%swap3A, %swap3A_13], %div3A_12 {strides = array<i32>} : memref<1250x128xf32, #tpu.memory_space<vmem>>, vector<1250x128xf32>,
    return
  }
}

module attributes {stable_mosaic.version = 14 : i64} {
  func.func @_fin_body(%arg0: i32, %arg1: memref<2x1000x128xf32, #tpu.memory_space<vmem>>, %arg2: memref<1000x128xf32, #tpu.memory_space<vmem>>, %arg3: memref<1000x128xf32, #tpu.memory_space<vmem>>) attributes {dimension_semantics = [#tpu.dimension_semantics<arbitrary>], iteration_bounds = array<i64: 10>, scalar_prefetch = 0 : i64, scratch_operands = 0 : i64, tpu.core_type = #tpu.core_type<tc>, window_params = [{transform_indices = @transform_0, window_bounds = array<i64: 2, 1000, 128>}, {transform_indices = @transform_1, window_bounds = array<i64: 1000, 128>}, {transform_indices = @transform_2, window_bounds = array<i64: 1000, 128>}]} {
    %get3A = arith.constant 0 : index
    %get3A_0 = arith.constant 0 : index
    %get3A_1 = arith.constant 0 : index
    %get3A_2 = vector.load %arg1[%get3A, %get3A_0, %get3A_1] : memref<2x1000x128xf32, #tpu.memory_space<vmem>>, vector<1x1000x128xf32>
    %get3A_3 = vector.shape_cast %get3A_2 : vector<1x1000x128xf32> to vector<1000x128xf32>
    %get3A_4 = arith.constant 1 : index
    %get3A_5 = arith.constant 0 : index
    %get3A_6 = arith.constant 0 : index
    %get3A_7 = vector.load %arg1[%get3A_4, %get3A_5, %get3A_6] : memref<2x1000x128xf32, #tpu.memory_space<vmem>>, vector<1x1000x128xf32>
    %get3A_8 = vector.shape_cast %get3A_7 : vector<1x1000x128xf32> to vector<1000x128xf32>
    %add3A = arith.addf %get3A_3, %get3A_8 : vector<1000x128xf32>
    %get3A_9 = arith.constant 0 : index
    %get3A_10 = arith.constant 0 : index
    %get3A_11 = vector.load %arg2[%get3A_9, %get3A_10] : memref<1000x128xf32, #tpu.memory_space<vmem>>, vector<1000x128xf32>
    %add3A_12 = arith.addf %add3A, %get3A_11 : vector<1000x128xf32>
    %swap3A = arith.constant 0 : index
    %swap3A_13 = arith.constant 0 : index
    %swap3A_14 = vector.load %arg3[%swap3A, %swap3A_13] : memref<1000x128xf32, #tpu.memory_space<vmem>>, vector<1000x128xf32>
    tpu.vector_store %arg3[%swap3A, %swap3A_13], %add3A_12 {strides = array<i32>} : memref<1000x128xf32, #tpu.memory_space<vmem>>, vector<1000x128xf32>,
    return
  }
  func.func @transform_0(%arg0: i32) -> (i32, i32, i32) {
    %c0_i32 = arith.constant 0 : i32
    %c0_i32_0 = arith.constant 0 : i32
    %c0_i32_1 = arith.constant 0 : i32
    return %c0_i32, %arg0, %c0_i32_0 : i32, i32, i32
  }
  func.func @transform_1(%arg0: i32) -> (i32, i32) {
    %c0_i32 = arith.constant 0 : i32
    %c0_i32_0 = arith.constant 0 : i32
    return %arg0, %c0_i32 : i32, i32
  }
  func.func @transform_2(%arg0: i32) -> (i32, i32) {
    %c0_i32 = arith.constant 0 : i32
    %c0_i32_0 = arith.constant 0 : i32
    return %arg0, %c0_i32 : i32, i32
  }
}

</mosaic_0001>

<sc_bundles>
// kernel: kernel.11.cloned.1.call-start
scs
__scs_entry_jumppad:
0x0: {  	(pc) =	sbr.rel $0x88, $3  }
0x1: {  	(tag) =	ssettag $0x0;
	lr =	simm.s32 $0x1  }
0x2: {  	[smem:$0x3F9A] =	sst lr;
	_ =	strace $0xD0000000  }
0x3: {  	_ = 	snop  }
0x4: {  	_ = 	snop  }
0x5: {  	_ = 	snop  }
0x6: {  	_ = 	snop  }
0x7: {  	_ = 	snop  }
__scs_overlays_trampoline_lowered:
0x8: {  	[smem:$0x3FA9] =	sst s0  }
0x9: {  	[smem:$0x3FAA] =	sst s1  }
0xa: {  	[smem:$0x3FAB] =	sst s2  }
0xb: {  	[smem:$0x3FAC] =	sst s3  }
0xc: {  	[smem:$0x3FAD] =	sst s4  }
0xd: {  	[smem:$0x3FAE] =	sst s5  }
0xe: {  	[smem:$0x3FAF] =	sst s6  }
0xf: {  	[smem:$0x3FB0] =	sst s7  }
0x10: {  	[smem:$0x3FB1] =	sst s8  }
0x11: {  	[smem:$0x3FB2] =	sst s9;
	s0 =	simm.s32 @!p0 $0x0  }
0x12: {  	s1 =	sld [smem:$0x3F98];
	s0 =	simm.s32 @p0 $0x1  }
0x13: {  	[smem:$0x3FB3] =	sst s0;
	s0 =	simm.s32 @!p1 $0x0  }
0x14: {  	s2 =	sld [smem:$0x3F97];
	s0 =	simm.s32 @p1 $0x1  }
0x15: {  	[smem:$0x3FB4] =	sst s0;
	s0 =	simm.s32 @!p2 $0x0  }
0x16: {  	s3 =	sld [smem:$0x3FDB];
	s0 =	simm.s32 @p2 $0x1  }
0x17: {  	s4 =	simm.s32 $0x1BF5;
	[smem:$0x3FB6] =	sst s0  }
0x18: {  	s0 =	sld [smem:$0x3F99];
	_ =	swait.ge [sflag:s4], $0x0  }
0x19: {  	s7 =	sld [smem:$0x3F9A]  }
0x1a: {  	s8 =	sadd.s32 $0xFFFFE003, lr  }
0x1b: {  	s9 =	sadd.s32 $0xFFFFFEF7, lr;
	s5 =	simm.s32 $0xFFFFFFFF;
	p2 =	slt.u32 s8, $0xFFFFF086  }
0x1c: {  	p1 =	slt.u32 s9, $0xF7A;
	s5 =	simm.s32 @!p2 $0x0  }
0x1d: {  	s5 =	simm.s32 @p1 $0x1;
	p0 =	seq.s32 s7, s2  }
0x1e: {  	s7 =	smul.u32 @!p0 $0xF7A, s2;
	p2 =	seq.s32 @!p0 s5, $0x0  }
0x1f: {  	s9 =	smul.u32 $0xF7A, s1;
	s8 =	simm.s32 @!p0 $0x1BF5;
	p2 =	por !p2, p0  }
0x20: {  	[sflag:s8] =	ssyncset.s32 @!p0 $0xFFFFF086;
	s6 =	sadd.s32 @!p0 s3, s7;
	s7 =	simm.s32 @!p0 $0x108  }
0x21: {  	s3 =	sadd.s32 s3, s9;
	s6 =	sadd.s32 @!p0 $0x88, s6;
	s7 =	simm.s32 @p2 $0x1082  }
0x22: {  	[simem:s7], [sflag:s8] =	dma.local @!p0 [hbm:s6], $0xF7A  }
0x23: {  	s9 =	sor.u32 $0xD0000000, s2;
	s6 =	simm.s32 $0x108;
	_ =	swait.ge @!p0 [sflag:s8], $0x0  }
0x24: {  	s3 =	sadd.s32 $0x88, s3;
	s6 =	simm.s32 @!p1 $0x1082;
	[sflag:s4] =	ssyncset.s32 $0xFFFFF086  }
0x25: {  	[simem:s6], [sflag:s4] =	dma.local [hbm:s3], $0xF7A  }
0x26: {  	[smem:$0x3F9A] =	sst s1;
	(tag) =	ssettag s2;
	_ =	strace s9  }
0x27: {  	s1 =	sld [smem:$0x3FAA]  }
0x28: {  	s2 =	sld [smem:$0x3FAB]  }
0x29: {  	s4 =	sld [smem:$0x3FAD]  }
0x2a: {  	p0 =	seq.s32 s5, $0x0;
	s5 =	sld [smem:$0x3FAE]  }
0x2b: {  	s6 =	sld [smem:$0x3FAF]  }
0x2c: {  	s7 =	sld [smem:$0x3FB0]  }
0x2d: {  	s3 =	simm.s32 $0x108;
	s8 =	sld [smem:$0x3FB1]  }
0x2e: {  	s3 =	simm.s32 @!p0 $0x1082;
	s9 =	sld [smem:$0x3FB2]  }
0x2f: {  	lr =	sadd.s32 s0, s3;
	s0 =	sld [smem:$0x3FA9]  }
0x30: {  	s3 =	sld [smem:$0x3FAC]  }
0x31: {  	[smem:$0x3FB5] =	sst s10  }
0x32: {  	s10 =	sld [smem:$0x3FB3];
	_ =	sdelay $0x3  }
0x33: {  	p0 =	seq.s32 s10, $0x1;
	s10 =	sld [smem:$0x3FB5];
	_ =	sdelay $0x3  }
0x34: {  	[smem:$0x3FB5] =	sst s10  }
0x35: {  	s10 =	sld [smem:$0x3FB4];
	_ =	sdelay $0x3  }
0x36: {  	p1 =	seq.s32 s10, $0x1;
	s10 =	sld [smem:$0x3FB5];
	_ =	sdelay $0x3  }
0x37: {  	[smem:$0x3FB5] =	sst s10  }
0x38: {  	s10 =	sld [smem:$0x3FB6]  }
0x39: {  	_ = 	snop;
	(pc) =	sbr.ind lr, $3  }
0x3a: {  	_ = 	snop  }
0x3b: {  	_ = 	snop  }
0x3c: {  	p2 =	seq.s32 s10, $0x1;
	s10 =	sld [smem:$0x3FB5]  }
0x3d: {  	_ =	shalt  }
0x3e: {  	_ =	shalt  }
0x3f: {  	_ =	shalt  }
0x40: {  	_ =	shalt  }
0x41: {  	_ =	shalt  }
0x42: {  	_ =	shalt  }
0x43: {  	_ =	shalt  }
0x44: {  	_ =	shalt  }
0x45: {  	_ =	shalt  }
0x46: {  	_ =	shalt  }
0x47: {  	_ =	shalt  }
0x48: {  	_ =	shalt  }
0x49: {  	_ =	shalt  }
0x4a: {  	_ =	shalt  }
0x4b: {  	_ =	shalt  }
0x4c: {  	_ =	shalt  }
0x4d: {  	_ =	shalt  }
0x4e: {  	_ =	shalt  }
0x4f: {  	_ =	shalt  }
0x50: {  	_ =	shalt  }
0x51: {  	_ =	shalt  }
0x52: {  	_ =	shalt  }
0x53: {  	_ =	shalt  }
0x54: {  	_ =	shalt  }
0x55: {  	_ =	shalt  }
0x56: {  	_ =	shalt  }
0x57: {  	_ =	shalt  }
0x58: {  	_ =	shalt  }
0x59: {  	_ =	shalt  }
0x5a: {  	_ =	shalt  }
0x5b: {  	_ =	shalt  }
0x5c: {  	_ =	shalt  }
0x5d: {  	_ =	shalt  }
0x5e: {  	_ =	shalt  }
0x5f: {  	_ =	shalt  }
0x60: {  	_ =	shalt  }
0x61: {  	_ =	shalt  }
0x62: {  	_ =	shalt  }
0x63: {  	_ =	shalt  }
0x64: {  	_ =	shalt  }
0x65: {  	_ =	shalt  }
0x66: {  	_ =	shalt  }
0x67: {  	_ =	shalt  }
0x68: {  	_ =	shalt  }
0x69: {  	_ =	shalt  }
0x6a: {  	_ =	shalt  }
0x6b: {  	_ =	shalt  }
0x6c: {  	_ =	shalt  }
0x6d: {  	_ =	shalt  }
0x6e: {  	_ =	shalt  }
0x6f: {  	_ =	shalt  }
0x70: {  	_ =	shalt  }
0x71: {  	_ =	shalt  }
0x72: {  	_ =	shalt  }
0x73: {  	_ =	shalt  }
0x74: {  	_ =	shalt  }
0x75: {  	_ =	shalt  }
0x76: {  	_ =	shalt  }
0x77: {  	_ =	shalt  }
0x78: {  	_ =	shalt  }
0x79: {  	_ =	shalt  }
0x7a: {  	_ =	shalt  }
0x7b: {  	_ =	shalt  }
0x7c: {  	_ =	shalt  }
0x7d: {  	_ =	shalt  }
0x7e: {  	_ =	shalt  }
0x7f: {  	_ =	shalt  }
0x80: {  	_ =	shalt  }
0x81: {  	_ =	shalt  }
0x82: {  	_ =	shalt  }
0x83: {  	_ =	shalt  }
0x84: {  	_ =	shalt  }
0x85: {  	_ =	shalt  }
0x86: {  	_ =	shalt  }
0x87: {  	_ =	shalt  }
.Lfunc_end0:
.L_simem_size_0:
called_computation.1_lowered:
.L_overlay_start_0:
0x88: {  	s2 =	sld [smem:$0x3FD9]  }
0x89: {  	s3 =	sld [smem:$0x3FFE];
	_ =	sdelay $0x1  }
0x8a: {  	s1 =	srdreg.scid  }
0x8b: {  	s0 =	sand.u32 $0x1, s1  }
0x8c: {  	s17 =	sshll.u32 s0, $0xA;
	s2 =	sadd.s32 s3, s2  }
0x8d: {  	s2 =	sadd.s32 s2, s17  }
0x8e: {  	[smem:$0x3FC1] =	sst s2  }
0x8f: {  	_ = 	snop  }
0x90: {  	s2 =	sld [smem:$0x3FD0];
	(tm) =	ssettm $0x1  }
0x91: {  	s18 =	sld [smem:$0x3FFB];
	_ =	sdelay $0x3  }
0x92: {  	_ =	strace s18  }
0x93: {  	s3 =	sld [smem:$0x3FFC];
	_ =	sdelay $0x3  }
0x94: {  	_ =	strace s3  }
0x95: {  	s3 =	sld [smem:$0x3FFD];
	_ =	sdelay $0x3  }
0x96: {  	_ =	strace s3  }
0x97: {  	_ =	strace $0x8FFFFFFF  }
0x98: {  	s19 =	sld [smem:$0x3FDB];
	_ =	sdelay $0x1  }
0x99: {  	s4 =	simm.s32 $_scs_section_size  }
0x9a: {  	s5 =	simm.s32 $_size__tile_overlayer_lowered;
	s6 =	simm.s32 $_tile_overlayer_lowered  }
0x9b: {  	s22 =	simm.s32 $0x1BFF;
	s21 =	sshll.u32 s6, $0x1;
	s3 =	sadd.s32 s4, s19  }
0x9c: {  	s7 =	simm.s32 $0x0;
	s20 =	sshll.u32 s5, $0x1;
	s5 =	sadd.s32 s21, s3  }
0x9d: {  	[timem:s7], [sflag:s22] =	dma.local [hbm:s5], s20  }
0x9e: {  	_ =	swait.ge [sflag:s22], s20  }
0x9f: {  	s4 =	ssub.s32 $0x0, s20;
	[sflag:s22] =	ssyncset.done $0x0  }
0xa0: {  	[sflag:s22] =	ssyncadd.s32 s4;
	_ =	sdelay $0x1  }
0xa1: {  	s23 =	simm.s32 $0x1B8B  }
0xa2: {  	_ =	swait.ge [sflag:s23], $0x1  }
0xa3: {  	[sflag:s23] =	ssyncset.done $0x0  }
0xa4: {  	s25 =	simm.s32 $0x1B8E;
	s24 =	sld [smem:$0x3FFE];
	[sflag:s23] =	ssyncadd.s32 $0xFFFFFFFF  }
0xa5: {  	s26 =	simm.s32 $execute0_lowered;
	[smem:$0x3FD2] =	sst s25  }
0xa6: {  	s5 =	sshll.u32 s26, $0x1;
	_ =	strace $0x80000049;
	[dreg:$0x1] =	wrdreg $0xFFFFFFFF  }
0xa7: {  	s28 =	simm.s32 $_size_execute0_lowered;
	s3 =	sadd.s32 s3, s5;
	[dreg:$0x0] =	wrdreg $0x0  }
0xa8: {  	s5 =	sshll.u32 s28, $0x1;
	[dreg:$0x2] =	wrdreg s3  }
0xa9: {  	[dreg:$0x3] =	wrdreg s5  }
0xaa: {  	[dreg:$0x4] =	wrdreg $0xC0  }
0xab: {  	_ =	task [dreg:s7], $0x5FFFF  }
0xac: {  	[dreg:$0x1] =	wrdreg $0xFFFFFFFF  }
0xad: {  	[dreg:$0x0] =	wrdreg $0x60  }
0xae: {  	[dreg:$0x2] =	wrdreg s2  }
0xaf: {  	[dreg:$0x3] =	wrdreg s24  }
0xb0: {  	[dreg:$0x4] =	wrdreg $0x0  }
0xb1: {  	[dreg:$0x5] =	wrdreg $0x9  }
0xb2: {  	_ =	task.clear_ibuf [dreg:s7], $0x6FFFF;
	_ =	strace $0x90000049  }
0xb3: {  	s29 =	simm.s32 $0x9;
	_ =	strace $0x8000004B  }
0xb4: {  	_ =	swait.ge [sflag:s29], $0x1  }
0xb5: {  	[sflag:s29] =	ssyncadd.s32 $0xFFFFFFFF  }
0xb6: {  	_ =	strace $0x9000004B  }
0xb7: {  	_ =	sfence  }
0xb8: {  	s30 =	sld [smem:$0x0];
	_ =	sdelay $0x2  }
0xb9: {  	s31 =	sshll.u32 s1, $0xD;
	s1 =	sshrl.u32 s1, $0x2  }
0xba: {  	s3 =	sand.u32 $0x4000, s31;
	s1 =	sadd.s32 s1, s30  }
0xbb: {  	s0 =	sor.u32 s3, s0;
	s1 =	sshll.u32 s1, $0x11  }
0xbc: {  	s0 =	sor.u32 s1, s0  }
0xbd: {  	s0 =	sadd.s32 $0x8F2B, s0  }
0xbe: {  	[sflag:s0] =	ssyncadd.remote.s32 $0x1  }
0xbf: {  	_ =	sfence.sel $0xFFFF  }
0xc0: {  	[dreg:$0x0] =	wrdreg $0xFFFFFFFF;
	(pc) =	sbr.abs _section_cstart, $3  }
0xc1: {  	[dreg:$0x1] =	wrdreg $0xFFFFFFFF  }
0xc2: {  	_ =	task.clear_ibuf [dreg:s7], $0x2FFFF;
	_ =	strace $0x9FFFFFFF  }
0xc3: {  	(tm) =	ssettm $0x7FFFFFFF  }
tec
execute0_lowered:
.L_overlay_start_1:
0x0: {  	(tag) =	ssettag $0x1  }
0x1: {  	s1 =	rddreg [dreg:$0x0]  }
0x2: {  	s0 =	rddreg [dreg:$0x1]  }
0x3: {  	s3 =	srdreg.scid;
	s2 =	rddreg [dreg:$0x2];
	s4 =	simm.s32 $0x0  }
0x4: {  	s18 =	simm.s32 $0x7;
	s19 =	simm.s32 $0x50;
	s20 =	simm.s32 $0x13C80  }
0x5: {  	s21 =	simm.s32 $0x13B80;
	s22 =	simm.s32 $0x13980;
	s29 =	simm.s32 $0x16580  }
0x6: {  	s30 =	simm.s32 $0x5;
	s31 =	simm.s32 $0x1;
	s7 =	sand.u32 $0x1, s3  }
0x7: {  	s28 =	simm.s32 $0x6;
	s16 =	simm.s32 $0x2;
	s8 =	smul.u32 $0x138800, s7  }
0x8: {  	s17 =	simm.s32 $0x13B00;
	s3 =	stileid.u32;
	s9 =	smul.u32 $0x27100, s7  }
0x9: {  	[smem:$0x7FF] =	sst s4;
	s10 =	smul.u32 $0x2710, s3;
	s7 =	ssub.s32 $0x2, s7  }
0xa: {  	s5 =	sadd.s32 $0xB600, s0;
	s6 =	sadd.s32 $0x1800, s0;
	s23 =	sshrl.u32 s7, $0x1  }
0xb: {  	_ =	strace $0x8000004A;
	s9 =	sadd.s32 s10, s9;
	s7 =	ssub.s32 s7, s23  }
0xc: {  	s13 =	sshll.u32 s3, $0xA;
	s10 =	sshrl.u32 s9, $0x3;
	s7 =	smax.u32 s7, $0x1  }
0xd: {  	s14 =	sadd.s32 s13, s2;
	s10 =	sadd.s32 s1, s10;
	[dreg:$0x8] =	wrdreg s7  }
0xe: {  	s8 =	sadd.s32 s13, s8;
	s24 =	sadd.s32 $0xA, s10;
	[dreg:$0x4] =	wrdreg s10  }
0xf: {  	s8 =	sshrl.u32 s8, $0x3;
	s25 =	sadd.s32 $0x14, s10;
	[dreg:$0x5] =	wrdreg s24  }
0x10: {  	s0 =	sadd.s32 s8, s0;
	s26 =	sadd.s32 $0x1E, s10;
	[dreg:$0x6] =	wrdreg s25  }
0x11: {  	s23 =	simm.s32 $0x13D80;
	s0 =	sadd.s32 $0x27C600, s0;
	[dreg:$0x7] =	wrdreg s26  }
0x12: {  	s11 =	sadd.s32 $0x140, s9;
	s12 =	sadd.s32 $0x190, s9;
	[dreg:$0x9] =	wrdreg s0  }
0x13: {  	v0 =	vimm.f32 $0.0e+00;
	s26 =	simm.s32 $0x13C00;
	s0 =	simm.s32 $0x13A80;
	s25 =	simm.s32 $0x3  }
.LBB2_1:
0x14: {  	s7 =	simm.s32 $0x0;
	s9 =	simm.s32 $0x200  }
.LBB2_2:
0x15: {  	p0 =	sne.s32 s9, $0x9E00;
	[tilespmem:s7+$0x13DF0] =	vst v0  }
0x16: {  	[tilespmem:s7+$0x13D80] =	vst v0  }
0x17: {  	[tilespmem:s7+$0x13D90] =	vst v0  }
.Ltmp0:
0x18: {  	[tilespmem:s7+$0x13DA0] =	vst v0;
	(pc) =	sbr.rel @p0 .LBB2_2-.Ltmp0, $4  }
0x19: {  	[tilespmem:s7+$0x13DB0] =	vst v0  }
0x1a: {  	[tilespmem:s7+$0x13DC0] =	vst v0  }
0x1b: {  	[tilespmem:s7+$0x13DD0] =	vst v0  }
0x1c: {  	[tilespmem:s7+$0x13DE0] =	vst v0;
	s7 =	sshra.s32 s9, $0x2;
	s9 =	sadd.s32 $0x200, s9  }
0x1d: {  	[tilespmem:s7+$0x13DF0] =	vst v0  }
0x1e: {  	[tilespmem:s7+$0x13D80] =	vst v0  }
0x1f: {  	[tilespmem:s7+$0x13D90] =	vst v0  }
0x20: {  	[tilespmem:s7+$0x13DA0] =	vst v0  }
0x21: {  	[tilespmem:s7+$0x13DB0] =	vst v0  }
0x22: {  	[tilespmem:s7+$0x13DC0] =	vst v0;
	s8 =	sadd.s32 $0x0, s3  }
0x23: {  	[tilespmem:s7+$0x13DD0] =	vst v0;
	p0 =	sgt.u32 s8, $0x4E1  }
0x24: {  	[tilespmem:s7+$0x13DE0] =	vst v0;
	s7 =	simm.s32 @!p0 $0x13D80;
	s13 =	simm.s32 @!p0 $0x9  }
0x25: {  	[spmem:s14] =	stream.linear.scatter @!p0 [tilespmem:s7], [sflag:$0x9], $0x400, $0x38;
	[tilespmem:$0x18D80] =	vst v63  }
0x26: {  	s9 =	simm.s32 $0x10;
	_ =	swait.ge @!p0 [sflag:s13], $0x400  }
0x27: {  	s10 =	simm.s32 $0x20;
	s7 =	sadd.s32 $0x4000, s14;
	[sflag:s13] =	ssyncset.done @!p0 $0x0  }
.LBB2_4:
0x28: {  	s8 =	sadd.s32 s9, s3;
	s9 =	smov.u32 s10;
	s10 =	sadd.s32 $0x10, s10  }
0x29: {  	[sflag:s13] =	ssyncadd.s32 @!p0 $0xFFFFFC00;
	p1 =	sne.s32 s10, $0x4F0  }
.Ltmp1:
0x2a: {  	p0 =	sgt.u32 s8, $0x4E1;
	(pc) =	sbr.rel @p1 .LBB2_4-.Ltmp1, $4  }
0x2b: {  	s8 =	simm.s32 @!p0 $0x13D80;
	s13 =	simm.s32 @!p0 $0x9  }
0x2c: {  	[spmem:s7] =	stream.linear.scatter @!p0 [tilespmem:s8], [sflag:$0x9], $0x400, $0x38;
	[tilespmem:$0x18D80] =	vst v63  }
0x2d: {  	_ =	swait.ge @!p0 [sflag:s13], $0x400  }
0x2e: {  	s7 =	sadd.s32 $0x4000, s7;
	[sflag:s13] =	ssyncset.done @!p0 $0x0  }
0x2f: {  	s8 =	sadd.s32 s9, s3  }
0x30: {  	p1 =	sgt.u32 s8, $0x4E1  }
0x31: {  	[sflag:s13] =	ssyncadd.s32 @!p0 $0xFFFFFC00;
	s8 =	simm.s32 @!p1 $0x13D80;
	s9 =	simm.s32 @!p1 $0x9  }
0x32: {  	[spmem:s7] =	stream.linear.scatter @!p1 [tilespmem:s8], [sflag:$0x9], $0x400, $0x38;
	[tilespmem:$0x18D80] =	vst v63  }
0x33: {  	_ =	swait.ge @!p1 [sflag:s9], $0x400  }
0x34: {  	[sflag:s9] =	ssyncset.done @!p1 $0x0  }
0x35: {  	[sflag:s9] =	ssyncadd.s32 @!p1 $0xFFFFFC00  }
0x36: {  	[bflag:$0x0] =	sbarrier.arrive $0xFFFF  }
0x37: {  	s13 =	simm.s32 $0x13880;
	s9 =	simm.s32 $0x0;
	s10 =	rddreg [dreg:$0x4]  }
0x38: {  	[tilespmem:s13], [sflag:$0x7] =	stream.linear.gather [hbm4b:s10+s9], $0x50, $0x38;
	[tilespmem:$0x18D80] =	vst v63  }
0x39: {  	s15 =	rddreg [dreg:$0x5];
	s10 =	simm.s32 $0x13900  }
0x3a: {  	[tilespmem:s10], [sflag:$0x8] =	stream.linear.gather [hbm4b:s15+s9], $0x50, $0x38;
	[tilespmem:$0x18D80] =	vst v63  }
0x3b: {  	_ =	swait.ge [sflag:s18], $0x50  }
0x3c: {  	[sflag:s18] =	ssyncset.done $0x0  }
0x3d: {  	[sflag:s18] =	ssyncadd.s32 $0xFFFFFFB0  }
0x3e: {  	v1 =	vld [tilespmem:$0x13880]  }
0x3f: {  	v2 =	vld [tilespmem:$0x13890];
	_ =	sdelay $0x3  }
0x40: {  	v5 =	vld [tilespmem:$0x138A0]  }
0x41: {  	v3 =	vshrl.u32 v1, $0x1C;
	v4 =	vshrl.u32 v1, $0xE;
	v6 =	vshrl.u32 v2, $0x1C  }
0x42: {  	v1 =	vand.u32 $0x3FFF, v1;
	v51 =	vshrl.u32 v2, $0xE;
	v3 =	vmul.u32 $0x2710, v3  }
0x43: {  	v7 =	vld [tilespmem:$0x138B0];
	v2 =	vand.u32 $0x3FFF, v2;
	v4 =	vand.u32 $0x3FFF, v4;
	v50 =	vmul.u32 $0x2710, v6;
	[tilespmem:$0x13A80] =	vst v1  }
0x44: {  	[tilespmem:$0x13A90] =	vst v2;
	v4 =	vadd.s32 v4, v3;
	v1 =	vadd.s32 v1, v3;
	v3 =	vand.u32 $0x3FFF, v51  }
0x45: {  	[tilespmem:$0x13C80] =	vst v1;
	v1 =	vadd.s32 v3, v50;
	v3 =	vshrl.u32 v5, $0x1C  }
0x46: {  	v52 =	vld [tilespmem:$0x138C0];
	v53 =	vand.u32 $0x3FFF, v5;
	[tilespmem:$0x13990] =	vst v1;
	v1 =	vmul.u32 $0x2710, v3;
	v3 =	vshrl.u32 v5, $0xE  }
0x47: {  	[tilespmem:$0x13AA0] =	vst v53;
	v2 =	vadd.s32 v2, v50;
	v3 =	vand.u32 $0x3FFF, v3  }
0x48: {  	[tilespmem:$0x13C90] =	vst v2;
	v2 =	vadd.s32 v3, v1;
	v3 =	vshrl.u32 v7, $0x1C  }
0x49: {  	v54 =	vand.u32 $0x3FFF, v7;
	[tilespmem:$0x139A0] =	vst v2;
	v2 =	vmul.u32 $0x2710, v3;
	v3 =	vshrl.u32 v7, $0xE  }
0x4a: {  	[tilespmem:$0x13AB0] =	vst v54;
	v1 =	vadd.s32 v53, v1;
	v3 =	vand.u32 $0x3FFF, v3  }
0x4b: {  	[tilespmem:$0x13CA0] =	vst v1;
	v1 =	vadd.s32 v3, v2;
	v3 =	vshrl.u32 v52, $0x1C  }
0x4c: {  	[tilespmem:$0x139B0] =	vst v1;
	v1 =	vmul.u32 $0x2710, v3;
	v3 =	vshrl.u32 v52, $0xE  }
0x4d: {  	[tilespmem:$0x13980] =	vst v4;
	v2 =	vadd.s32 v54, v2;
	v3 =	vand.u32 $0x3FFF, v3  }
0x4e: {  	[tilespmem:$0x13CB0] =	vst v2;
	v2 =	vadd.s32 v3, v1  }
0x4f: {  	v3 =	vand.u32 $0x3FFF, v52;
	[tilespmem:$0x139C0] =	vst v2  }
0x50: {  	[tilespmem:$0x13AC0] =	vst v3;
	v1 =	vadd.s32 v3, v1  }
0x51: {  	[tilespmem:$0x13CC0] =	vst v1  }
0x52: {  	[tilespmem:s21], [sflag:$0x5] =	stream.indirect.gather [hbm4b:s6+s19], $0x1, s20, s19, $0xb8;
	[tilespmem:$0x18D80] =	vst v63  }
0x53: {  	_ = 	snop  }
0x54: {  	[tilespmem:s23], [sflag:$0x1] =	stream.indirect.gather [hbm4b:s5+s19], $0x80, s22, s19, $0xb8;
	[tilespmem:$0x18D80] =	vst v63  }
0x55: {  	s8 =	simm.s32 $0x8;
	s24 =	rddreg [dreg:$0x6]  }
0x56: {  	[tilespmem:s13], [sflag:$0x7] =	stream.linear.gather [hbm4b:s24+s9], $0x50, $0x38;
	[tilespmem:$0x18D80] =	vst v63  }
0x57: {  	_ =	swait.ge [sflag:s8], $0x50  }
0x58: {  	[sflag:s8] =	ssyncset.done $0x0  }
0x59: {  	[sflag:s8] =	ssyncadd.s32 $0xFFFFFFB0  }
0x5a: {  	v1 =	vld [tilespmem:$0x13900]  }
0x5b: {  	v2 =	vld [tilespmem:$0x13910];
	_ =	sdelay $0x3  }
0x5c: {  	v56 =	vld [tilespmem:$0x13920]  }
0x5d: {  	v3 =	vshrl.u32 v1, $0x1C;
	v55 =	vshrl.u32 v1, $0xE;
	v57 =	vshrl.u32 v2, $0x1C  }
0x5e: {  	v1 =	vand.u32 $0x3FFF, v1;
	v59 =	vshrl.u32 v2, $0xE;
	v3 =	vmul.u32 $0x2710, v3  }
0x5f: {  	v60 =	vld [tilespmem:$0x13930];
	v2 =	vand.u32 $0x3FFF, v2;
	v4 =	vand.u32 $0x3FFF, v55;
	v58 =	vmul.u32 $0x2710, v57;
	[tilespmem:$0x13B00] =	vst v1  }
0x60: {  	[tilespmem:$0x13B10] =	vst v2;
	v4 =	vadd.s32 v4, v3;
	v1 =	vadd.s32 v1, v3;
	v3 =	vand.u32 $0x3FFF, v59  }
0x61: {  	[tilespmem:$0x13D00] =	vst v1;
	v1 =	vadd.s32 v3, v58;
	v3 =	vshrl.u32 v56, $0x1C  }
0x62: {  	v61 =	vld [tilespmem:$0x13940];
	v62 =	vand.u32 $0x3FFF, v56;
	[tilespmem:$0x13A10] =	vst v1;
	v1 =	vmul.u32 $0x2710, v3;
	v3 =	vshrl.u32 v56, $0xE  }
0x63: {  	[tilespmem:$0x13B20] =	vst v62;
	v2 =	vadd.s32 v2, v58;
	v3 =	vand.u32 $0x3FFF, v3  }
0x64: {  	[tilespmem:$0x13D10] =	vst v2;
	v2 =	vadd.s32 v3, v1;
	v3 =	vshrl.u32 v60, $0x1C  }
0x65: {  	v63 =	vand.u32 $0x3FFF, v60;
	[tilespmem:$0x13A20] =	vst v2;
	v2 =	vmul.u32 $0x2710, v3;
	v3 =	vshrl.u32 v60, $0xE  }
0x66: {  	[tilespmem:$0x13B30] =	vst v63;
	v1 =	vadd.s32 v62, v1;
	v3 =	vand.u32 $0x3FFF, v3  }
0x67: {  	[tilespmem:$0x13D20] =	vst v1;
	v1 =	vadd.s32 v3, v2;
	v3 =	vshrl.u32 v61, $0x1C  }
0x68: {  	[tilespmem:$0x13A30] =	vst v1;
	v1 =	vmul.u32 $0x2710, v3;
	v3 =	vshrl.u32 v61, $0xE  }
0x69: {  	[tilespmem:$0x13A00] =	vst v4;
	v2 =	vadd.s32 v63, v2;
	v3 =	vand.u32 $0x3FFF, v3  }
0x6a: {  	[tilespmem:$0x13D30] =	vst v2;
	v2 =	vadd.s32 v3, v1  }
0x6b: {  	v3 =	vand.u32 $0x3FFF, v61;
	[tilespmem:$0x13A40] =	vst v2  }
0x6c: {  	[tilespmem:$0x13B40] =	vst v3;
	v1 =	vadd.s32 v3, v1  }
0x6d: {  	s13 =	simm.s32 $0x13D00;
	[tilespmem:$0x13D40] =	vst v1  }
0x6e: {  	[tilespmem:s26], [sflag:$0x6] =	stream.indirect.gather [hbm4b:s6+s19], $0x1, s13, s19, $0xb8;
	[tilespmem:$0x18D80] =	vst v63  }
0x6f: {  	s15 =	simm.s32 $0x13A00  }
0x70: {  	[tilespmem:s29], [sflag:$0x2] =	stream.indirect.gather [hbm4b:s5+s19], $0x80, s15, s19, $0xb8;
	[tilespmem:$0x18D80] =	vst v63  }
0x71: {  	s24 =	rddreg [dreg:$0x7]  }
0x72: {  	[tilespmem:s10], [sflag:$0x8] =	stream.linear.gather [hbm4b:s24+s9], $0x50, $0x38;
	[tilespmem:$0x18D80] =	vst v63  }
0x73: {  	s10 =	simm.s32 $0x0  }
.LBB2_6:
0x74: {  	_ =	swait.ge [sflag:s30], $0x50  }
0x75: {  	[sflag:s30] =	ssyncset.done $0x0  }
0x76: {  	v1 =	vmov s9;
	s7 =	simm.s32 $0x2;
	[sflag:s30] =	ssyncadd.s32 $0xFFFFFFB0  }
0x77: {  	v1 =	vand.u32 $0xFFFFFFFC, v1;
	v2 =	vmov s7;
	_ =	swait.ge [sflag:s31], $0x2800  }
0x78: {  	v1 =	vbroadcast v1, $0x0;
	v2 =	vand.u32 $0xFFFFFFFE, v2;
	[sflag:s31] =	ssyncset.done $0x0  }
0x79: {  	s13 =	simm.s32 $0x13E80;
	v2 =	vbroadcast v2, $0x0;
	[sflag:s31] =	ssyncadd.s32 $0xFFFFD800  }
0x7a: {  	v4 =	vld [tilespmem:s13+$0x70]  }
0x7b: {  	v5 =	vld [tilespmem:s13+$0xFFFFFF00]  }
0x7c: {  	s24 =	simm.s32 $0x1;
	v6 =	vld [tilespmem:s13+$0xFFFFFF10]  }
0x7d: {  	v3 =	vmov s24;
	v7 =	vld [tilespmem:s13+$0xFFFFFF20]  }
0x7e: {  	v3 =	vand.u32 $0xFFFFFFFD, v3;
	v1 =	vld.idx.msk [tilespmem:v1+s21+$0x0], $0xffff  }
0x7f: {  	v3 =	vbroadcast v3, $0x0;
	v2 =	vld.idx.msk [tilespmem:v2+s21+$0x0], $0xffff  }
0x80: {  	v8 =	vld [tilespmem:s13+$0xFFFFFF30]  }
0x81: {  	v9 =	vld [tilespmem:s13+$0xFFFFFF40]  }
0x82: {  	v10 =	vld [tilespmem:s13+$0xFFFFFF50]  }
0x83: {  	v11 =	vld [tilespmem:s13+$0xFFFFFF60];
	v5 =	vmul.f32 v5, v1  }
0x84: {  	v13 =	vld [tilespmem:s13+$0x40];
	v4 =	vmul.f32 v4, v2  }
0x85: {  	v3 =	vld.idx.msk [tilespmem:v3+s21+$0x0], $0xffff;
	[tilespmem:s13+$0xFFFFFF00] =	vst v5;
	v5 =	vmul.f32 v6, v1  }
0x86: {  	v6 =	vld [tilespmem:s13+$0xFFFFFF70];
	[tilespmem:s13+$0x70] =	vst v4;
	v4 =	vmul.f32 v7, v1  }
0x87: {  	v7 =	vld [tilespmem:s13+$0xFFFFFF80];
	[tilespmem:s13+$0xFFFFFF10] =	vst v5;
	v5 =	vmul.f32 v8, v1  }
0x88: {  	v8 =	vld [tilespmem:s13+$0xFFFFFF90];
	[tilespmem:s13+$0xFFFFFF20] =	vst v4;
	v4 =	vmul.f32 v9, v1  }
0x89: {  	v9 =	vld [tilespmem:s13+$0xFFFFFFA0];
	[tilespmem:s13+$0xFFFFFF30] =	vst v5;
	v5 =	vmul.f32 v10, v1  }
0x8a: {  	v10 =	vld [tilespmem:s13+$0xFFFFFFB0];
	[tilespmem:s13+$0xFFFFFF40] =	vst v4;
	v4 =	vmul.f32 v11, v1  }
0x8b: {  	v11 =	vld [tilespmem:s13+$0xFFFFFFC0];
	v6 =	vmul.f32 v6, v1;
	[tilespmem:s13+$0xFFFFFF50] =	vst v5  }
0x8c: {  	v5 =	vmul.f32 v7, v3;
	v7 =	vld [tilespmem:s13+$0xFFFFFFD0];
	[tilespmem:s13+$0xFFFFFF60] =	vst v4  }
0x8d: {  	s8 =	simm.s32 $0x3;
	v4 =	vld [tilespmem:s13+$0xFFFFFFE0];
	v8 =	vmul.f32 v8, v3;
	[tilespmem:s13+$0xFFFFFF70] =	vst v6  }
0x8e: {  	v12 =	vmov s8;
	v6 =	vld [tilespmem:s13+$0xFFFFFFF0];
	[tilespmem:s13+$0xFFFFFF80] =	vst v5;
	v5 =	vmul.f32 v9, v3  }
0x8f: {  	v9 =	vld [tilespmem:s13+$0x0];
	[tilespmem:s13+$0xFFFFFF90] =	vst v8;
	v8 =	vmul.f32 v10, v3  }
0x90: {  	v10 =	vld [tilespmem:s13+$0x10];
	[tilespmem:s13+$0xFFFFFFA0] =	vst v5;
	v5 =	vmul.f32 v11, v3  }
0x91: {  	[tilespmem:s13+$0xFFFFFFB0] =	vst v8;
	v7 =	vmul.f32 v7, v3;
	v8 =	vld [tilespmem:s13+$0x20]  }
0x92: {  	v11 =	vld [tilespmem:s13+$0x30];
	[tilespmem:s13+$0xFFFFFFC0] =	vst v5;
	v4 =	vmul.f32 v4, v3  }
0x93: {  	v1 =	vld.idx.msk [tilespmem:v12+s21+$0x0], $0xffff;
	v3 =	vmul.f32 v6, v3;
	[tilespmem:s13+$0xFFFFFFD0] =	vst v7  }
0x94: {  	v5 =	vmul.f32 v9, v2;
	[tilespmem:s13+$0xFFFFFFE0] =	vst v4;
	v4 =	vld [tilespmem:s13+$0x50]  }
0x95: {  	s15 =	simm.s32 $0x4;
	[tilespmem:s13+$0xFFFFFFF0] =	vst v3;
	v6 =	vmul.f32 v10, v2;
	v3 =	vld [tilespmem:s13+$0x60]  }
0x96: {  	s24 =	simm.s32 $0x7;
	v7 =	vmov s15;
	[tilespmem:s13+$0x0] =	vst v5;
	v9 =	vmul.f32 v8, v2;
	v8 =	vld [tilespmem:s13+$0x80]  }
0x97: {  	s8 =	simm.s32 $0x5;
	v12 =	vand.u32 $0xFFFFFFFC, v7;
	v7 =	vld [tilespmem:s13+$0x90];
	v5 =	vmov s24;
	v10 =	vmul.f32 v11, v2;
	[tilespmem:s13+$0x10] =	vst v6  }
0x98: {  	s7 =	simm.s32 $0x13E80;
	s24 =	simm.s32 $0x8;
	v11 =	vmul.f32 v13, v2;
	v6 =	vbroadcast v12, $0x0;
	v12 =	vmov s8;
	s8 =	simm.s32 $0x6;
	[tilespmem:s13+$0x20] =	vst v9;
	v9 =	vld [tilespmem:s13+$0xA0]  }
.LBB2_7:
0x99: {  	p0 =	slt.u32 s24, $0x4C;
	v12 =	vand.u32 $0xFFFFFFFD, v12;
	v13 =	vmov s8;
	[tilespmem:s13+$0x30] =	vst v10;
	v4 =	vmul.f32 v4, v2;
	v10 =	vld [tilespmem:s13+$0xB0]  }
0x9a: {  	v12 =	vbroadcast v12, $0x0;
	v13 =	vand.u32 $0xFFFFFFFE, v13;
	[tilespmem:s13+$0x40] =	vst v11;
	v2 =	vmul.f32 v3, v2;
	v3 =	vld [tilespmem:s13+$0xC0]  }
0x9b: {  	v11 =	vbroadcast v13, $0x0;
	[tilespmem:s13+$0x50] =	vst v4;
	v4 =	vmul.f32 v8, v1;
	v8 =	vld [tilespmem:s13+$0xD0]  }
0x9c: {  	[tilespmem:s13+$0x60] =	vst v2;
	v2 =	vmul.f32 v7, v1;
	v7 =	vld [tilespmem:s13+$0xE0]  }
0x9d: {  	[tilespmem:s13+$0x80] =	vst v4;
	v4 =	vmul.f32 v9, v1;
	v9 =	vld [tilespmem:s13+$0xF0]  }
0x9e: {  	v5 =	vld.idx.msk [tilespmem:v5+s21+$0x0], $0xffff;
	[tilespmem:s13+$0x90] =	vst v2;
	v2 =	vmul.f32 v10, v1  }
0x9f: {  	v6 =	vld.idx.msk [tilespmem:v6+s21+$0x0], $0xffff;
	[tilespmem:s13+$0xA0] =	vst v4;
	v3 =	vmul.f32 v3, v1  }
0xa0: {  	v4 =	vld.idx.msk [tilespmem:v12+s21+$0x0], $0xffff;
	[tilespmem:s13+$0xB0] =	vst v2;
	v8 =	vmul.f32 v8, v1  }
0xa1: {  	s13 =	sadd.s32 $0x200, s13;
	v2 =	vld.idx.msk [tilespmem:v11+s21+$0x0], $0xffff;
	[tilespmem:s7+$0xC0] =	vst v3;
	v3 =	vmul.f32 v7, v1  }
0xa2: {  	v7 =	vld [tilespmem:s13+$0x70];
	[tilespmem:s7+$0xD0] =	vst v8;
	v9 =	vmul.f32 v9, v1  }
0xa3: {  	v8 =	vld [tilespmem:s13+$0xFFFFFF00];
	[tilespmem:s7+$0xE0] =	vst v3  }
0xa4: {  	v1 =	vmov v5;
	v3 =	vld [tilespmem:s13+$0xFFFFFF10];
	[tilespmem:s7+$0xF0] =	vst v9;
	s7 =	smov.u32 s13  }
0xa5: {  	v5 =	vld [tilespmem:s13+$0xFFFFFF20]  }
0xa6: {  	v9 =	vld [tilespmem:s13+$0xFFFFFF30]  }
0xa7: {  	v10 =	vld [tilespmem:s13+$0xFFFFFF40];
	v7 =	vmul.f32 v7, v2  }
0xa8: {  	v8 =	vmul.f32 v8, v6;
	v11 =	vld [tilespmem:s13+$0xFFFFFF50]  }
0xa9: {  	v3 =	vmul.f32 v3, v6;
	v12 =	vld [tilespmem:s13+$0xFFFFFF60];
	[tilespmem:s13+$0x70] =	vst v7  }
0xaa: {  	[tilespmem:s13+$0xFFFFFF00] =	vst v8;
	v5 =	vmul.f32 v5, v6;
	v7 =	vld [tilespmem:s13+$0xFFFFFF70]  }
0xab: {  	[tilespmem:s13+$0xFFFFFF10] =	vst v3;
	v3 =	vmul.f32 v9, v6;
	v8 =	vld [tilespmem:s13+$0xFFFFFF80]  }
0xac: {  	[tilespmem:s13+$0xFFFFFF20] =	vst v5;
	v5 =	vmul.f32 v10, v6;
	v9 =	vld [tilespmem:s13+$0xFFFFFF90]  }
0xad: {  	[tilespmem:s13+$0xFFFFFF30] =	vst v3;
	v3 =	vmul.f32 v11, v6;
	v10 =	vld [tilespmem:s13+$0xFFFFFFA0]  }
0xae: {  	[tilespmem:s13+$0xFFFFFF40] =	vst v5;
	v5 =	vmul.f32 v12, v6;
	v11 =	vld [tilespmem:s13+$0xFFFFFFB0]  }
0xaf: {  	[tilespmem:s13+$0xFFFFFF50] =	vst v3;
	v3 =	vmul.f32 v7, v6;
	v6 =	vld [tilespmem:s13+$0xFFFFFFC0]  }
0xb0: {  	[tilespmem:s13+$0xFFFFFF60] =	vst v5;
	v5 =	vmul.f32 v8, v4;
	v7 =	vld [tilespmem:s13+$0xFFFFFFD0]  }
0xb1: {  	[tilespmem:s13+$0xFFFFFF70] =	vst v3;
	v3 =	vmul.f32 v9, v4;
	v8 =	vld [tilespmem:s13+$0xFFFFFFE0]  }
0xb2: {  	[tilespmem:s13+$0xFFFFFF80] =	vst v5;
	v5 =	vmul.f32 v10, v4;
	v9 =	vld [tilespmem:s13+$0xFFFFFFF0]  }
0xb3: {  	[tilespmem:s13+$0xFFFFFF90] =	vst v3;
	v3 =	vmul.f32 v11, v4;
	v10 =	vld [tilespmem:s13+$0x0]  }
0xb4: {  	[tilespmem:s13+$0xFFFFFFA0] =	vst v5;
	v5 =	vmul.f32 v6, v4;
	v6 =	vld [tilespmem:s13+$0x10]  }
0xb5: {  	[tilespmem:s13+$0xFFFFFFB0] =	vst v3;
	v3 =	vmul.f32 v7, v4;
	v7 =	vld [tilespmem:s13+$0x20]  }
0xb6: {  	[tilespmem:s13+$0xFFFFFFC0] =	vst v5;
	v5 =	vmul.f32 v8, v4;
	v11 =	vld [tilespmem:s13+$0x30]  }
0xb7: {  	[tilespmem:s13+$0xFFFFFFD0] =	vst v3;
	v3 =	vmul.f32 v9, v4;
	v9 =	vld [tilespmem:s13+$0x40]  }
.Ltmp2:
0xb8: {  	[tilespmem:s13+$0xFFFFFFE0] =	vst v5;
	v5 =	vmul.f32 v10, v2;
	v4 =	vld [tilespmem:s13+$0x50];
	(pc) =	sbr.rel @p0 .LBB2_7-.Ltmp2, $4  }
0xb9: {  	[tilespmem:s13+$0xFFFFFFF0] =	vst v3;
	v6 =	vmul.f32 v6, v2;
	v3 =	vld [tilespmem:s13+$0x60]  }
0xba: {  	s8 =	sadd.s32 $0x3, s24;
	v10 =	vmov s24;
	[tilespmem:s13+$0x0] =	vst v5;
	v13 =	vmul.f32 v7, v2;
	v8 =	vld [tilespmem:s13+$0x80]  }
0xbb: {  	s15 =	sadd.s32 $0x1, s24;
	v12 =	vand.u32 $0xFFFFFFFC, v10;
	v5 =	vmov s8;
	[tilespmem:s13+$0x10] =	vst v6;
	v10 =	vmul.f32 v11, v2;
	v7 =	vld [tilespmem:s13+$0x90]  }
0xbc: {  	s8 =	sadd.s32 $0x2, s24;
	s24 =	sadd.s32 $0x4, s24;
	v6 =	vbroadcast v12, $0x0;
	v12 =	vmov s15;
	[tilespmem:s13+$0x20] =	vst v13;
	v11 =	vmul.f32 v9, v2;
	v9 =	vld [tilespmem:s13+$0xA0]  }
0xbd: {  	v13 =	vld [tilespmem:s13+$0xB0]  }
0xbe: {  	v15 =	vld [tilespmem:s13+$0xC0]  }
0xbf: {  	v14 =	vmov s8;
	v16 =	vld [tilespmem:s13+$0xD0]  }
0xc0: {  	v17 =	vld [tilespmem:s13+$0xE0];
	[tilespmem:s13+$0x30] =	vst v10;
	v4 =	vmul.f32 v4, v2;
	v14 =	vand.u32 $0xFFFFFFFE, v14  }
0xc1: {  	v12 =	vand.u32 $0xFFFFFFFD, v12;
	v5 =	vld.idx.msk [tilespmem:v5+s21+$0x0], $0xffff;
	[tilespmem:s13+$0x40] =	vst v11;
	v2 =	vmul.f32 v3, v2;
	v14 =	vbroadcast v14, $0x0  }
0xc2: {  	s24 =	sadd.s32 $0x200, s13;
	v12 =	vbroadcast v12, $0x0;
	v3 =	vld.idx.msk [tilespmem:v6+s21+$0x0], $0xffff;
	v8 =	vmul.f32 v8, v1;
	[tilespmem:s13+$0x50] =	vst v4  }
0xc3: {  	v10 =	vld [tilespmem:s24+$0xFFFFFF00];
	v4 =	vmul.f32 v7, v1;
	[tilespmem:s13+$0x60] =	vst v2  }
0xc4: {  	[tilespmem:s13+$0x80] =	vst v8;
	v8 =	vld [tilespmem:s13+$0xF0];
	v2 =	vmul.f32 v9, v1  }
0xc5: {  	v11 =	vld [tilespmem:s24+$0xFFFFFF10];
	[tilespmem:s13+$0x90] =	vst v4;
	v4 =	vmul.f32 v13, v1  }
0xc6: {  	v9 =	vld [tilespmem:s24+$0x70];
	[tilespmem:s13+$0xA0] =	vst v2;
	v2 =	vmul.f32 v15, v1  }
0xc7: {  	[tilespmem:s13+$0xB0] =	vst v4;
	v4 =	vmul.f32 v16, v1;
	v7 =	vld.idx.msk [tilespmem:v14+s21+$0x0], $0xffff  }
0xc8: {  	v6 =	vld.idx.msk [tilespmem:v12+s21+$0x0], $0xffff;
	[tilespmem:s7+$0xC0] =	vst v2;
	v2 =	vmul.f32 v17, v1  }
0xc9: {  	v12 =	vld [tilespmem:s24+$0xFFFFFF20];
	[tilespmem:s7+$0xD0] =	vst v4;
	v1 =	vmul.f32 v8, v1  }
0xca: {  	v4 =	vld [tilespmem:s24+$0xFFFFFF30];
	[tilespmem:s7+$0xE0] =	vst v2  }
0xcb: {  	v2 =	vld [tilespmem:s24+$0xFFFFFF40];
	[tilespmem:s7+$0xF0] =	vst v1;
	v1 =	vmul.f32 v10, v3  }
0xcc: {  	v8 =	vmul.f32 v9, v7;
	v9 =	vld [tilespmem:s24+$0xFFFFFF50]  }
0xcd: {  	v10 =	vmul.f32 v11, v3;
	v11 =	vld [tilespmem:s24+$0xFFFFFF60];
	[tilespmem:s24+$0xFFFFFF00] =	vst v1  }
0xce: {  	v1 =	vmul.f32 v12, v3;
	[tilespmem:s24+$0x70] =	vst v8;
	v8 =	vld [tilespmem:s24+$0xFFFFFF70]  }
0xcf: {  	[tilespmem:s24+$0xFFFFFF10] =	vst v10;
	v10 =	vld [tilespmem:s24+$0xFFFFFF80];
	v4 =	vmul.f32 v4, v3  }
0xd0: {  	[tilespmem:s24+$0xFFFFFF20] =	vst v1;
	v1 =	vmul.f32 v2, v3;
	v2 =	vld [tilespmem:s24+$0xFFFFFF90]  }
0xd1: {  	[tilespmem:s24+$0xFFFFFF30] =	vst v4;
	v4 =	vmul.f32 v9, v3;
	v9 =	vld [tilespmem:s24+$0xFFFFFFA0]  }
0xd2: {  	[tilespmem:s24+$0xFFFFFF40] =	vst v1;
	v1 =	vmul.f32 v11, v3;
	v11 =	vld [tilespmem:s24+$0xFFFFFFB0]  }
0xd3: {  	[tilespmem:s24+$0xFFFFFF50] =	vst v4;
	v3 =	vmul.f32 v8, v3;
	v4 =	vld [tilespmem:s24+$0xFFFFFFC0]  }
0xd4: {  	[tilespmem:s24+$0xFFFFFF60] =	vst v1;
	v1 =	vmul.f32 v10, v6;
	v8 =	vld [tilespmem:s24+$0xFFFFFFD0]  }
0xd5: {  	v2 =	vmul.f32 v2, v6;
	[tilespmem:s24+$0xFFFFFF70] =	vst v3;
	v3 =	vld [tilespmem:s24+$0xFFFFFFE0]  }
0xd6: {  	[tilespmem:s24+$0xFFFFFF80] =	vst v1;
	v1 =	vmul.f32 v9, v6;
	v9 =	vld [tilespmem:s24+$0xFFFFFFF0]  }
0xd7: {  	v10 =	vld [tilespmem:s24+$0x0];
	[tilespmem:s24+$0xFFFFFF90] =	vst v2;
	v2 =	vmul.f32 v11, v6  }
0xd8: {  	[tilespmem:s24+$0xFFFFFFA0] =	vst v1;
	v1 =	vmul.f32 v4, v6;
	v4 =	vld [tilespmem:s24+$0x10]  }
0xd9: {  	[tilespmem:s24+$0xFFFFFFB0] =	vst v2;
	v2 =	vmul.f32 v8, v6;
	v8 =	vld [tilespmem:s24+$0x20]  }
0xda: {  	[tilespmem:s24+$0xFFFFFFC0] =	vst v1;
	v1 =	vmul.f32 v3, v6;
	v3 =	vld [tilespmem:s24+$0x30]  }
0xdb: {  	[tilespmem:s24+$0xFFFFFFD0] =	vst v2;
	v2 =	vmul.f32 v9, v6;
	v6 =	vld [tilespmem:s24+$0x40]  }
0xdc: {  	v9 =	vld [tilespmem:s24+$0x50];
	[tilespmem:s24+$0xFFFFFFE0] =	vst v1;
	v1 =	vmul.f32 v10, v7  }
0xdd: {  	[tilespmem:s24+$0xFFFFFFF0] =	vst v2;
	v2 =	vmul.f32 v4, v7;
	v4 =	vld [tilespmem:s24+$0x60]  }
0xde: {  	[tilespmem:s24+$0x0] =	vst v1;
	v1 =	vmul.f32 v8, v7;
	v8 =	vld [tilespmem:s24+$0x80]  }
0xdf: {  	[tilespmem:s24+$0x10] =	vst v2;
	v2 =	vmul.f32 v3, v7;
	v3 =	vld [tilespmem:s24+$0x90]  }
0xe0: {  	[tilespmem:s24+$0x20] =	vst v1;
	v1 =	vmul.f32 v6, v7;
	v6 =	vld [tilespmem:s24+$0xA0]  }
0xe1: {  	[tilespmem:s24+$0x30] =	vst v2;
	v2 =	vmul.f32 v9, v7;
	v9 =	vld [tilespmem:s24+$0xB0]  }
0xe2: {  	[tilespmem:s24+$0x40] =	vst v1;
	v1 =	vmul.f32 v4, v7;
	v4 =	vld [tilespmem:s24+$0xC0]  }
0xe3: {  	v7 =	vld [tilespmem:s24+$0xD0];
	[tilespmem:s24+$0x50] =	vst v2;
	v2 =	vmul.f32 v8, v5  }
0xe4: {  	[tilespmem:s24+$0x60] =	vst v1;
	v1 =	vmul.f32 v3, v5;
	v3 =	vld [tilespmem:s24+$0xE0]  }
0xe5: {  	[tilespmem:s24+$0x80] =	vst v2;
	v2 =	vmul.f32 v6, v5;
	v6 =	vld [tilespmem:s24+$0xF0]  }
0xe6: {  	[tilespmem:s24+$0x90] =	vst v1;
	v1 =	vmul.f32 v9, v5  }
0xe7: {  	[tilespmem:s24+$0xA0] =	vst v2;
	v2 =	vmul.f32 v4, v5  }
0xe8: {  	[tilespmem:s24+$0xB0] =	vst v1;
	v1 =	vmul.f32 v7, v5  }
0xe9: {  	[tilespmem:s24+$0xC0] =	vst v2;
	v2 =	vmul.f32 v3, v5  }
0xea: {  	[tilespmem:s24+$0xD0] =	vst v1;
	v1 =	vmul.f32 v6, v5  }
0xeb: {  	[tilespmem:s24+$0xE0] =	vst v2  }
0xec: {  	[tilespmem:s24+$0xF0] =	vst v1  }
0xed: {  	[spmem:s2] =	stream.indirect.scatter.add.f32 [tilespmem:s23], [sflag:$0x3], $0x80, s0, s19, $0xb8;
	[tilespmem:$0x18D80] =	vst v63  }
0xee: {  	_ =	swait.ge [sflag:s25], $0x2800  }
0xef: {  	[sflag:s25] =	ssyncset.done $0x0  }
0xf0: {  	[sflag:s25] =	ssyncadd.s32 $0xFFFFD800  }
0xf1: {  	_ =	swait.ge [sflag:s18], $0x50  }
0xf2: {  	[sflag:s18] =	ssyncset.done $0x0  }
0xf3: {  	[sflag:s18] =	ssyncadd.s32 $0xFFFFFFB0  }
0xf4: {  	v1 =	vld [tilespmem:$0x13880];
	_ =	sdelay $0x2  }
0xf5: {  	v2 =	vld [tilespmem:$0x13890];
	_ =	sdelay $0x1  }
0xf6: {  	v3 =	vshrl.u32 v1, $0x1C  }
0xf7: {  	v5 =	vld [tilespmem:$0x138A0];
	v4 =	vshrl.u32 v1, $0xE;
	v3 =	vmul.u32 $0x2710, v3  }
0xf8: {  	v4 =	vand.u32 $0x3FFF, v4  }
0xf9: {  	v6 =	vshrl.u32 v2, $0x1C;
	v4 =	vadd.s32 v4, v3  }
0xfa: {  	v7 =	vld [tilespmem:$0x138B0];
	v1 =	vand.u32 $0x3FFF, v1;
	[tilespmem:$0x13980] =	vst v4;
	v4 =	vmul.u32 $0x2710, v6;
	v6 =	vshrl.u32 v2, $0xE  }
0xfb: {  	[tilespmem:$0x13A80] =	vst v1;
	v1 =	vadd.s32 v1, v3;
	v3 =	vand.u32 $0x3FFF, v6  }
0xfc: {  	[tilespmem:$0x13C80] =	vst v1;
	v1 =	vadd.s32 v3, v4;
	v3 =	vshrl.u32 v5, $0x1C  }
0xfd: {  	v2 =	vand.u32 $0x3FFF, v2;
	v6 =	vld [tilespmem:$0x138C0];
	[tilespmem:$0x13990] =	vst v1;
	v1 =	vmul.u32 $0x2710, v3;
	v3 =	vshrl.u32 v5, $0xE  }
0xfe: {  	[tilespmem:$0x13A90] =	vst v2;
	v2 =	vadd.s32 v2, v4;
	v3 =	vand.u32 $0x3FFF, v3  }
0xff: {  	[tilespmem:$0x13C90] =	vst v2;
	v2 =	vadd.s32 v3, v1;
	v3 =	vshrl.u32 v7, $0x1C  }
0x100: {  	v4 =	vand.u32 $0x3FFF, v5;
	[tilespmem:$0x139A0] =	vst v2;
	v2 =	vmul.u32 $0x2710, v3;
	v3 =	vshrl.u32 v7, $0xE  }
0x101: {  	[tilespmem:$0x13AA0] =	vst v4;
	v1 =	vadd.s32 v4, v1;
	v3 =	vand.u32 $0x3FFF, v3  }
0x102: {  	[tilespmem:$0x13CA0] =	vst v1;
	v1 =	vadd.s32 v3, v2;
	v3 =	vshrl.u32 v6, $0x1C  }
0x103: {  	v4 =	vand.u32 $0x3FFF, v7;
	[tilespmem:$0x139B0] =	vst v1;
	v1 =	vmul.u32 $0x2710, v3;
	v3 =	vshrl.u32 v6, $0xE  }
0x104: {  	[tilespmem:$0x13AB0] =	vst v4;
	v2 =	vadd.s32 v4, v2;
	v3 =	vand.u32 $0x3FFF, v3  }
0x105: {  	p0 =	seq.s32 s10, $0x3D;
	[tilespmem:$0x13CB0] =	vst v2;
	v2 =	vadd.s32 v3, v1  }
0x106: {  	s7 =	smul.u32 @!p0 $0xA0, s10;
	v3 =	vand.u32 $0x3FFF, v6;
	[tilespmem:$0x139C0] =	vst v2  }
0x107: {  	[tilespmem:$0x13AC0] =	vst v3;
	v1 =	vadd.s32 v3, v1  }
0x108: {  	s7 =	sadd.s32 @!p0 s7, s11;
	[tilespmem:$0x13CC0] =	vst v1  }
0x109: {  	[tilespmem:s21], [sflag:$0x5] =	stream.indirect.gather [hbm4b:s6+s19], $0x1, s20, s19, $0xb8;
	[tilespmem:$0x18D80] =	vst v63  }
0x10a: {  	s15 =	simm.s32 @!p0 $0x13880;
	s7 =	sshrl.u32 @!p0 s7, $0x3;
	s24 =	simm.s32 $0x0  }
0x10b: {  	[tilespmem:s23], [sflag:$0x1] =	stream.indirect.gather [hbm4b:s5+s19], $0x80, s22, s19, $0xb8;
	[tilespmem:$0x18D80] =	vst v63  }
0x10c: {  	s13 =	simm.s32 @!p0 $0x0;
	s7 =	sadd.s32 @!p0 s1, s7;
	v1 =	vmov s24;
	s24 =	simm.s32 $0x2  }
0x10d: {  	v1 =	vand.u32 $0xFFFFFFFC, v1;
	v2 =	vmov s24;
	[tilespmem:s15], [sflag:$0x7] =	stream.linear.gather @!p0 [hbm4b:s7+s13], $0x50, $0x38;
	[tilespmem:$0x18D80] =	vst v63  }
0x10e: {  	v1 =	vbroadcast v1, $0x0;
	v2 =	vand.u32 $0xFFFFFFFE, v2;
	_ =	swait.ge [sflag:s28], $0x50  }
0x10f: {  	v2 =	vbroadcast v2, $0x0;
	[sflag:s28] =	ssyncset.done $0x0  }
0x110: {  	[sflag:s28] =	ssyncadd.s32 $0xFFFFFFB0  }
0x111: {  	_ =	swait.ge [sflag:s16], $0x2800  }
0x112: {  	[sflag:s16] =	ssyncset.done $0x0  }
0x113: {  	[sflag:s16] =	ssyncadd.s32 $0xFFFFD800  }
0x114: {  	v1 =	vld.idx.msk [tilespmem:v1+s26+$0x0], $0xffff  }
0x115: {  	s13 =	simm.s32 $0x16680;
	v2 =	vld.idx.msk [tilespmem:v2+s26+$0x0], $0xffff  }
0x116: {  	s15 =	simm.s32 $0x1;
	v4 =	vld [tilespmem:s13+$0x70]  }
0x117: {  	v3 =	vmov s15;
	v5 =	vld [tilespmem:s13+$0xFFFFFF00]  }
0x118: {  	v3 =	vand.u32 $0xFFFFFFFD, v3;
	v6 =	vld [tilespmem:s13+$0xFFFFFF10]  }
0x119: {  	v3 =	vbroadcast v3, $0x0;
	v7 =	vld [tilespmem:s13+$0xFFFFFF20]  }
0x11a: {  	v8 =	vld [tilespmem:s13+$0xFFFFFF30]  }
0x11b: {  	v9 =	vld [tilespmem:s13+$0xFFFFFF40]  }
0x11c: {  	v10 =	vld [tilespmem:s13+$0xFFFFFF50]  }
0x11d: {  	v11 =	vld [tilespmem:s13+$0xFFFFFF60];
	v5 =	vmul.f32 v5, v1  }
0x11e: {  	v13 =	vld [tilespmem:s13+$0x40];
	v4 =	vmul.f32 v4, v2  }
0x11f: {  	v3 =	vld.idx.msk [tilespmem:v3+s26+$0x0], $0xffff;
	[tilespmem:s13+$0xFFFFFF00] =	vst v5;
	v5 =	vmul.f32 v6, v1  }
0x120: {  	v6 =	vld [tilespmem:s13+$0xFFFFFF70];
	[tilespmem:s13+$0x70] =	vst v4;
	v4 =	vmul.f32 v7, v1  }
0x121: {  	v7 =	vld [tilespmem:s13+$0xFFFFFF80];
	[tilespmem:s13+$0xFFFFFF10] =	vst v5;
	v5 =	vmul.f32 v8, v1  }
0x122: {  	v8 =	vld [tilespmem:s13+$0xFFFFFF90];
	[tilespmem:s13+$0xFFFFFF20] =	vst v4;
	v4 =	vmul.f32 v9, v1  }
0x123: {  	v9 =	vld [tilespmem:s13+$0xFFFFFFA0];
	[tilespmem:s13+$0xFFFFFF30] =	vst v5;
	v5 =	vmul.f32 v10, v1  }
0x124: {  	v10 =	vld [tilespmem:s13+$0xFFFFFFB0];
	[tilespmem:s13+$0xFFFFFF40] =	vst v4;
	v4 =	vmul.f32 v11, v1  }
0x125: {  	v11 =	vld [tilespmem:s13+$0xFFFFFFC0];
	v6 =	vmul.f32 v6, v1;
	[tilespmem:s13+$0xFFFFFF50] =	vst v5  }
0x126: {  	v5 =	vmul.f32 v7, v3;
	v7 =	vld [tilespmem:s13+$0xFFFFFFD0];
	[tilespmem:s13+$0xFFFFFF60] =	vst v4  }
0x127: {  	s24 =	simm.s32 $0x3;
	v4 =	vld [tilespmem:s13+$0xFFFFFFE0];
	v8 =	vmul.f32 v8, v3;
	[tilespmem:s13+$0xFFFFFF70] =	vst v6  }
0x128: {  	v12 =	vmov s24;
	v6 =	vld [tilespmem:s13+$0xFFFFFFF0];
	[tilespmem:s13+$0xFFFFFF80] =	vst v5;
	v5 =	vmul.f32 v9, v3  }
0x129: {  	v9 =	vld [tilespmem:s13+$0x0];
	[tilespmem:s13+$0xFFFFFF90] =	vst v8;
	v8 =	vmul.f32 v10, v3  }
0x12a: {  	v10 =	vld [tilespmem:s13+$0x10];
	[tilespmem:s13+$0xFFFFFFA0] =	vst v5;
	v5 =	vmul.f32 v11, v3  }
0x12b: {  	[tilespmem:s13+$0xFFFFFFB0] =	vst v8;
	v7 =	vmul.f32 v7, v3;
	v8 =	vld [tilespmem:s13+$0x20]  }
0x12c: {  	v11 =	vld [tilespmem:s13+$0x30];
	v4 =	vmul.f32 v4, v3;
	[tilespmem:s13+$0xFFFFFFC0] =	vst v5  }
0x12d: {  	v1 =	vld.idx.msk [tilespmem:v12+s26+$0x0], $0xffff;
	v3 =	vmul.f32 v6, v3;
	[tilespmem:s13+$0xFFFFFFD0] =	vst v7  }
0x12e: {  	[tilespmem:s13+$0xFFFFFFE0] =	vst v4;
	v5 =	vmul.f32 v9, v2;
	v4 =	vld [tilespmem:s13+$0x50]  }
0x12f: {  	s8 =	simm.s32 $0x4;
	[tilespmem:s13+$0xFFFFFFF0] =	vst v3;
	v6 =	vmul.f32 v10, v2;
	v3 =	vld [tilespmem:s13+$0x60]  }
0x130: {  	s15 =	simm.s32 $0x7;
	v7 =	vmov s8;
	[tilespmem:s13+$0x0] =	vst v5;
	v9 =	vmul.f32 v8, v2;
	v8 =	vld [tilespmem:s13+$0x80]  }
0x131: {  	s24 =	simm.s32 $0x5;
	v12 =	vand.u32 $0xFFFFFFFC, v7;
	v7 =	vld [tilespmem:s13+$0x90];
	v5 =	vmov s15;
	v10 =	vmul.f32 v11, v2;
	[tilespmem:s13+$0x10] =	vst v6  }
0x132: {  	s7 =	simm.s32 $0x16680;
	s8 =	simm.s32 $0x6;
	v11 =	vmul.f32 v13, v2;
	v6 =	vbroadcast v12, $0x0;
	v12 =	vmov s24;
	s24 =	simm.s32 $0x8;
	[tilespmem:s13+$0x20] =	vst v9;
	v9 =	vld [tilespmem:s13+$0xA0]  }
.LBB2_9:
0x133: {  	p1 =	slt.u32 s24, $0x4C;
	v12 =	vand.u32 $0xFFFFFFFD, v12;
	v13 =	vmov s8;
	[tilespmem:s13+$0x30] =	vst v10;
	v4 =	vmul.f32 v4, v2;
	v10 =	vld [tilespmem:s13+$0xB0]  }
0x134: {  	v12 =	vbroadcast v12, $0x0;
	v13 =	vand.u32 $0xFFFFFFFE, v13;
	[tilespmem:s13+$0x40] =	vst v11;
	v2 =	vmul.f32 v3, v2;
	v3 =	vld [tilespmem:s13+$0xC0]  }
0x135: {  	v11 =	vbroadcast v13, $0x0;
	[tilespmem:s13+$0x50] =	vst v4;
	v4 =	vmul.f32 v8, v1;
	v8 =	vld [tilespmem:s13+$0xD0]  }
0x136: {  	[tilespmem:s13+$0x60] =	vst v2;
	v2 =	vmul.f32 v7, v1;
	v7 =	vld [tilespmem:s13+$0xE0]  }
0x137: {  	[tilespmem:s13+$0x80] =	vst v4;
	v4 =	vmul.f32 v9, v1;
	v9 =	vld [tilespmem:s13+$0xF0]  }
0x138: {  	v5 =	vld.idx.msk [tilespmem:v5+s26+$0x0], $0xffff;
	[tilespmem:s13+$0x90] =	vst v2;
	v2 =	vmul.f32 v10, v1  }
0x139: {  	v6 =	vld.idx.msk [tilespmem:v6+s26+$0x0], $0xffff;
	[tilespmem:s13+$0xA0] =	vst v4;
	v3 =	vmul.f32 v3, v1  }
0x13a: {  	v4 =	vld.idx.msk [tilespmem:v12+s26+$0x0], $0xffff;
	[tilespmem:s13+$0xB0] =	vst v2;
	v8 =	vmul.f32 v8, v1  }
0x13b: {  	s13 =	sadd.s32 $0x200, s13;
	v2 =	vld.idx.msk [tilespmem:v11+s26+$0x0], $0xffff;
	[tilespmem:s7+$0xC0] =	vst v3;
	v3 =	vmul.f32 v7, v1  }
0x13c: {  	v7 =	vld [tilespmem:s13+$0x70];
	[tilespmem:s7+$0xD0] =	vst v8;
	v9 =	vmul.f32 v9, v1  }
0x13d: {  	v8 =	vld [tilespmem:s13+$0xFFFFFF00];
	[tilespmem:s7+$0xE0] =	vst v3  }
0x13e: {  	v1 =	vmov v5;
	v3 =	vld [tilespmem:s13+$0xFFFFFF10];
	[tilespmem:s7+$0xF0] =	vst v9;
	s7 =	smov.u32 s13  }
0x13f: {  	v5 =	vld [tilespmem:s13+$0xFFFFFF20]  }
0x140: {  	v9 =	vld [tilespmem:s13+$0xFFFFFF30]  }
0x141: {  	v10 =	vld [tilespmem:s13+$0xFFFFFF40];
	v7 =	vmul.f32 v7, v2  }
0x142: {  	v8 =	vmul.f32 v8, v6;
	v11 =	vld [tilespmem:s13+$0xFFFFFF50]  }
0x143: {  	v3 =	vmul.f32 v3, v6;
	v12 =	vld [tilespmem:s13+$0xFFFFFF60];
	[tilespmem:s13+$0x70] =	vst v7  }
0x144: {  	[tilespmem:s13+$0xFFFFFF00] =	vst v8;
	v5 =	vmul.f32 v5, v6;
	v7 =	vld [tilespmem:s13+$0xFFFFFF70]  }
0x145: {  	[tilespmem:s13+$0xFFFFFF10] =	vst v3;
	v3 =	vmul.f32 v9, v6;
	v8 =	vld [tilespmem:s13+$0xFFFFFF80]  }
0x146: {  	[tilespmem:s13+$0xFFFFFF20] =	vst v5;
	v5 =	vmul.f32 v10, v6;
	v9 =	vld [tilespmem:s13+$0xFFFFFF90]  }
0x147: {  	[tilespmem:s13+$0xFFFFFF30] =	vst v3;
	v3 =	vmul.f32 v11, v6;
	v10 =	vld [tilespmem:s13+$0xFFFFFFA0]  }
0x148: {  	[tilespmem:s13+$0xFFFFFF40] =	vst v5;
	v5 =	vmul.f32 v12, v6;
	v11 =	vld [tilespmem:s13+$0xFFFFFFB0]  }
0x149: {  	[tilespmem:s13+$0xFFFFFF50] =	vst v3;
	v3 =	vmul.f32 v7, v6;
	v6 =	vld [tilespmem:s13+$0xFFFFFFC0]  }
0x14a: {  	[tilespmem:s13+$0xFFFFFF60] =	vst v5;
	v5 =	vmul.f32 v8, v4;
	v7 =	vld [tilespmem:s13+$0xFFFFFFD0]  }
0x14b: {  	[tilespmem:s13+$0xFFFFFF70] =	vst v3;
	v3 =	vmul.f32 v9, v4;
	v8 =	vld [tilespmem:s13+$0xFFFFFFE0]  }
0x14c: {  	[tilespmem:s13+$0xFFFFFF80] =	vst v5;
	v5 =	vmul.f32 v10, v4;
	v9 =	vld [tilespmem:s13+$0xFFFFFFF0]  }
0x14d: {  	[tilespmem:s13+$0xFFFFFF90] =	vst v3;
	v3 =	vmul.f32 v11, v4;
	v10 =	vld [tilespmem:s13+$0x0]  }
0x14e: {  	[tilespmem:s13+$0xFFFFFFA0] =	vst v5;
	v5 =	vmul.f32 v6, v4;
	v6 =	vld [tilespmem:s13+$0x10]  }
0x14f: {  	[tilespmem:s13+$0xFFFFFFB0] =	vst v3;
	v3 =	vmul.f32 v7, v4;
	v7 =	vld [tilespmem:s13+$0x20]  }
0x150: {  	[tilespmem:s13+$0xFFFFFFC0] =	vst v5;
	v5 =	vmul.f32 v8, v4;
	v11 =	vld [tilespmem:s13+$0x30]  }
0x151: {  	[tilespmem:s13+$0xFFFFFFD0] =	vst v3;
	v3 =	vmul.f32 v9, v4;
	v9 =	vld [tilespmem:s13+$0x40]  }
.Ltmp3:
0x152: {  	[tilespmem:s13+$0xFFFFFFE0] =	vst v5;
	v5 =	vmul.f32 v10, v2;
	v4 =	vld [tilespmem:s13+$0x50];
	(pc) =	sbr.rel @p1 .LBB2_9-.Ltmp3, $4  }
0x153: {  	[tilespmem:s13+$0xFFFFFFF0] =	vst v3;
	v6 =	vmul.f32 v6, v2;
	v3 =	vld [tilespmem:s13+$0x60]  }
0x154: {  	s8 =	sadd.s32 $0x3, s24;
	v10 =	vmov s24;
	[tilespmem:s13+$0x0] =	vst v5;
	v13 =	vmul.f32 v7, v2;
	v8 =	vld [tilespmem:s13+$0x80]  }
0x155: {  	s15 =	sadd.s32 $0x1, s24;
	v12 =	vand.u32 $0xFFFFFFFC, v10;
	v5 =	vmov s8;
	[tilespmem:s13+$0x10] =	vst v6;
	v10 =	vmul.f32 v11, v2;
	v7 =	vld [tilespmem:s13+$0x90]  }
0x156: {  	s8 =	sadd.s32 $0x2, s24;
	s24 =	sadd.s32 $0x4, s24;
	v6 =	vbroadcast v12, $0x0;
	v12 =	vmov s15;
	[tilespmem:s13+$0x20] =	vst v13;
	v11 =	vmul.f32 v9, v2;
	v9 =	vld [tilespmem:s13+$0xA0]  }
0x157: {  	v13 =	vld [tilespmem:s13+$0xB0]  }
0x158: {  	v15 =	vld [tilespmem:s13+$0xC0]  }
0x159: {  	v16 =	vld [tilespmem:s13+$0xD0]  }
0x15a: {  	v17 =	vld [tilespmem:s13+$0xE0]  }
0x15b: {  	v29 =	vld [tilespmem:s13+$0xF0];
	[tilespmem:s13+$0x30] =	vst v10;
	v4 =	vmul.f32 v4, v2  }
0x15c: {  	v5 =	vld.idx.msk [tilespmem:v5+s26+$0x0], $0xffff;
	[tilespmem:s13+$0x40] =	vst v11;
	v2 =	vmul.f32 v3, v2  }
0x15d: {  	s24 =	sadd.s32 $0x200, s13;
	v3 =	vld.idx.msk [tilespmem:v6+s26+$0x0], $0xffff;
	v8 =	vmul.f32 v8, v1;
	[tilespmem:s13+$0x50] =	vst v4  }
0x15e: {  	v14 =	vmov s8;
	v34 =	vld [tilespmem:s24+$0x70];
	v30 =	vmul.f32 v7, v1;
	[tilespmem:s13+$0x60] =	vst v2  }
0x15f: {  	v14 =	vand.u32 $0xFFFFFFFE, v14;
	v35 =	vld [tilespmem:s24+$0xFFFFFF00];
	[tilespmem:s13+$0x80] =	vst v8;
	v2 =	vmul.f32 v9, v1  }
0x160: {  	v37 =	vld [tilespmem:s24+$0xFFFFFF10];
	v14 =	vbroadcast v14, $0x0;
	[tilespmem:s13+$0x90] =	vst v30;
	v33 =	vmul.f32 v13, v1  }
0x161: {  	v38 =	vld [tilespmem:s24+$0xFFFFFF20];
	[tilespmem:s13+$0xA0] =	vst v2;
	v2 =	vmul.f32 v15, v1  }
0x162: {  	v12 =	vand.u32 $0xFFFFFFFD, v12;
	v39 =	vld [tilespmem:s24+$0xFFFFFF30];
	v36 =	vmul.f32 v16, v1;
	[tilespmem:s13+$0xB0] =	vst v33  }
0x163: {  	v12 =	vbroadcast v12, $0x0;
	v41 =	vld [tilespmem:s24+$0xFFFFFF50];
	[tilespmem:s7+$0xC0] =	vst v2;
	v2 =	vmul.f32 v17, v1  }
0x164: {  	v43 =	vld [tilespmem:s24+$0xFFFFFF60];
	[tilespmem:s7+$0xD0] =	vst v36;
	v1 =	vmul.f32 v29, v1  }
0x165: {  	v42 =	vmul.f32 v37, v3;
	[tilespmem:s7+$0xE0] =	vst v2;
	v2 =	vld [tilespmem:s24+$0xFFFFFF40]  }
0x166: {  	v32 =	vld.idx.msk [tilespmem:v14+s26+$0x0], $0xffff;
	[tilespmem:s7+$0xF0] =	vst v1;
	v1 =	vmul.f32 v35, v3  }
0x167: {  	v44 =	vld [tilespmem:s24+$0xFFFFFF70];
	v4 =	vmul.f32 v39, v3;
	[tilespmem:s24+$0xFFFFFF10] =	vst v42  }
0x168: {  	v45 =	vld [tilespmem:s24+$0xFFFFFF80];
	[tilespmem:s24+$0xFFFFFF00] =	vst v1;
	v1 =	vmul.f32 v38, v3  }
0x169: {  	v46 =	vmul.f32 v41, v3;
	v31 =	vld.idx.msk [tilespmem:v12+s26+$0x0], $0xffff;
	[tilespmem:s24+$0xFFFFFF30] =	vst v4  }
0x16a: {  	[tilespmem:s24+$0xFFFFFF20] =	vst v1;
	v1 =	vmul.f32 v2, v3;
	v2 =	vld [tilespmem:s24+$0xFFFFFF90]  }
0x16b: {  	v47 =	vld [tilespmem:s24+$0xFFFFFFA0];
	[tilespmem:s24+$0xFFFFFF50] =	vst v46;
	v40 =	vmul.f32 v34, v32  }
0x16c: {  	v48 =	vld [tilespmem:s24+$0xFFFFFFB0];
	[tilespmem:s24+$0xFFFFFF40] =	vst v1;
	v1 =	vmul.f32 v43, v3  }
0x16d: {  	v49 =	vld [tilespmem:s24+$0xFFFFFFC0];
	[tilespmem:s24+$0x70] =	vst v40;
	v3 =	vmul.f32 v44, v3  }
0x16e: {  	v50 =	vld [tilespmem:s24+$0xFFFFFFD0];
	[tilespmem:s24+$0xFFFFFF60] =	vst v1;
	v1 =	vmul.f32 v45, v31  }
0x16f: {  	[tilespmem:s24+$0xFFFFFF70] =	vst v3;
	v3 =	vld [tilespmem:s24+$0xFFFFFFE0];
	v2 =	vmul.f32 v2, v31  }
0x170: {  	v51 =	vld [tilespmem:s24+$0xFFFFFFF0];
	[tilespmem:s24+$0xFFFFFF80] =	vst v1;
	v1 =	vmul.f32 v47, v31  }
0x171: {  	v52 =	vld [tilespmem:s24+$0x0];
	[tilespmem:s24+$0xFFFFFF90] =	vst v2;
	v2 =	vmul.f32 v48, v31  }
0x172: {  	v53 =	vld [tilespmem:s24+$0x10];
	[tilespmem:s24+$0xFFFFFFA0] =	vst v1;
	v1 =	vmul.f32 v49, v31  }
0x173: {  	v54 =	vld [tilespmem:s24+$0x20];
	[tilespmem:s24+$0xFFFFFFB0] =	vst v2;
	v2 =	vmul.f32 v50, v31  }
0x174: {  	[tilespmem:s24+$0xFFFFFFC0] =	vst v1;
	v1 =	vmul.f32 v3, v31;
	v3 =	vld [tilespmem:s24+$0x30]  }
0x175: {  	v55 =	vld [tilespmem:s24+$0x40];
	[tilespmem:s24+$0xFFFFFFD0] =	vst v2;
	v2 =	vmul.f32 v51, v31  }
0x176: {  	v56 =	vld [tilespmem:s24+$0x50];
	[tilespmem:s24+$0xFFFFFFE0] =	vst v1;
	v1 =	vmul.f32 v52, v32  }
0x177: {  	v57 =	vld [tilespmem:s24+$0x60];
	[tilespmem:s24+$0xFFFFFFF0] =	vst v2;
	v2 =	vmul.f32 v53, v32  }
0x178: {  	v58 =	vld [tilespmem:s24+$0x80];
	[tilespmem:s24+$0x0] =	vst v1;
	v1 =	vmul.f32 v54, v32  }
0x179: {  	[tilespmem:s24+$0x10] =	vst v2;
	v2 =	vmul.f32 v3, v32;
	v3 =	vld [tilespmem:s24+$0x90]  }
0x17a: {  	v59 =	vld [tilespmem:s24+$0xA0];
	[tilespmem:s24+$0x20] =	vst v1;
	v1 =	vmul.f32 v55, v32  }
0x17b: {  	v60 =	vld [tilespmem:s24+$0xB0];
	[tilespmem:s24+$0x30] =	vst v2;
	v2 =	vmul.f32 v56, v32  }
0x17c: {  	v61 =	vld [tilespmem:s24+$0xC0];
	[tilespmem:s24+$0x40] =	vst v1;
	v1 =	vmul.f32 v57, v32  }
0x17d: {  	v62 =	vld [tilespmem:s24+$0xD0];
	[tilespmem:s24+$0x50] =	vst v2;
	v2 =	vmul.f32 v58, v5  }
0x17e: {  	[tilespmem:s24+$0x60] =	vst v1;
	v1 =	vmul.f32 v3, v5;
	v3 =	vld [tilespmem:s24+$0xE0]  }
0x17f: {  	v63 =	vld [tilespmem:s24+$0xF0];
	[tilespmem:s24+$0x80] =	vst v2;
	v2 =	vmul.f32 v59, v5  }
0x180: {  	[tilespmem:s24+$0x90] =	vst v1;
	v1 =	vmul.f32 v60, v5  }
0x181: {  	[tilespmem:s24+$0xA0] =	vst v2;
	v2 =	vmul.f32 v61, v5  }
0x182: {  	[tilespmem:s24+$0xB0] =	vst v1;
	v1 =	vmul.f32 v62, v5  }
0x183: {  	[tilespmem:s24+$0xC0] =	vst v2;
	v2 =	vmul.f32 v3, v5  }
0x184: {  	[tilespmem:s24+$0xD0] =	vst v1;
	v1 =	vmul.f32 v63, v5  }
0x185: {  	[tilespmem:s24+$0xE0] =	vst v2  }
0x186: {  	s7 =	simm.s32 @!p0 $0x4;
	[tilespmem:s24+$0xF0] =	vst v1  }
0x187: {  	[spmem:s2] =	stream.indirect.scatter.add.f32 [tilespmem:s29], [sflag:$0x4], $0x80, s17, s19, $0xb8;
	[tilespmem:$0x18D80] =	vst v63  }
0x188: {  	_ =	swait.ge @!p0 [sflag:s7], $0x2800  }
0x189: {  	[sflag:s7] =	ssyncset.done @!p0 $0x0  }
0x18a: {  	[sflag:s7] =	ssyncadd.s32 @!p0 $0xFFFFD800;
	s7 =	simm.s32 @!p0 $0x8  }
0x18b: {  	_ =	swait.ge @!p0 [sflag:s7], $0x50  }
0x18c: {  	[sflag:s7] =	ssyncset.done @!p0 $0x0  }
0x18d: {  	[sflag:s7] =	ssyncadd.s32 @!p0 $0xFFFFFFB0  }
0x18e: {  	v1 =	vld @!p0 [tilespmem:$0x13900];
	_ =	sdelay $0x2  }
0x18f: {  	v2 =	vld @!p0 [tilespmem:$0x13910];
	_ =	sdelay $0x1  }
0x190: {  	v3 =	vshrl.u32 @!p0 v1, $0x1C  }
0x191: {  	v5 =	vld @!p0 [tilespmem:$0x13920];
	v4 =	vshrl.u32 @!p0 v1, $0xE;
	v3 =	vmul.u32 @!p0 $0x2710, v3  }
0x192: {  	v4 =	vand.u32 @!p0 $0x3FFF, v4  }
0x193: {  	v6 =	vshrl.u32 @!p0 v2, $0x1C;
	v4 =	vadd.s32 @!p0 v4, v3  }
0x194: {  	v7 =	vld @!p0 [tilespmem:$0x13930];
	v1 =	vand.u32 @!p0 $0x3FFF, v1;
	[tilespmem:$0x13A00] =	vst @!p0 v4;
	v4 =	vmul.u32 @!p0 $0x2710, v6;
	v6 =	vshrl.u32 @!p0 v2, $0xE  }
0x195: {  	[tilespmem:$0x13B00] =	vst @!p0 v1;
	v1 =	vadd.s32 @!p0 v1, v3;
	v3 =	vand.u32 @!p0 $0x3FFF, v6  }
0x196: {  	[tilespmem:$0x13D00] =	vst @!p0 v1;
	v1 =	vadd.s32 @!p0 v3, v4;
	v3 =	vshrl.u32 @!p0 v5, $0x1C  }
0x197: {  	v2 =	vand.u32 @!p0 $0x3FFF, v2;
	v6 =	vld @!p0 [tilespmem:$0x13940];
	[tilespmem:$0x13A10] =	vst @!p0 v1;
	v1 =	vmul.u32 @!p0 $0x2710, v3;
	v3 =	vshrl.u32 @!p0 v5, $0xE  }
0x198: {  	[tilespmem:$0x13B10] =	vst @!p0 v2;
	v2 =	vadd.s32 @!p0 v2, v4;
	v3 =	vand.u32 @!p0 $0x3FFF, v3  }
0x199: {  	[tilespmem:$0x13D10] =	vst @!p0 v2;
	v2 =	vadd.s32 @!p0 v3, v1;
	v3 =	vshrl.u32 @!p0 v7, $0x1C  }
0x19a: {  	v4 =	vand.u32 @!p0 $0x3FFF, v5;
	[tilespmem:$0x13A20] =	vst @!p0 v2;
	v2 =	vmul.u32 @!p0 $0x2710, v3;
	v3 =	vshrl.u32 @!p0 v7, $0xE  }
0x19b: {  	[tilespmem:$0x13B20] =	vst @!p0 v4;
	v1 =	vadd.s32 @!p0 v4, v1;
	v3 =	vand.u32 @!p0 $0x3FFF, v3  }
0x19c: {  	[tilespmem:$0x13D20] =	vst @!p0 v1;
	v1 =	vadd.s32 @!p0 v3, v2;
	v3 =	vshrl.u32 @!p0 v6, $0x1C  }
0x19d: {  	v4 =	vand.u32 @!p0 $0x3FFF, v7;
	[tilespmem:$0x13A30] =	vst @!p0 v1;
	v1 =	vmul.u32 @!p0 $0x2710, v3;
	v3 =	vshrl.u32 @!p0 v6, $0xE  }
0x19e: {  	[tilespmem:$0x13B30] =	vst @!p0 v4;
	v2 =	vadd.s32 @!p0 v4, v2;
	v3 =	vand.u32 @!p0 $0x3FFF, v3  }
0x19f: {  	[tilespmem:$0x13D30] =	vst @!p0 v2;
	v2 =	vadd.s32 @!p0 v3, v1  }
0x1a0: {  	v3 =	vand.u32 @!p0 $0x3FFF, v6;
	[tilespmem:$0x13A40] =	vst @!p0 v2  }
0x1a1: {  	s8 =	simm.s32 @!p0 $0x13D00;
	p1 =	sgt.u32 @!p0 s10, $0x3B;
	[tilespmem:$0x13B40] =	vst @!p0 v3;
	v1 =	vadd.s32 @!p0 v3, v1  }
0x1a2: {  	p1 =	por p1, p0;
	s13 =	simm.s32 @!p0 $0x13C00;
	s7 =	simm.s32 @!p0 $0x50;
	[tilespmem:$0x13D40] =	vst @!p0 v1  }
0x1a3: {  	[tilespmem:s13], [sflag:$0x6] =	stream.indirect.gather @!p0 [hbm4b:s6+s7], $0x1, s8, s7, $0xb8;
	[tilespmem:$0x18D80] =	vst v63  }
0x1a4: {  	s15 =	smul.u32 @!p1 $0xA0, s10;
	s8 =	simm.s32 @!p0 $0x13A00;
	s13 =	simm.s32 @!p0 $0x16580  }
0x1a5: {  	[tilespmem:s13], [sflag:$0x2] =	stream.indirect.gather @!p0 [hbm4b:s5+s7], $0x80, s8, s7, $0xb8;
	[tilespmem:$0x18D80] =	vst v63  }
0x1a6: {  	s7 =	sadd.s32 @!p1 s15, s12  }
0x1a7: {  	s10 =	sadd.s32 @!p0 $0x1, s10;
	s7 =	sshrl.u32 @!p1 s7, $0x3  }
0x1a8: {  	s8 =	simm.s32 @!p1 $0x0;
	s13 =	simm.s32 @!p1 $0x13900;
	s7 =	sadd.s32 @!p1 s1, s7  }
0x1a9: {  	[tilespmem:s13], [sflag:$0x8] =	stream.linear.gather @!p1 [hbm4b:s7+s8], $0x50, $0x38;
	[tilespmem:$0x18D80] =	vst v63  }
0x1aa: {  	p1 =	sne.s32 @!p0 s10, $0x3E  }
0x1ab: {  	p0 =	por p0, !p1  }
.Ltmp4:
0x1ac: {  	_ = 	snop;
	(pc) =	sbr.rel @!p0 .LBB2_6-.Ltmp4, $1  }
0x1ad: {  	_ =	sdelay $0x3  }
0x1ae: {  	_ =	swait.ge [sflag:s30], $0x50  }
0x1af: {  	s7 =	simm.s32 $0x0;
	[sflag:s30] =	ssyncset.done $0x0  }
0x1b0: {  	s9 =	simm.s32 $0x2;
	v1 =	vmov s7;
	[sflag:s30] =	ssyncadd.s32 $0xFFFFFFB0  }
0x1b1: {  	v2 =	vmov s9;
	v1 =	vand.u32 $0xFFFFFFFC, v1;
	_ =	swait.ge [sflag:s31], $0x2800  }
0x1b2: {  	v2 =	vand.u32 $0xFFFFFFFE, v2;
	v1 =	vbroadcast v1, $0x0;
	[sflag:s31] =	ssyncset.done $0x0  }
0x1b3: {  	s9 =	simm.s32 $0x13E80;
	v2 =	vbroadcast v2, $0x0;
	[sflag:s31] =	ssyncadd.s32 $0xFFFFD800  }
0x1b4: {  	v4 =	vld [tilespmem:s9+$0x70]  }
0x1b5: {  	v5 =	vld [tilespmem:s9+$0xFFFFFF00]  }
0x1b6: {  	s10 =	simm.s32 $0x1;
	v6 =	vld [tilespmem:s9+$0xFFFFFF10]  }
0x1b7: {  	v3 =	vmov s10;
	v7 =	vld [tilespmem:s9+$0xFFFFFF20]  }
0x1b8: {  	v3 =	vand.u32 $0xFFFFFFFD, v3;
	v1 =	vld.idx.msk [tilespmem:v1+s21+$0x0], $0xffff  }
0x1b9: {  	v3 =	vbroadcast v3, $0x0;
	v2 =	vld.idx.msk [tilespmem:v2+s21+$0x0], $0xffff  }
0x1ba: {  	v8 =	vld [tilespmem:s9+$0xFFFFFF30]  }
0x1bb: {  	v9 =	vld [tilespmem:s9+$0xFFFFFF40]  }
0x1bc: {  	v10 =	vld [tilespmem:s9+$0xFFFFFF50]  }
0x1bd: {  	v11 =	vld [tilespmem:s9+$0xFFFFFF60];
	v5 =	vmul.f32 v5, v1  }
0x1be: {  	v13 =	vld [tilespmem:s9+$0x40];
	v4 =	vmul.f32 v4, v2  }
0x1bf: {  	v3 =	vld.idx.msk [tilespmem:v3+s21+$0x0], $0xffff;
	[tilespmem:s9+$0xFFFFFF00] =	vst v5;
	v5 =	vmul.f32 v6, v1  }
0x1c0: {  	v6 =	vld [tilespmem:s9+$0xFFFFFF70];
	[tilespmem:s9+$0x70] =	vst v4;
	v4 =	vmul.f32 v7, v1  }
0x1c1: {  	v7 =	vld [tilespmem:s9+$0xFFFFFF80];
	[tilespmem:s9+$0xFFFFFF10] =	vst v5;
	v5 =	vmul.f32 v8, v1  }
0x1c2: {  	v8 =	vld [tilespmem:s9+$0xFFFFFF90];
	[tilespmem:s9+$0xFFFFFF20] =	vst v4;
	v4 =	vmul.f32 v9, v1  }
0x1c3: {  	v9 =	vld [tilespmem:s9+$0xFFFFFFA0];
	[tilespmem:s9+$0xFFFFFF30] =	vst v5;
	v5 =	vmul.f32 v10, v1  }
0x1c4: {  	v10 =	vld [tilespmem:s9+$0xFFFFFFB0];
	[tilespmem:s9+$0xFFFFFF40] =	vst v4;
	v4 =	vmul.f32 v11, v1  }
0x1c5: {  	v11 =	vld [tilespmem:s9+$0xFFFFFFC0];
	v6 =	vmul.f32 v6, v1;
	[tilespmem:s9+$0xFFFFFF50] =	vst v5  }
0x1c6: {  	v5 =	vmul.f32 v7, v3;
	v7 =	vld [tilespmem:s9+$0xFFFFFFD0];
	[tilespmem:s9+$0xFFFFFF60] =	vst v4  }
0x1c7: {  	s13 =	simm.s32 $0x3;
	v4 =	vld [tilespmem:s9+$0xFFFFFFE0];
	v8 =	vmul.f32 v8, v3;
	[tilespmem:s9+$0xFFFFFF70] =	vst v6  }
0x1c8: {  	v12 =	vmov s13;
	v6 =	vld [tilespmem:s9+$0xFFFFFFF0];
	[tilespmem:s9+$0xFFFFFF80] =	vst v5;
	v5 =	vmul.f32 v9, v3  }
0x1c9: {  	v9 =	vld [tilespmem:s9+$0x0];
	[tilespmem:s9+$0xFFFFFF90] =	vst v8;
	v8 =	vmul.f32 v10, v3  }
0x1ca: {  	v10 =	vld [tilespmem:s9+$0x10];
	[tilespmem:s9+$0xFFFFFFA0] =	vst v5;
	v5 =	vmul.f32 v11, v3  }
0x1cb: {  	[tilespmem:s9+$0xFFFFFFB0] =	vst v8;
	v7 =	vmul.f32 v7, v3;
	v8 =	vld [tilespmem:s9+$0x20]  }
0x1cc: {  	v11 =	vld [tilespmem:s9+$0x30];
	v4 =	vmul.f32 v4, v3;
	[tilespmem:s9+$0xFFFFFFC0] =	vst v5  }
0x1cd: {  	v1 =	vld.idx.msk [tilespmem:v12+s21+$0x0], $0xffff;
	v3 =	vmul.f32 v6, v3;
	[tilespmem:s9+$0xFFFFFFD0] =	vst v7  }
0x1ce: {  	[tilespmem:s9+$0xFFFFFFE0] =	vst v4;
	v5 =	vmul.f32 v9, v2;
	v4 =	vld [tilespmem:s9+$0x50]  }
0x1cf: {  	s15 =	simm.s32 $0x4;
	[tilespmem:s9+$0xFFFFFFF0] =	vst v3;
	v6 =	vmul.f32 v10, v2;
	v3 =	vld [tilespmem:s9+$0x60]  }
0x1d0: {  	s24 =	simm.s32 $0x7;
	v7 =	vmov s15;
	[tilespmem:s9+$0x0] =	vst v5;
	v9 =	vmul.f32 v8, v2;
	v8 =	vld [tilespmem:s9+$0x80]  }
0x1d1: {  	s8 =	simm.s32 $0x5;
	v12 =	vand.u32 $0xFFFFFFFC, v7;
	v7 =	vld [tilespmem:s9+$0x90];
	v5 =	vmov s24;
	v10 =	vmul.f32 v11, v2;
	[tilespmem:s9+$0x10] =	vst v6  }
0x1d2: {  	s10 =	simm.s32 $0x8;
	s7 =	simm.s32 $0x13E80;
	v11 =	vmul.f32 v13, v2;
	v6 =	vbroadcast v12, $0x0;
	v12 =	vmov s8;
	s8 =	simm.s32 $0x6;
	[tilespmem:s9+$0x20] =	vst v9;
	v9 =	vld [tilespmem:s9+$0xA0]  }
.LBB2_12:
0x1d3: {  	p0 =	slt.u32 s10, $0x4C;
	v12 =	vand.u32 $0xFFFFFFFD, v12;
	v13 =	vmov s8;
	[tilespmem:s9+$0x30] =	vst v10;
	v4 =	vmul.f32 v4, v2;
	v10 =	vld [tilespmem:s9+$0xB0]  }
0x1d4: {  	v12 =	vbroadcast v12, $0x0;
	v13 =	vand.u32 $0xFFFFFFFE, v13;
	[tilespmem:s9+$0x40] =	vst v11;
	v2 =	vmul.f32 v3, v2;
	v3 =	vld [tilespmem:s9+$0xC0]  }
0x1d5: {  	v11 =	vbroadcast v13, $0x0;
	[tilespmem:s9+$0x50] =	vst v4;
	v4 =	vmul.f32 v8, v1;
	v8 =	vld [tilespmem:s9+$0xD0]  }
0x1d6: {  	[tilespmem:s9+$0x60] =	vst v2;
	v2 =	vmul.f32 v7, v1;
	v7 =	vld [tilespmem:s9+$0xE0]  }
0x1d7: {  	[tilespmem:s9+$0x80] =	vst v4;
	v4 =	vmul.f32 v9, v1;
	v9 =	vld [tilespmem:s9+$0xF0]  }
0x1d8: {  	v5 =	vld.idx.msk [tilespmem:v5+s21+$0x0], $0xffff;
	[tilespmem:s9+$0x90] =	vst v2;
	v2 =	vmul.f32 v10, v1  }
0x1d9: {  	v6 =	vld.idx.msk [tilespmem:v6+s21+$0x0], $0xffff;
	[tilespmem:s9+$0xA0] =	vst v4;
	v3 =	vmul.f32 v3, v1  }
0x1da: {  	v4 =	vld.idx.msk [tilespmem:v12+s21+$0x0], $0xffff;
	[tilespmem:s9+$0xB0] =	vst v2;
	v8 =	vmul.f32 v8, v1  }
0x1db: {  	s9 =	sadd.s32 $0x200, s9;
	v2 =	vld.idx.msk [tilespmem:v11+s21+$0x0], $0xffff;
	[tilespmem:s7+$0xC0] =	vst v3;
	v3 =	vmul.f32 v7, v1  }
0x1dc: {  	v7 =	vld [tilespmem:s9+$0x70];
	[tilespmem:s7+$0xD0] =	vst v8;
	v9 =	vmul.f32 v9, v1  }
0x1dd: {  	v8 =	vld [tilespmem:s9+$0xFFFFFF00];
	[tilespmem:s7+$0xE0] =	vst v3  }
0x1de: {  	v1 =	vmov v5;
	v3 =	vld [tilespmem:s9+$0xFFFFFF10];
	[tilespmem:s7+$0xF0] =	vst v9;
	s7 =	smov.u32 s9  }
0x1df: {  	v5 =	vld [tilespmem:s9+$0xFFFFFF20]  }
0x1e0: {  	v9 =	vld [tilespmem:s9+$0xFFFFFF30]  }
0x1e1: {  	v10 =	vld [tilespmem:s9+$0xFFFFFF40];
	v7 =	vmul.f32 v7, v2  }
0x1e2: {  	v8 =	vmul.f32 v8, v6;
	v11 =	vld [tilespmem:s9+$0xFFFFFF50]  }
0x1e3: {  	v3 =	vmul.f32 v3, v6;
	v12 =	vld [tilespmem:s9+$0xFFFFFF60];
	[tilespmem:s9+$0x70] =	vst v7  }
0x1e4: {  	[tilespmem:s9+$0xFFFFFF00] =	vst v8;
	v5 =	vmul.f32 v5, v6;
	v7 =	vld [tilespmem:s9+$0xFFFFFF70]  }
0x1e5: {  	[tilespmem:s9+$0xFFFFFF10] =	vst v3;
	v3 =	vmul.f32 v9, v6;
	v8 =	vld [tilespmem:s9+$0xFFFFFF80]  }
0x1e6: {  	[tilespmem:s9+$0xFFFFFF20] =	vst v5;
	v5 =	vmul.f32 v10, v6;
	v9 =	vld [tilespmem:s9+$0xFFFFFF90]  }
0x1e7: {  	[tilespmem:s9+$0xFFFFFF30] =	vst v3;
	v3 =	vmul.f32 v11, v6;
	v10 =	vld [tilespmem:s9+$0xFFFFFFA0]  }
0x1e8: {  	[tilespmem:s9+$0xFFFFFF40] =	vst v5;
	v5 =	vmul.f32 v12, v6;
	v11 =	vld [tilespmem:s9+$0xFFFFFFB0]  }
0x1e9: {  	[tilespmem:s9+$0xFFFFFF50] =	vst v3;
	v3 =	vmul.f32 v7, v6;
	v6 =	vld [tilespmem:s9+$0xFFFFFFC0]  }
0x1ea: {  	[tilespmem:s9+$0xFFFFFF60] =	vst v5;
	v5 =	vmul.f32 v8, v4;
	v7 =	vld [tilespmem:s9+$0xFFFFFFD0]  }
0x1eb: {  	[tilespmem:s9+$0xFFFFFF70] =	vst v3;
	v3 =	vmul.f32 v9, v4;
	v8 =	vld [tilespmem:s9+$0xFFFFFFE0]  }
0x1ec: {  	[tilespmem:s9+$0xFFFFFF80] =	vst v5;
	v5 =	vmul.f32 v10, v4;
	v9 =	vld [tilespmem:s9+$0xFFFFFFF0]  }
0x1ed: {  	[tilespmem:s9+$0xFFFFFF90] =	vst v3;
	v3 =	vmul.f32 v11, v4;
	v10 =	vld [tilespmem:s9+$0x0]  }
0x1ee: {  	[tilespmem:s9+$0xFFFFFFA0] =	vst v5;
	v5 =	vmul.f32 v6, v4;
	v6 =	vld [tilespmem:s9+$0x10]  }
0x1ef: {  	[tilespmem:s9+$0xFFFFFFB0] =	vst v3;
	v3 =	vmul.f32 v7, v4;
	v7 =	vld [tilespmem:s9+$0x20]  }
0x1f0: {  	[tilespmem:s9+$0xFFFFFFC0] =	vst v5;
	v5 =	vmul.f32 v8, v4;
	v11 =	vld [tilespmem:s9+$0x30]  }
0x1f1: {  	[tilespmem:s9+$0xFFFFFFD0] =	vst v3;
	v3 =	vmul.f32 v9, v4;
	v9 =	vld [tilespmem:s9+$0x40]  }
.Ltmp5:
0x1f2: {  	[tilespmem:s9+$0xFFFFFFE0] =	vst v5;
	v5 =	vmul.f32 v10, v2;
	v4 =	vld [tilespmem:s9+$0x50];
	(pc) =	sbr.rel @p0 .LBB2_12-.Ltmp5, $4  }
0x1f3: {  	[tilespmem:s9+$0xFFFFFFF0] =	vst v3;
	v6 =	vmul.f32 v6, v2;
	v3 =	vld [tilespmem:s9+$0x60]  }
0x1f4: {  	s8 =	sadd.s32 $0x3, s10;
	v10 =	vmov s10;
	[tilespmem:s9+$0x0] =	vst v5;
	v13 =	vmul.f32 v7, v2;
	v8 =	vld [tilespmem:s9+$0x80]  }
0x1f5: {  	s13 =	sadd.s32 $0x1, s10;
	v12 =	vand.u32 $0xFFFFFFFC, v10;
	v5 =	vmov s8;
	[tilespmem:s9+$0x10] =	vst v6;
	v10 =	vmul.f32 v11, v2;
	v7 =	vld [tilespmem:s9+$0x90]  }
0x1f6: {  	s8 =	sadd.s32 $0x2, s10;
	s10 =	sadd.s32 $0x4, s10;
	v6 =	vbroadcast v12, $0x0;
	v12 =	vmov s13;
	[tilespmem:s9+$0x20] =	vst v13;
	v11 =	vmul.f32 v9, v2;
	v9 =	vld [tilespmem:s9+$0xA0]  }
0x1f7: {  	v13 =	vld [tilespmem:s9+$0xB0]  }
0x1f8: {  	v15 =	vld [tilespmem:s9+$0xC0]  }
0x1f9: {  	v16 =	vld [tilespmem:s9+$0xD0]  }
0x1fa: {  	v17 =	vld [tilespmem:s9+$0xE0]  }
0x1fb: {  	v29 =	vld [tilespmem:s9+$0xF0];
	[tilespmem:s9+$0x30] =	vst v10;
	v4 =	vmul.f32 v4, v2  }
0x1fc: {  	v5 =	vld.idx.msk [tilespmem:v5+s21+$0x0], $0xffff;
	[tilespmem:s9+$0x40] =	vst v11;
	v2 =	vmul.f32 v3, v2  }
0x1fd: {  	s10 =	sadd.s32 $0x200, s9;
	v3 =	vld.idx.msk [tilespmem:v6+s21+$0x0], $0xffff;
	v8 =	vmul.f32 v8, v1;
	[tilespmem:s9+$0x50] =	vst v4  }
0x1fe: {  	v14 =	vmov s8;
	v34 =	vld [tilespmem:s10+$0x70];
	v30 =	vmul.f32 v7, v1;
	[tilespmem:s9+$0x60] =	vst v2  }
0x1ff: {  	v14 =	vand.u32 $0xFFFFFFFE, v14;
	v35 =	vld [tilespmem:s10+$0xFFFFFF00];
	[tilespmem:s9+$0x80] =	vst v8;
	v2 =	vmul.f32 v9, v1  }
0x200: {  	v37 =	vld [tilespmem:s10+$0xFFFFFF10];
	v14 =	vbroadcast v14, $0x0;
	[tilespmem:s9+$0x90] =	vst v30;
	v33 =	vmul.f32 v13, v1  }
0x201: {  	v38 =	vld [tilespmem:s10+$0xFFFFFF20];
	[tilespmem:s9+$0xA0] =	vst v2;
	v2 =	vmul.f32 v15, v1  }
0x202: {  	v12 =	vand.u32 $0xFFFFFFFD, v12;
	v39 =	vld [tilespmem:s10+$0xFFFFFF30];
	v36 =	vmul.f32 v16, v1;
	[tilespmem:s9+$0xB0] =	vst v33  }
0x203: {  	v12 =	vbroadcast v12, $0x0;
	v41 =	vld [tilespmem:s10+$0xFFFFFF50];
	[tilespmem:s7+$0xC0] =	vst v2;
	v2 =	vmul.f32 v17, v1  }
0x204: {  	v43 =	vld [tilespmem:s10+$0xFFFFFF60];
	[tilespmem:s7+$0xD0] =	vst v36;
	v1 =	vmul.f32 v29, v1  }
0x205: {  	v42 =	vmul.f32 v37, v3;
	[tilespmem:s7+$0xE0] =	vst v2;
	v2 =	vld [tilespmem:s10+$0xFFFFFF40]  }
0x206: {  	v32 =	vld.idx.msk [tilespmem:v14+s21+$0x0], $0xffff;
	[tilespmem:s7+$0xF0] =	vst v1;
	v1 =	vmul.f32 v35, v3  }
0x207: {  	v44 =	vld [tilespmem:s10+$0xFFFFFF70];
	v4 =	vmul.f32 v39, v3;
	[tilespmem:s10+$0xFFFFFF10] =	vst v42  }
0x208: {  	v45 =	vld [tilespmem:s10+$0xFFFFFF80];
	[tilespmem:s10+$0xFFFFFF00] =	vst v1;
	v1 =	vmul.f32 v38, v3  }
0x209: {  	v46 =	vmul.f32 v41, v3;
	v31 =	vld.idx.msk [tilespmem:v12+s21+$0x0], $0xffff;
	[tilespmem:s10+$0xFFFFFF30] =	vst v4  }
0x20a: {  	[tilespmem:s10+$0xFFFFFF20] =	vst v1;
	v1 =	vmul.f32 v2, v3;
	v2 =	vld [tilespmem:s10+$0xFFFFFF90]  }
0x20b: {  	v47 =	vld [tilespmem:s10+$0xFFFFFFA0];
	[tilespmem:s10+$0xFFFFFF50] =	vst v46;
	v40 =	vmul.f32 v34, v32  }
0x20c: {  	v48 =	vld [tilespmem:s10+$0xFFFFFFB0];
	[tilespmem:s10+$0xFFFFFF40] =	vst v1;
	v1 =	vmul.f32 v43, v3  }
0x20d: {  	v49 =	vld [tilespmem:s10+$0xFFFFFFC0];
	[tilespmem:s10+$0x70] =	vst v40;
	v3 =	vmul.f32 v44, v3  }
0x20e: {  	v50 =	vld [tilespmem:s10+$0xFFFFFFD0];
	[tilespmem:s10+$0xFFFFFF60] =	vst v1;
	v1 =	vmul.f32 v45, v31  }
0x20f: {  	[tilespmem:s10+$0xFFFFFF70] =	vst v3;
	v3 =	vld [tilespmem:s10+$0xFFFFFFE0];
	v2 =	vmul.f32 v2, v31  }
0x210: {  	v51 =	vld [tilespmem:s10+$0xFFFFFFF0];
	[tilespmem:s10+$0xFFFFFF80] =	vst v1;
	v1 =	vmul.f32 v47, v31  }
0x211: {  	v52 =	vld [tilespmem:s10+$0x0];
	[tilespmem:s10+$0xFFFFFF90] =	vst v2;
	v2 =	vmul.f32 v48, v31  }
0x212: {  	v53 =	vld [tilespmem:s10+$0x10];
	[tilespmem:s10+$0xFFFFFFA0] =	vst v1;
	v1 =	vmul.f32 v49, v31  }
0x213: {  	v54 =	vld [tilespmem:s10+$0x20];
	[tilespmem:s10+$0xFFFFFFB0] =	vst v2;
	v2 =	vmul.f32 v50, v31  }
0x214: {  	[tilespmem:s10+$0xFFFFFFC0] =	vst v1;
	v1 =	vmul.f32 v3, v31;
	v3 =	vld [tilespmem:s10+$0x30]  }
0x215: {  	v55 =	vld [tilespmem:s10+$0x40];
	[tilespmem:s10+$0xFFFFFFD0] =	vst v2;
	v2 =	vmul.f32 v51, v31  }
0x216: {  	v56 =	vld [tilespmem:s10+$0x50];
	[tilespmem:s10+$0xFFFFFFE0] =	vst v1;
	v1 =	vmul.f32 v52, v32  }
0x217: {  	v57 =	vld [tilespmem:s10+$0x60];
	[tilespmem:s10+$0xFFFFFFF0] =	vst v2;
	v2 =	vmul.f32 v53, v32  }
0x218: {  	v58 =	vld [tilespmem:s10+$0x80];
	[tilespmem:s10+$0x0] =	vst v1;
	v1 =	vmul.f32 v54, v32  }
0x219: {  	[tilespmem:s10+$0x10] =	vst v2;
	v2 =	vmul.f32 v3, v32;
	v3 =	vld [tilespmem:s10+$0x90]  }
0x21a: {  	v59 =	vld [tilespmem:s10+$0xA0];
	[tilespmem:s10+$0x20] =	vst v1;
	v1 =	vmul.f32 v55, v32  }
0x21b: {  	v60 =	vld [tilespmem:s10+$0xB0];
	[tilespmem:s10+$0x30] =	vst v2;
	v2 =	vmul.f32 v56, v32  }
0x21c: {  	v61 =	vld [tilespmem:s10+$0xC0];
	[tilespmem:s10+$0x40] =	vst v1;
	v1 =	vmul.f32 v57, v32  }
0x21d: {  	v62 =	vld [tilespmem:s10+$0xD0];
	[tilespmem:s10+$0x50] =	vst v2;
	v2 =	vmul.f32 v58, v5  }
0x21e: {  	[tilespmem:s10+$0x60] =	vst v1;
	v1 =	vmul.f32 v3, v5;
	v3 =	vld [tilespmem:s10+$0xE0]  }
0x21f: {  	v63 =	vld [tilespmem:s10+$0xF0];
	[tilespmem:s10+$0x80] =	vst v2;
	v2 =	vmul.f32 v59, v5  }
0x220: {  	[tilespmem:s10+$0x90] =	vst v1;
	v1 =	vmul.f32 v60, v5  }
0x221: {  	[tilespmem:s10+$0xA0] =	vst v2;
	v2 =	vmul.f32 v61, v5  }
0x222: {  	[tilespmem:s10+$0xB0] =	vst v1;
	v1 =	vmul.f32 v62, v5  }
0x223: {  	[tilespmem:s10+$0xC0] =	vst v2;
	v2 =	vmul.f32 v3, v5  }
0x224: {  	[tilespmem:s10+$0xD0] =	vst v1;
	v1 =	vmul.f32 v63, v5  }
0x225: {  	[tilespmem:s10+$0xE0] =	vst v2  }
0x226: {  	[tilespmem:s10+$0xF0] =	vst v1  }
0x227: {  	[spmem:s2] =	stream.indirect.scatter.add.f32 [tilespmem:s23], [sflag:$0x3], $0x80, s0, s19, $0xb8;
	[tilespmem:$0x18D80] =	vst v63  }
0x228: {  	_ =	swait.ge [sflag:s25], $0x2800  }
0x229: {  	[sflag:s25] =	ssyncset.done $0x0  }
0x22a: {  	s15 =	simm.s32 $0x4;
	[sflag:s25] =	ssyncadd.s32 $0xFFFFD800  }
0x22b: {  	_ =	swait.ge [sflag:s15], $0x2800  }
0x22c: {  	s24 =	sadd.s32 $0x0, s3;
	[sflag:s15] =	ssyncset.done $0x0  }
0x22d: {  	p0 =	sgt.u32 s24, $0x4E1;
	[sflag:s15] =	ssyncadd.s32 $0xFFFFD800  }
0x22e: {  	s8 =	sshrl.u32 @!p0 s14, $0x3;
	s7 =	sshll.u32 @!p0 s3, $0x6;
	[bflag:$0x0] =	sbarrier.arrive $0xFFFF  }
0x22f: {  	s13 =	simm.s32 @!p0 $0x9;
	s7 =	sor.u32 @!p0 $0x1C09, s7;
	s9 =	rddreg [dreg:$0x9]  }
0x230: {  	[hbm:s9], [sflag:s7] =	dma.local @!p0 [spmem:s8], $0x80  }
0x231: {  	s10 =	simm.s32 $0x20;
	s7 =	sadd.s32 $0x4000, s14;
	_ =	swait.ge @!p0 [sflag:s13], $0x80  }
0x232: {  	s8 =	sadd.s32 $0x10, s3;
	s9 =	sadd.s32 $0x800, s9;
	[sflag:s13] =	ssyncset.done @!p0 $0x0  }
.LBB2_14:
0x233: {  	[sflag:s13] =	ssyncadd.s32 @!p0 $0xFFFFFF80  }
0x234: {  	p0 =	sgt.u32 s8, $0x4E1;
	s8 =	smov.u32 s10;
	s10 =	sadd.s32 $0x10, s10  }
0x235: {  	p1 =	sne.s32 s10, $0x4F0  }
.Ltmp6:
0x236: {  	s13 =	sshll.u32 @!p0 s3, $0x6;
	s15 =	sshrl.u32 @!p0 s7, $0x3;
	(pc) =	sbr.rel @p1 .LBB2_14-.Ltmp6, $4  }
0x237: {  	s24 =	sor.u32 @!p0 $0x1C09, s13;
	s13 =	simm.s32 @!p0 $0x9  }
0x238: {  	[hbm:s9], [sflag:s24] =	dma.local @!p0 [spmem:s15], $0x80  }
0x239: {  	s7 =	sadd.s32 $0x4000, s7;
	_ =	swait.ge @!p0 [sflag:s13], $0x80  }
0x23a: {  	s8 =	sadd.s32 s8, s3;
	s9 =	sadd.s32 $0x800, s9;
	[sflag:s13] =	ssyncset.done @!p0 $0x0  }
0x23b: {  	p1 =	sgt.u32 s8, $0x4E1  }
0x23c: {  	[sflag:s13] =	ssyncadd.s32 @!p0 $0xFFFFFF80;
	s8 =	sshll.u32 @!p1 s3, $0x6  }
0x23d: {  	s7 =	sshrl.u32 @!p1 s7, $0x3;
	s10 =	simm.s32 @!p1 $0x9;
	s8 =	sor.u32 @!p1 $0x1C09, s8  }
0x23e: {  	[hbm:s9], [sflag:s8] =	dma.local @!p1 [spmem:s7], $0x80  }
0x23f: {  	_ =	swait.ge @!p1 [sflag:s10], $0x80  }
0x240: {  	s4 =	sadd.s32 $0x1, s4;
	s24 =	rddreg [dreg:$0x8]  }
0x241: {  	p0 =	sne.s32 s4, s24  }
.Ltmp7:
0x242: {  	_ = 	snop;
	(pc) =	sbr.rel @p0 .LBB2_1-.Ltmp7, $3  }
0x243: {  	_ =	sdelay $0x1  }
0x244: {  	[sflag:s10] =	ssyncset.done @!p1 $0x0  }
0x245: {  	[sflag:s10] =	ssyncadd.s32 @!p1 $0xFFFFFF80  }
0x246: {  	_ =	sfence.sel $0x180000  }
0x247: {  	[bflag:$0x0] =	sbarrier.arrive $0xFFFF  }
0x248: {  	_ =	strace $0x9000004A  }
0x249: {  	[bflag:$0x2] =	sbarrier.arrive $0xFFFF  }
0x24a: {  	p0 =	sne.s32 s3, $0x0;
	s0 =	rddreg [dreg:$0x3]  }
0x24b: {  	s0 =	sadd.s32 @!p0 $0x100000, s0  }
0x24c: {  	[sflag:s0] =	ssyncadd.tile.s32 @!p0 $0x1;
	_ =	shalt  }
.Lfunc_end2:
_tile_overlayer_lowered:
.L_overlay_start_2:
0x24d: {  	(tag) =	ssettag $0x2  }
0x24e: {  	s0 =	rddreg [dreg:$0x0];
	s2 =	stileid.u32  }
0x24f: {  	s1 =	rddreg [dreg:$0x1];
	p0 =	sne.s32 s2, $0x0  }
0x250: {  	s3 =	rddreg [dreg:$0x2];
	[bflag:$0x3] =	sbarrier.arrive $0xFFFF;
	s2 =	simm.s32 @!p0 $0x1C09  }
0x251: {  	[timem:s3], [sflag:s2] =	dma.local @!p0 [hbm:s0], s1  }
0x252: {  	s0 =	simm.s32 @!p0 $0x9  }
0x253: {  	_ =	swait.ge @!p0 [sflag:s0], s1  }
0x254: {  	s1 =	ssub.s32 @!p0 $0x0, s1;
	[sflag:s0] =	ssyncset.done @!p0 $0x0  }
0x255: {  	[sflag:s0] =	ssyncadd.s32 @!p0 s1  }
0x256: {  	[bflag:$0x3] =	sbarrier.arrive $0xFFFF  }
0x257: {  	_ =	shalt  }

// kernel: kernel.8.cloned.1.call-start
scs
__scs_entry_jumppad:
0x0: {  	(pc) =	sbr.rel $0x88, $3  }
0x1: {  	(tag) =	ssettag $0x0;
	lr =	simm.s32 $0x1  }
0x2: {  	[smem:$0x3F9A] =	sst lr;
	_ =	strace $0xD0000000  }
0x3: {  	_ = 	snop  }
0x4: {  	_ = 	snop  }
0x5: {  	_ = 	snop  }
0x6: {  	_ = 	snop  }
0x7: {  	_ = 	snop  }
__scs_overlays_trampoline_lowered:
0x8: {  	[smem:$0x3FA9] =	sst s0  }
0x9: {  	[smem:$0x3FAA] =	sst s1  }
0xa: {  	[smem:$0x3FAB] =	sst s2  }
0xb: {  	[smem:$0x3FAC] =	sst s3  }
0xc: {  	[smem:$0x3FAD] =	sst s4  }
0xd: {  	[smem:$0x3FAE] =	sst s5  }
0xe: {  	[smem:$0x3FAF] =	sst s6  }
0xf: {  	[smem:$0x3FB0] =	sst s7  }
0x10: {  	[smem:$0x3FB1] =	sst s8  }
0x11: {  	[smem:$0x3FB2] =	sst s9;
	s0 =	simm.s32 @!p0 $0x0  }
0x12: {  	s1 =	sld [smem:$0x3F98];
	s0 =	simm.s32 @p0 $0x1  }
0x13: {  	[smem:$0x3FB3] =	sst s0;
	s0 =	simm.s32 @!p1 $0x0  }
0x14: {  	s2 =	sld [smem:$0x3F97];
	s0 =	simm.s32 @p1 $0x1  }
0x15: {  	[smem:$0x3FB4] =	sst s0;
	s0 =	simm.s32 @!p2 $0x0  }
0x16: {  	s3 =	sld [smem:$0x3FDB];
	s0 =	simm.s32 @p2 $0x1  }
0x17: {  	s4 =	simm.s32 $0x1BF5;
	[smem:$0x3FB6] =	sst s0  }
0x18: {  	s0 =	sld [smem:$0x3F99];
	_ =	swait.ge [sflag:s4], $0x0  }
0x19: {  	s7 =	sld [smem:$0x3F9A]  }
0x1a: {  	s8 =	sadd.s32 $0xFFFFE003, lr  }
0x1b: {  	s9 =	sadd.s32 $0xFFFFFEF7, lr;
	s5 =	simm.s32 $0xFFFFFFFF;
	p2 =	slt.u32 s8, $0xFFFFF086  }
0x1c: {  	p1 =	slt.u32 s9, $0xF7A;
	s5 =	simm.s32 @!p2 $0x0  }
0x1d: {  	s5 =	simm.s32 @p1 $0x1;
	p0 =	seq.s32 s7, s2  }
0x1e: {  	s7 =	smul.u32 @!p0 $0xF7A, s2;
	p2 =	seq.s32 @!p0 s5, $0x0  }
0x1f: {  	s9 =	smul.u32 $0xF7A, s1;
	s8 =	simm.s32 @!p0 $0x1BF5;
	p2 =	por !p2, p0  }
0x20: {  	[sflag:s8] =	ssyncset.s32 @!p0 $0xFFFFF086;
	s6 =	sadd.s32 @!p0 s3, s7;
	s7 =	simm.s32 @!p0 $0x108  }
0x21: {  	s3 =	sadd.s32 s3, s9;
	s6 =	sadd.s32 @!p0 $0x88, s6;
	s7 =	simm.s32 @p2 $0x1082  }
0x22: {  	[simem:s7], [sflag:s8] =	dma.local @!p0 [hbm:s6], $0xF7A  }
0x23: {  	s9 =	sor.u32 $0xD0000000, s2;
	s6 =	simm.s32 $0x108;
	_ =	swait.ge @!p0 [sflag:s8], $0x0  }
0x24: {  	s3 =	sadd.s32 $0x88, s3;
	s6 =	simm.s32 @!p1 $0x1082;
	[sflag:s4] =	ssyncset.s32 $0xFFFFF086  }
0x25: {  	[simem:s6], [sflag:s4] =	dma.local [hbm:s3], $0xF7A  }
0x26: {  	[smem:$0x3F9A] =	sst s1;
	(tag) =	ssettag s2;
	_ =	strace s9  }
0x27: {  	s1 =	sld [smem:$0x3FAA]  }
0x28: {  	s2 =	sld [smem:$0x3FAB]  }
0x29: {  	s4 =	sld [smem:$0x3FAD]  }
0x2a: {  	p0 =	seq.s32 s5, $0x0;
	s5 =	sld [smem:$0x3FAE]  }
0x2b: {  	s6 =	sld [smem:$0x3FAF]  }
0x2c: {  	s7 =	sld [smem:$0x3FB0]  }
0x2d: {  	s3 =	simm.s32 $0x108;
	s8 =	sld [smem:$0x3FB1]  }
0x2e: {  	s3 =	simm.s32 @!p0 $0x1082;
	s9 =	sld [smem:$0x3FB2]  }
0x2f: {  	lr =	sadd.s32 s0, s3;
	s0 =	sld [smem:$0x3FA9]  }
0x30: {  	s3 =	sld [smem:$0x3FAC]  }
0x31: {  	[smem:$0x3FB5] =	sst s10  }
0x32: {  	s10 =	sld [smem:$0x3FB3];
	_ =	sdelay $0x3  }
0x33: {  	p0 =	seq.s32 s10, $0x1;
	s10 =	sld [smem:$0x3FB5];
	_ =	sdelay $0x3  }
0x34: {  	[smem:$0x3FB5] =	sst s10  }
0x35: {  	s10 =	sld [smem:$0x3FB4];
	_ =	sdelay $0x3  }
0x36: {  	p1 =	seq.s32 s10, $0x1;
	s10 =	sld [smem:$0x3FB5];
	_ =	sdelay $0x3  }
0x37: {  	[smem:$0x3FB5] =	sst s10  }
0x38: {  	s10 =	sld [smem:$0x3FB6]  }
0x39: {  	_ = 	snop;
	(pc) =	sbr.ind lr, $3  }
0x3a: {  	_ = 	snop  }
0x3b: {  	_ = 	snop  }
0x3c: {  	p2 =	seq.s32 s10, $0x1;
	s10 =	sld [smem:$0x3FB5]  }
0x3d: {  	_ =	shalt  }
0x3e: {  	_ =	shalt  }
0x3f: {  	_ =	shalt  }
0x40: {  	_ =	shalt  }
0x41: {  	_ =	shalt  }
0x42: {  	_ =	shalt  }
0x43: {  	_ =	shalt  }
0x44: {  	_ =	shalt  }
0x45: {  	_ =	shalt  }
0x46: {  	_ =	shalt  }
0x47: {  	_ =	shalt  }
0x48: {  	_ =	shalt  }
0x49: {  	_ =	shalt  }
0x4a: {  	_ =	shalt  }
0x4b: {  	_ =	shalt  }
0x4c: {  	_ =	shalt  }
0x4d: {  	_ =	shalt  }
0x4e: {  	_ =	shalt  }
0x4f: {  	_ =	shalt  }
0x50: {  	_ =	shalt  }
0x51: {  	_ =	shalt  }
0x52: {  	_ =	shalt  }
0x53: {  	_ =	shalt  }
0x54: {  	_ =	shalt  }
0x55: {  	_ =	shalt  }
0x56: {  	_ =	shalt  }
0x57: {  	_ =	shalt  }
0x58: {  	_ =	shalt  }
0x59: {  	_ =	shalt  }
0x5a: {  	_ =	shalt  }
0x5b: {  	_ =	shalt  }
0x5c: {  	_ =	shalt  }
0x5d: {  	_ =	shalt  }
0x5e: {  	_ =	shalt  }
0x5f: {  	_ =	shalt  }
0x60: {  	_ =	shalt  }
0x61: {  	_ =	shalt  }
0x62: {  	_ =	shalt  }
0x63: {  	_ =	shalt  }
0x64: {  	_ =	shalt  }
0x65: {  	_ =	shalt  }
0x66: {  	_ =	shalt  }
0x67: {  	_ =	shalt  }
0x68: {  	_ =	shalt  }
0x69: {  	_ =	shalt  }
0x6a: {  	_ =	shalt  }
0x6b: {  	_ =	shalt  }
0x6c: {  	_ =	shalt  }
0x6d: {  	_ =	shalt  }
0x6e: {  	_ =	shalt  }
0x6f: {  	_ =	shalt  }
0x70: {  	_ =	shalt  }
0x71: {  	_ =	shalt  }
0x72: {  	_ =	shalt  }
0x73: {  	_ =	shalt  }
0x74: {  	_ =	shalt  }
0x75: {  	_ =	shalt  }
0x76: {  	_ =	shalt  }
0x77: {  	_ =	shalt  }
0x78: {  	_ =	shalt  }
0x79: {  	_ =	shalt  }
0x7a: {  	_ =	shalt  }
0x7b: {  	_ =	shalt  }
0x7c: {  	_ =	shalt  }
0x7d: {  	_ =	shalt  }
0x7e: {  	_ =	shalt  }
0x7f: {  	_ =	shalt  }
0x80: {  	_ =	shalt  }
0x81: {  	_ =	shalt  }
0x82: {  	_ =	shalt  }
0x83: {  	_ =	shalt  }
0x84: {  	_ =	shalt  }
0x85: {  	_ =	shalt  }
0x86: {  	_ =	shalt  }
0x87: {  	_ =	shalt  }
.Lfunc_end0:
.L_simem_size_0:
called_computation_lowered:
.L_overlay_start_0:
0x88: {  	s2 =	sld [smem:$0x3FD9]  }
0x89: {  	s3 =	sld [smem:$0x3FFE];
	_ =	sdelay $0x1  }
0x8a: {  	s1 =	srdreg.scid  }
0x8b: {  	s0 =	sand.u32 $0x1, s1  }
0x8c: {  	s17 =	sshll.u32 s0, $0xA;
	s2 =	sadd.s32 s3, s2  }
0x8d: {  	s2 =	sadd.s32 s2, s17  }
0x8e: {  	[smem:$0x3FC1] =	sst s2  }
0x8f: {  	_ = 	snop  }
0x90: {  	s2 =	sld [smem:$0x3FD0];
	(tm) =	ssettm $0x1  }
0x91: {  	s18 =	sld [smem:$0x3FFB];
	_ =	sdelay $0x3  }
0x92: {  	_ =	strace s18  }
0x93: {  	s3 =	sld [smem:$0x3FFC];
	_ =	sdelay $0x3  }
0x94: {  	_ =	strace s3  }
0x95: {  	s3 =	sld [smem:$0x3FFD];
	_ =	sdelay $0x3  }
0x96: {  	_ =	strace s3  }
0x97: {  	_ =	strace $0x8FFFFFFF  }
0x98: {  	s19 =	sld [smem:$0x3FDB];
	_ =	sdelay $0x1  }
0x99: {  	s4 =	simm.s32 $_scs_section_size  }
0x9a: {  	s5 =	simm.s32 $_size__tile_overlayer_lowered;
	s6 =	simm.s32 $_tile_overlayer_lowered  }
0x9b: {  	s22 =	simm.s32 $0x1BFF;
	s21 =	sshll.u32 s6, $0x1;
	s3 =	sadd.s32 s4, s19  }
0x9c: {  	s7 =	simm.s32 $0x0;
	s20 =	sshll.u32 s5, $0x1;
	s5 =	sadd.s32 s21, s3  }
0x9d: {  	[timem:s7], [sflag:s22] =	dma.local [hbm:s5], s20  }
0x9e: {  	_ =	swait.ge [sflag:s22], s20  }
0x9f: {  	s4 =	ssub.s32 $0x0, s20;
	[sflag:s22] =	ssyncset.done $0x0  }
0xa0: {  	[sflag:s22] =	ssyncadd.s32 s4;
	_ =	sdelay $0x1  }
0xa1: {  	s23 =	simm.s32 $0x1B8B  }
0xa2: {  	_ =	swait.ge [sflag:s23], $0x1  }
0xa3: {  	[sflag:s23] =	ssyncset.done $0x0  }
0xa4: {  	s25 =	simm.s32 $0x1B8E;
	s24 =	sld [smem:$0x3FFE];
	[sflag:s23] =	ssyncadd.s32 $0xFFFFFFFF  }
0xa5: {  	s26 =	simm.s32 $execute0_lowered;
	[smem:$0x3FD2] =	sst s25  }
0xa6: {  	s5 =	sshll.u32 s26, $0x1;
	_ =	strace $0x80000046;
	[dreg:$0x1] =	wrdreg $0xFFFFFFFF  }
0xa7: {  	s28 =	simm.s32 $_size_execute0_lowered;
	s3 =	sadd.s32 s3, s5;
	[dreg:$0x0] =	wrdreg $0x0  }
0xa8: {  	s5 =	sshll.u32 s28, $0x1;
	[dreg:$0x2] =	wrdreg s3  }
0xa9: {  	[dreg:$0x3] =	wrdreg s5  }
0xaa: {  	[dreg:$0x4] =	wrdreg $0xC0  }
0xab: {  	_ =	task [dreg:s7], $0x5FFFF  }
0xac: {  	[dreg:$0x1] =	wrdreg $0xFFFFFFFF  }
0xad: {  	[dreg:$0x0] =	wrdreg $0x60  }
0xae: {  	[dreg:$0x2] =	wrdreg s2  }
0xaf: {  	[dreg:$0x3] =	wrdreg s24  }
0xb0: {  	[dreg:$0x4] =	wrdreg $0x0  }
0xb1: {  	[dreg:$0x5] =	wrdreg $0x9  }
0xb2: {  	_ =	task.clear_ibuf [dreg:s7], $0x6FFFF;
	_ =	strace $0x90000046  }
0xb3: {  	s29 =	simm.s32 $0x9;
	_ =	strace $0x80000048  }
0xb4: {  	_ =	swait.ge [sflag:s29], $0x1  }
0xb5: {  	[sflag:s29] =	ssyncadd.s32 $0xFFFFFFFF  }
0xb6: {  	_ =	strace $0x90000048  }
0xb7: {  	_ =	sfence  }
0xb8: {  	s30 =	sld [smem:$0x0];
	_ =	sdelay $0x2  }
0xb9: {  	s31 =	sshll.u32 s1, $0xD;
	s1 =	sshrl.u32 s1, $0x2  }
0xba: {  	s3 =	sand.u32 $0x4000, s31;
	s1 =	sadd.s32 s1, s30  }
0xbb: {  	s0 =	sor.u32 s3, s0;
	s1 =	sshll.u32 s1, $0x11  }
0xbc: {  	s0 =	sor.u32 s1, s0  }
0xbd: {  	s0 =	sadd.s32 $0x8F2B, s0  }
0xbe: {  	[sflag:s0] =	ssyncadd.remote.s32 $0x1  }
0xbf: {  	_ =	sfence.sel $0xFFFF  }
0xc0: {  	[dreg:$0x0] =	wrdreg $0xFFFFFFFF;
	(pc) =	sbr.abs _section_cstart, $3  }
0xc1: {  	[dreg:$0x1] =	wrdreg $0xFFFFFFFF  }
0xc2: {  	_ =	task.clear_ibuf [dreg:s7], $0x2FFFF;
	_ =	strace $0x9FFFFFFF  }
0xc3: {  	(tm) =	ssettm $0x7FFFFFFF  }
tec
execute0_lowered:
.L_overlay_start_1:
0x0: {  	(tag) =	ssettag $0x1  }
0x1: {  	s0 =	rddreg [dreg:$0x0]  }
0x2: {  	s2 =	rddreg [dreg:$0x1]  }
0x3: {  	s1 =	rddreg [dreg:$0x2];
	s4 =	srdreg.scid  }
0x4: {  	s3 =	simm.s32 $0x0;
	s7 =	stileid.u32;
	s28 =	simm.s32 $0x2810  }
0x5: {  	s29 =	simm.s32 $0x2910;
	s30 =	simm.s32 $0x2;
	s31 =	simm.s32 $0x2890  }
0x6: {  	s4 =	sand.u32 $0x1, s4;
	[smem:$0x7FF] =	sst s3;
	s7 =	smul.u32 $0x2710, s7  }
0x7: {  	s2 =	sadd.s32 $0x1800, s2;
	s5 =	ssub.s32 $0x2, s4;
	_ =	strace $0x80000047  }
0x8: {  	s11 =	smul.u32 $0x27100, s4;
	s6 =	sshrl.u32 s5, $0x1;
	s4 =	sadd.s32 s7, s1  }
0x9: {  	s12 =	sadd.s32 $0x7D0, s7;
	s15 =	sadd.s32 $0xFA0, s7;
	s16 =	sadd.s32 $0x1770, s7  }
0xa: {  	s17 =	sadd.s32 $0x1F40, s7;
	s10 =	ssub.s32 s5, s6;
	s5 =	sadd.s32 s12, s1  }
0xb: {  	s6 =	sadd.s32 s15, s1;
	s18 =	sadd.s32 s7, s11;
	s7 =	sadd.s32 s16, s1  }
0xc: {  	s8 =	sadd.s32 s17, s1;
	s12 =	sadd.s32 s11, s12;
	s22 =	sadd.s32 s11, s15  }
0xd: {  	s23 =	sadd.s32 s11, s16;
	s11 =	sadd.s32 s11, s17;
	s13 =	sshrl.u32 s18, $0x3  }
0xe: {  	s12 =	sshrl.u32 s12, $0x3;
	s16 =	sshrl.u32 s23, $0x3;
	s11 =	sshrl.u32 s11, $0x3  }
0xf: {  	s24 =	sadd.s32 $0x190, s18;
	s25 =	sadd.s32 $0x140, s18;
	s18 =	smax.u32 s10, $0x1  }
0x10: {  	s23 =	simm.s32 $0x2710;
	s10 =	simm.s32 $0x0;
	s9 =	sadd.s32 s0, s13  }
0x11: {  	s13 =	sadd.s32 s2, s13;
	s16 =	sadd.s32 s2, s16;
	s14 =	sadd.s32 $0xA, s9  }
0x12: {  	s17 =	sadd.s32 s2, s11;
	s20 =	sadd.s32 $0x14, s9;
	[dreg:$0x4] =	wrdreg s14  }
0x13: {  	s26 =	sshrl.u32 s25, $0x3;
	s21 =	sadd.s32 $0x1E, s9;
	[dreg:$0x5] =	wrdreg s20  }
.Ltmp0:
0x14: {  	s25 =	simm.s32 $0x1;
	[dreg:$0x6] =	wrdreg s21;
	(pc) =	sbr.rel .LBB2_1-.Ltmp0, $4  }
0x15: {  	s14 =	sadd.s32 s2, s12;
	s12 =	sshrl.u32 s22, $0x3;
	s20 =	sadd.s32 s26, s0  }
0x16: {  	s21 =	simm.s32 $0x2990;
	s22 =	simm.s32 $0x5;
	s26 =	simm.s32 $0x50  }
0x17: {  	s15 =	sadd.s32 s2, s12;
	s2 =	sshrl.u32 s24, $0x3;
	s24 =	simm.s32 $0x2790  }
0x18: {  	v0 =	vimm.f32 $0.0e+00;
	v1 =	vimm.f32 $1.000000000e+00;
	s19 =	sadd.s32 s2, s0;
	s0 =	simm.s32 $0x3;
	s2 =	simm.s32 $0x4  }
.LBB2_6:
0x19: {  	_ =	swait.ge [sflag:s25], $0x50  }
0x1a: {  	[sflag:s25] =	ssyncset.done $0x0  }
0x1b: {  	[sflag:s25] =	ssyncadd.s32 $0xFFFFFFB0  }
0x1c: {  	_ =	swait.ge [sflag:s0], $0x50  }
0x1d: {  	[sflag:s0] =	ssyncset.done $0x0  }
0x1e: {  	[sflag:s0] =	ssyncadd.s32 $0xFFFFFFB0  }
0x1f: {  	v2 =	vld [tilespmem:$0x2710]  }
0x20: {  	v3 =	vld [tilespmem:$0x2720]  }
0x21: {  	v4 =	vld [tilespmem:$0x2730]  }
0x22: {  	v5 =	vld [tilespmem:$0x2740]  }
0x23: {  	v7 =	vld [tilespmem:$0x2750];
	_ =	sdelay $0x1  }
0x24: {  	v6 =	vshrl.u32 v2, $0x1C;
	v8 =	vshrl.u32 v3, $0x1C  }
0x25: {  	v2 =	vand.u32 $0x3FFF, v2;
	v3 =	vand.u32 $0x3FFF, v3;
	v6 =	vmul.u32 $0x2710, v6  }
0x26: {  	v59 =	vshrl.u32 v4, $0x1C;
	v60 =	vshrl.u32 v5, $0x1C;
	v8 =	vmul.u32 $0x2710, v8  }
0x27: {  	v62 =	vshrl.u32 v7, $0x1C;
	v2 =	vadd.s32 v2, v6;
	v6 =	vmul.u32 $0x2710, v59  }
0x28: {  	v61 =	vmul.u32 $0x2710, v60;
	v3 =	vadd.s32 v3, v8;
	[tilespmem:$0x2810] =	vst v2;
	v2 =	vand.u32 $0x3FFF, v4  }
0x29: {  	v63 =	vmul.u32 $0x2710, v62;
	[tilespmem:$0x2820] =	vst v3;
	v3 =	vand.u32 $0x3FFF, v5;
	v2 =	vadd.s32 v2, v6  }
0x2a: {  	[tilespmem:$0x2830] =	vst v2;
	v2 =	vadd.s32 v3, v61;
	v3 =	vand.u32 $0x3FFF, v7  }
0x2b: {  	[tilespmem:$0x2840] =	vst v2;
	v2 =	vadd.s32 v3, v63  }
0x2c: {  	[tilespmem:$0x2850] =	vst v2  }
0x2d: {  	[spmem:s1] =	stream.indirect.scatter.add.f32 [tilespmem:s29], [sflag:$0x3], $0x1, s28, s26, $0xb8;
	[tilespmem:$0x3190] =	vst v63  }
0x2e: {  	_ =	swait.ge [sflag:s0], $0x50  }
0x2f: {  	[sflag:s0] =	ssyncset.done $0x0  }
0x30: {  	[sflag:s0] =	ssyncadd.s32 $0xFFFFFFB0  }
0x31: {  	_ =	swait.ge [sflag:s2], $0x50  }
0x32: {  	[sflag:s2] =	ssyncset.done $0x0  }
0x33: {  	[sflag:s2] =	ssyncadd.s32 $0xFFFFFFB0  }
0x34: {  	[bflag:$0x0] =	sbarrier.arrive $0xFFFF  }
0x35: {  	[tilespmem:s21], [sflag:$0x5] =	stream.linear.gather [spmem:s4], $0x7D0, $0x38;
	[tilespmem:$0x3190] =	vst v63  }
0x36: {  	_ =	swait.ge [sflag:s22], $0x7D0  }
0x37: {  	[sflag:s22] =	ssyncset.done $0x0  }
0x38: {  	[sflag:s22] =	ssyncadd.s32 $0xFFFFF830  }
0x39: {  	[hbm4b:s13+s3] =	stream.linear.scatter [tilespmem:s21], [sflag:$0x5], $0x7D0, $0x38;
	[tilespmem:$0x3190] =	vst v63  }
0x3a: {  	_ =	swait.ge [sflag:s22], $0x7D0  }
0x3b: {  	[sflag:s22] =	ssyncset.done $0x0  }
0x3c: {  	[sflag:s22] =	ssyncadd.s32 $0xFFFFF830  }
0x3d: {  	[tilespmem:s21], [sflag:$0x5] =	stream.linear.gather [spmem:s5], $0x7D0, $0x38;
	[tilespmem:$0x3190] =	vst v63  }
0x3e: {  	_ =	swait.ge [sflag:s22], $0x7D0  }
0x3f: {  	[sflag:s22] =	ssyncset.done $0x0  }
0x40: {  	[sflag:s22] =	ssyncadd.s32 $0xFFFFF830  }
0x41: {  	[hbm4b:s14+s3] =	stream.linear.scatter [tilespmem:s21], [sflag:$0x5], $0x7D0, $0x38;
	[tilespmem:$0x3190] =	vst v63  }
0x42: {  	_ =	swait.ge [sflag:s22], $0x7D0  }
0x43: {  	[sflag:s22] =	ssyncset.done $0x0  }
0x44: {  	[sflag:s22] =	ssyncadd.s32 $0xFFFFF830  }
0x45: {  	[tilespmem:s21], [sflag:$0x5] =	stream.linear.gather [spmem:s6], $0x7D0, $0x38;
	[tilespmem:$0x3190] =	vst v63  }
0x46: {  	_ =	swait.ge [sflag:s22], $0x7D0  }
0x47: {  	[sflag:s22] =	ssyncset.done $0x0  }
0x48: {  	[sflag:s22] =	ssyncadd.s32 $0xFFFFF830  }
0x49: {  	[hbm4b:s15+s3] =	stream.linear.scatter [tilespmem:s21], [sflag:$0x5], $0x7D0, $0x38;
	[tilespmem:$0x3190] =	vst v63  }
0x4a: {  	_ =	swait.ge [sflag:s22], $0x7D0  }
0x4b: {  	[sflag:s22] =	ssyncset.done $0x0  }
0x4c: {  	[sflag:s22] =	ssyncadd.s32 $0xFFFFF830  }
0x4d: {  	[tilespmem:s21], [sflag:$0x5] =	stream.linear.gather [spmem:s7], $0x7D0, $0x38;
	[tilespmem:$0x3190] =	vst v63  }
0x4e: {  	_ =	swait.ge [sflag:s22], $0x7D0  }
0x4f: {  	[sflag:s22] =	ssyncset.done $0x0  }
0x50: {  	[sflag:s22] =	ssyncadd.s32 $0xFFFFF830  }
0x51: {  	[hbm4b:s16+s3] =	stream.linear.scatter [tilespmem:s21], [sflag:$0x5], $0x7D0, $0x38;
	[tilespmem:$0x3190] =	vst v63  }
0x52: {  	_ =	swait.ge [sflag:s22], $0x7D0  }
0x53: {  	[sflag:s22] =	ssyncset.done $0x0  }
0x54: {  	[sflag:s22] =	ssyncadd.s32 $0xFFFFF830  }
0x55: {  	[tilespmem:s21], [sflag:$0x5] =	stream.linear.gather [spmem:s8], $0x7D0, $0x38;
	[tilespmem:$0x3190] =	vst v63  }
0x56: {  	s10 =	sadd.s32 $0x1, s10;
	_ =	swait.ge [sflag:s22], $0x7D0  }
0x57: {  	p0 =	sne.s32 s10, s18;
	[sflag:s22] =	ssyncset.done $0x0  }
.Ltmp1:
0x58: {  	[sflag:s22] =	ssyncadd.s32 $0xFFFFF830;
	(pc) =	sbr.rel @!p0 .LBB2_7-.Ltmp1, $4  }
0x59: {  	[hbm4b:s17+s3] =	stream.linear.scatter [tilespmem:s21], [sflag:$0x5], $0x7D0, $0x38;
	[tilespmem:$0x3190] =	vst v63  }
0x5a: {  	_ =	swait.ge [sflag:s22], $0x7D0  }
0x5b: {  	[sflag:s22] =	ssyncset.done $0x0  }
0x5c: {  	[sflag:s22] =	ssyncadd.s32 $0xFFFFF830  }
.LBB2_1:
0x5d: {  	s11 =	simm.s32 $0x40;
	s12 =	simm.s32 $0x0  }
.LBB2_2:
0x5e: {  	p0 =	sne.s32 s11, $0x1F00;
	[tilespmem:s12+$0x2990] =	vst v0;
	s12 =	smov.u32 s11;
	s11 =	sadd.s32 $0x40, s11  }
.Ltmp2:
0x5f: {  	(pc) =	sbr.rel @p0 .LBB2_2-.Ltmp2, $2  }
0x60: {  	_ =	sdelay $0x2  }
0x61: {  	s12 =	sshra.s32 s12, $0x2  }
0x62: {  	[tilespmem:s12+$0x2990] =	vst v0  }
0x63: {  	[tilespmem:$0x2910] =	vst v1  }
0x64: {  	[tilespmem:$0x2920] =	vst v1  }
0x65: {  	[tilespmem:$0x2930] =	vst v1  }
0x66: {  	[tilespmem:$0x2940] =	vst v1  }
0x67: {  	[tilespmem:$0x2950] =	vst v1  }
0x68: {  	[spmem:s4] =	stream.linear.scatter [tilespmem:s21], [sflag:$0x5], $0x7D0, $0x38;
	[tilespmem:$0x3190] =	vst v63  }
0x69: {  	_ =	swait.ge [sflag:s22], $0x7D0  }
0x6a: {  	[sflag:s22] =	ssyncset.done $0x0  }
0x6b: {  	[sflag:s22] =	ssyncadd.s32 $0xFFFFF830  }
0x6c: {  	[spmem:s5] =	stream.linear.scatter [tilespmem:s21], [sflag:$0x5], $0x7D0, $0x38;
	[tilespmem:$0x3190] =	vst v63  }
0x6d: {  	_ =	swait.ge [sflag:s22], $0x7D0  }
0x6e: {  	[sflag:s22] =	ssyncset.done $0x0  }
0x6f: {  	[sflag:s22] =	ssyncadd.s32 $0xFFFFF830  }
0x70: {  	[spmem:s6] =	stream.linear.scatter [tilespmem:s21], [sflag:$0x5], $0x7D0, $0x38;
	[tilespmem:$0x3190] =	vst v63  }
0x71: {  	_ =	swait.ge [sflag:s22], $0x7D0  }
0x72: {  	[sflag:s22] =	ssyncset.done $0x0  }
0x73: {  	[sflag:s22] =	ssyncadd.s32 $0xFFFFF830  }
0x74: {  	[spmem:s7] =	stream.linear.scatter [tilespmem:s21], [sflag:$0x5], $0x7D0, $0x38;
	[tilespmem:$0x3190] =	vst v63  }
0x75: {  	_ =	swait.ge [sflag:s22], $0x7D0  }
0x76: {  	[sflag:s22] =	ssyncset.done $0x0  }
0x77: {  	[sflag:s22] =	ssyncadd.s32 $0xFFFFF830  }
0x78: {  	[spmem:s8] =	stream.linear.scatter [tilespmem:s21], [sflag:$0x5], $0x7D0, $0x38;
	[tilespmem:$0x3190] =	vst v63  }
0x79: {  	_ =	swait.ge [sflag:s22], $0x7D0  }
0x7a: {  	[sflag:s22] =	ssyncset.done $0x0  }
0x7b: {  	[sflag:s22] =	ssyncadd.s32 $0xFFFFF830  }
0x7c: {  	s11 =	simm.s32 $0x0;
	[bflag:$0x0] =	sbarrier.arrive $0xFFFF  }
0x7d: {  	[tilespmem:s23], [sflag:$0x1] =	stream.linear.gather [hbm4b:s9+s11], $0x50, $0x38;
	[tilespmem:$0x3190] =	vst v63  }
0x7e: {  	s12 =	rddreg [dreg:$0x4]  }
0x7f: {  	[tilespmem:s24], [sflag:$0x2] =	stream.linear.gather [hbm4b:s12+s11], $0x50, $0x38;
	[tilespmem:$0x3190] =	vst v63  }
0x80: {  	_ =	swait.ge [sflag:s25], $0x50  }
0x81: {  	[sflag:s25] =	ssyncset.done $0x0  }
0x82: {  	[sflag:s25] =	ssyncadd.s32 $0xFFFFFFB0  }
0x83: {  	v2 =	vld [tilespmem:$0x2710]  }
0x84: {  	v3 =	vld [tilespmem:$0x2720]  }
0x85: {  	v4 =	vld [tilespmem:$0x2730]  }
0x86: {  	v5 =	vld [tilespmem:$0x2740]  }
0x87: {  	v7 =	vld [tilespmem:$0x2750];
	_ =	sdelay $0x1  }
0x88: {  	v6 =	vshrl.u32 v2, $0x1C;
	v8 =	vshrl.u32 v3, $0x1C  }
0x89: {  	v2 =	vand.u32 $0x3FFF, v2;
	v3 =	vand.u32 $0x3FFF, v3;
	v6 =	vmul.u32 $0x2710, v6  }
0x8a: {  	v49 =	vshrl.u32 v4, $0x1C;
	v50 =	vshrl.u32 v5, $0x1C;
	v8 =	vmul.u32 $0x2710, v8  }
0x8b: {  	v52 =	vshrl.u32 v7, $0x1C;
	v2 =	vadd.s32 v2, v6;
	v6 =	vmul.u32 $0x2710, v49  }
0x8c: {  	v51 =	vmul.u32 $0x2710, v50;
	v3 =	vadd.s32 v3, v8;
	[tilespmem:$0x2810] =	vst v2;
	v2 =	vand.u32 $0x3FFF, v4  }
0x8d: {  	v53 =	vmul.u32 $0x2710, v52;
	[tilespmem:$0x2820] =	vst v3;
	v3 =	vand.u32 $0x3FFF, v5;
	v2 =	vadd.s32 v2, v6  }
0x8e: {  	[tilespmem:$0x2830] =	vst v2;
	v2 =	vadd.s32 v3, v51;
	v3 =	vand.u32 $0x3FFF, v7  }
0x8f: {  	[tilespmem:$0x2840] =	vst v2;
	v2 =	vadd.s32 v3, v53  }
0x90: {  	[tilespmem:$0x2850] =	vst v2  }
0x91: {  	[spmem:s1] =	stream.indirect.scatter.add.f32 [tilespmem:s29], [sflag:$0x3], $0x1, s28, s26, $0xb8;
	[tilespmem:$0x3190] =	vst v63  }
0x92: {  	s12 =	rddreg [dreg:$0x5]  }
0x93: {  	[tilespmem:s23], [sflag:$0x1] =	stream.linear.gather [hbm4b:s12+s11], $0x50, $0x38;
	[tilespmem:$0x3190] =	vst v63  }
0x94: {  	_ =	swait.ge [sflag:s30], $0x50  }
0x95: {  	[sflag:s30] =	ssyncset.done $0x0  }
0x96: {  	[sflag:s30] =	ssyncadd.s32 $0xFFFFFFB0  }
0x97: {  	v2 =	vld [tilespmem:$0x2790]  }
0x98: {  	v3 =	vld [tilespmem:$0x27A0]  }
0x99: {  	v54 =	vld [tilespmem:$0x27B0]  }
0x9a: {  	v55 =	vld [tilespmem:$0x27C0]  }
0x9b: {  	v57 =	vld [tilespmem:$0x27D0];
	_ =	sdelay $0x1  }
0x9c: {  	v56 =	vshrl.u32 v2, $0x1C;
	v58 =	vshrl.u32 v3, $0x1C  }
0x9d: {  	v2 =	vand.u32 $0x3FFF, v2;
	v3 =	vand.u32 $0x3FFF, v3;
	v6 =	vmul.u32 $0x2710, v56  }
0x9e: {  	v59 =	vshrl.u32 v54, $0x1C;
	v60 =	vshrl.u32 v55, $0x1C;
	v8 =	vmul.u32 $0x2710, v58  }
0x9f: {  	v62 =	vshrl.u32 v57, $0x1C;
	v2 =	vadd.s32 v2, v6;
	v6 =	vmul.u32 $0x2710, v59  }
0xa0: {  	v61 =	vmul.u32 $0x2710, v60;
	v3 =	vadd.s32 v3, v8;
	[tilespmem:$0x2890] =	vst v2;
	v2 =	vand.u32 $0x3FFF, v54  }
0xa1: {  	v63 =	vmul.u32 $0x2710, v62;
	[tilespmem:$0x28A0] =	vst v3;
	v3 =	vand.u32 $0x3FFF, v55;
	v2 =	vadd.s32 v2, v6  }
0xa2: {  	[tilespmem:$0x28B0] =	vst v2;
	v2 =	vadd.s32 v3, v61;
	v3 =	vand.u32 $0x3FFF, v57  }
0xa3: {  	[tilespmem:$0x28C0] =	vst v2;
	v2 =	vadd.s32 v3, v63  }
0xa4: {  	[tilespmem:$0x28D0] =	vst v2  }
0xa5: {  	[spmem:s1] =	stream.indirect.scatter.add.f32 [tilespmem:s29], [sflag:$0x4], $0x1, s31, s26, $0xb8;
	[tilespmem:$0x3190] =	vst v63  }
0xa6: {  	s12 =	rddreg [dreg:$0x6]  }
0xa7: {  	[tilespmem:s24], [sflag:$0x2] =	stream.linear.gather [hbm4b:s12+s11], $0x50, $0x38;
	[tilespmem:$0x3190] =	vst v63  }
.LBB2_4:
0xa8: {  	_ =	swait.ge [sflag:s25], $0x50  }
0xa9: {  	[sflag:s25] =	ssyncset.done $0x0  }
0xaa: {  	[sflag:s25] =	ssyncadd.s32 $0xFFFFFFB0  }
0xab: {  	_ =	swait.ge [sflag:s0], $0x50  }
0xac: {  	[sflag:s0] =	ssyncset.done $0x0  }
0xad: {  	[sflag:s0] =	ssyncadd.s32 $0xFFFFFFB0  }
0xae: {  	v2 =	vld [tilespmem:$0x2710]  }
0xaf: {  	v3 =	vld [tilespmem:$0x2720]  }
0xb0: {  	v4 =	vld [tilespmem:$0x2730]  }
0xb1: {  	v5 =	vld [tilespmem:$0x2740]  }
0xb2: {  	v7 =	vld [tilespmem:$0x2750];
	_ =	sdelay $0x1  }
0xb3: {  	v6 =	vshrl.u32 v2, $0x1C;
	v8 =	vshrl.u32 v3, $0x1C  }
0xb4: {  	v2 =	vand.u32 $0x3FFF, v2;
	v3 =	vand.u32 $0x3FFF, v3;
	v6 =	vmul.u32 $0x2710, v6  }
0xb5: {  	v49 =	vshrl.u32 v4, $0x1C;
	v50 =	vshrl.u32 v5, $0x1C;
	v8 =	vmul.u32 $0x2710, v8  }
0xb6: {  	v52 =	vshrl.u32 v7, $0x1C;
	v2 =	vadd.s32 v2, v6;
	v6 =	vmul.u32 $0x2710, v49  }
0xb7: {  	v51 =	vmul.u32 $0x2710, v50;
	v3 =	vadd.s32 v3, v8;
	[tilespmem:$0x2810] =	vst v2;
	v2 =	vand.u32 $0x3FFF, v4  }
0xb8: {  	v53 =	vmul.u32 $0x2710, v52;
	[tilespmem:$0x2820] =	vst v3;
	v3 =	vand.u32 $0x3FFF, v5;
	v2 =	vadd.s32 v2, v6  }
0xb9: {  	[tilespmem:$0x2830] =	vst v2;
	v2 =	vadd.s32 v3, v51;
	v3 =	vand.u32 $0x3FFF, v7  }
0xba: {  	[tilespmem:$0x2840] =	vst v2;
	v2 =	vadd.s32 v3, v53  }
0xbb: {  	[tilespmem:$0x2850] =	vst v2  }
0xbc: {  	[spmem:s1] =	stream.indirect.scatter.add.f32 [tilespmem:s29], [sflag:$0x3], $0x1, s28, s26, $0xb8;
	[tilespmem:$0x3190] =	vst v63  }
0xbd: {  	s12 =	sadd.s32 s11, s20  }
0xbe: {  	[tilespmem:s23], [sflag:$0x1] =	stream.linear.gather [hbm4b:s12+s3], $0x50, $0x38;
	[tilespmem:$0x3190] =	vst v63  }
0xbf: {  	_ =	swait.ge [sflag:s30], $0x50  }
0xc0: {  	[sflag:s30] =	ssyncset.done $0x0  }
0xc1: {  	[sflag:s30] =	ssyncadd.s32 $0xFFFFFFB0  }
0xc2: {  	_ =	swait.ge [sflag:s2], $0x50  }
0xc3: {  	[sflag:s2] =	ssyncset.done $0x0  }
0xc4: {  	[sflag:s2] =	ssyncadd.s32 $0xFFFFFFB0  }
0xc5: {  	v2 =	vld [tilespmem:$0x2790]  }
0xc6: {  	v3 =	vld [tilespmem:$0x27A0]  }
0xc7: {  	v54 =	vld [tilespmem:$0x27B0]  }
0xc8: {  	v55 =	vld [tilespmem:$0x27C0]  }
0xc9: {  	v57 =	vld [tilespmem:$0x27D0];
	_ =	sdelay $0x1  }
0xca: {  	v56 =	vshrl.u32 v2, $0x1C;
	v58 =	vshrl.u32 v3, $0x1C  }
0xcb: {  	v2 =	vand.u32 $0x3FFF, v2;
	v3 =	vand.u32 $0x3FFF, v3;
	v6 =	vmul.u32 $0x2710, v56  }
0xcc: {  	v59 =	vshrl.u32 v54, $0x1C;
	v60 =	vshrl.u32 v55, $0x1C;
	v8 =	vmul.u32 $0x2710, v58  }
0xcd: {  	v62 =	vshrl.u32 v57, $0x1C;
	v2 =	vadd.s32 v2, v6;
	v6 =	vmul.u32 $0x2710, v59  }
0xce: {  	p0 =	seq.s32 s11, $0x4B0;
	v61 =	vmul.u32 $0x2710, v60;
	v3 =	vadd.s32 v3, v8;
	[tilespmem:$0x2890] =	vst v2;
	v2 =	vand.u32 $0x3FFF, v54  }
.Ltmp3:
0xcf: {  	v63 =	vmul.u32 $0x2710, v62;
	[tilespmem:$0x28A0] =	vst v3;
	v3 =	vand.u32 $0x3FFF, v55;
	v2 =	vadd.s32 v2, v6;
	(pc) =	sbr.rel @p0 .LBB2_6-.Ltmp3, $4  }
0xd0: {  	[tilespmem:$0x28B0] =	vst v2;
	v2 =	vadd.s32 v3, v61;
	v3 =	vand.u32 $0x3FFF, v57  }
0xd1: {  	[tilespmem:$0x28C0] =	vst v2;
	v2 =	vadd.s32 v3, v63  }
0xd2: {  	[tilespmem:$0x28D0] =	vst v2  }
0xd3: {  	[spmem:s1] =	stream.indirect.scatter.add.f32 [tilespmem:s29], [sflag:$0x4], $0x1, s31, s26, $0xb8;
	[tilespmem:$0x3190] =	vst v63  }
.Ltmp4:
0xd4: {  	(pc) =	sbr.rel .LBB2_4-.Ltmp4, $3  }
0xd5: {  	_ =	sdelay $0x1  }
0xd6: {  	s12 =	sadd.s32 s11, s19;
	s11 =	sadd.s32 $0x14, s11  }
0xd7: {  	[tilespmem:s24], [sflag:$0x2] =	stream.linear.gather [hbm4b:s12+s3], $0x50, $0x38;
	[tilespmem:$0x3190] =	vst v63  }
.LBB2_7:
0xd8: {  	_ =	sfence.sel $0x180000  }
0xd9: {  	[bflag:$0x0] =	sbarrier.arrive $0xFFFF  }
0xda: {  	_ =	strace $0x90000047  }
0xdb: {  	s0 =	stileid.u32;
	[bflag:$0x2] =	sbarrier.arrive $0xFFFF  }
0xdc: {  	p0 =	sne.s32 s0, $0x0;
	s0 =	rddreg [dreg:$0x3]  }
0xdd: {  	s0 =	sadd.s32 @!p0 $0x100000, s0  }
0xde: {  	[sflag:s0] =	ssyncadd.tile.s32 @!p0 $0x1;
	_ =	shalt  }
.Lfunc_end2:
_tile_overlayer_lowered:
.L_overlay_start_2:
0xdf: {  	(tag) =	ssettag $0x2  }
0xe0: {  	s0 =	rddreg [dreg:$0x0];
	s2 =	stileid.u32  }
0xe1: {  	s1 =	rddreg [dreg:$0x1];
	p0 =	sne.s32 s2, $0x0  }
0xe2: {  	s3 =	rddreg [dreg:$0x2];
	[bflag:$0x3] =	sbarrier.arrive $0xFFFF;
	s2 =	simm.s32 @!p0 $0x1C05  }
0xe3: {  	[timem:s3], [sflag:s2] =	dma.local @!p0 [hbm:s0], s1  }
0xe4: {  	s0 =	simm.s32 @!p0 $0x5  }
0xe5: {  	_ =	swait.ge @!p0 [sflag:s0], s1  }
0xe6: {  	s1 =	ssub.s32 @!p0 $0x0, s1;
	[sflag:s0] =	ssyncset.done @!p0 $0x0  }
0xe7: {  	[sflag:s0] =	ssyncadd.s32 @!p0 s1  }
0xe8: {  	[bflag:$0x3] =	sbarrier.arrive $0xFFFF  }
0xe9: {  	_ =	shalt  }

</sc_bundles>
